<compile_context>
chip_gen: v7x
topology: tpu7x:2x2x1
jax: 0.10.2.dev20260603
libtpu: 0.0.44.dev20260713+nightly
codegen_flags: <defaults>
</compile_context>

<pallas_src>
import functools

import jax
import jax.numpy as jnp
from jax import lax
from jax.experimental import pallas as pl
from jax.experimental.pallas import tpu as pltpu
from jax.experimental.pallas import tpu_sc as plsc

NV = 1_000_000
NT = 2_000_000
NVAL2 = 1_002_048 + 512
NSEL = 500_000
NPAD = 1 << 20
NC, NSUB = 2, 16
NW = NC * NSUB
NSEL_PAD = 500_736
TRI_PER_TILE = NSEL_PAD // NW
K1_CHUNK = TRI_PER_TILE // 3
FL_PER_TILE = NPAD // NW
S2 = 2048
TAIL = 576
VSEG = S2 + 8

_mesh = plsc.VectorSubcoreMesh(
    core_axis_name="c", subcore_axis_name="s", num_cores=NC, num_subcores=NSUB
)

_i32 = jnp.int32
_params = pltpu.CompilerParams(needs_layout_passes=False)


def _wid():
    return lax.axis_index("s") * NC + lax.axis_index("c")


@functools.partial(
    pl.kernel,
    out_type=(
        jax.ShapeDtypeStruct((NPAD,), _i32),
        jax.ShapeDtypeStruct((NPAD,), _i32),
    ),
    mesh=_mesh,
    compiler_params=_params,
    scratch_types=[
        pltpu.VMEM((K1_CHUNK,), _i32),
        pltpu.VMEM((K1_CHUNK,), _i32),
        pltpu.VMEM((K1_CHUNK,), _i32),
        pltpu.VMEM((K1_CHUNK,), _i32),
        pltpu.VMEM((K1_CHUNK,), _i32),
        pltpu.VMEM((K1_CHUNK,), _i32),
        pltpu.VMEM((K1_CHUNK,), _i32),
        pltpu.VMEM((K1_CHUNK,), _i32),
        pltpu.VMEM((K1_CHUNK,), _i32),
        pltpu.VMEM((4096,), _i32),
        pltpu.VMEM_SHARED((NPAD,), _i32),
        pltpu.SemaphoreType.DMA,
        pltpu.SemaphoreType.DMA,
        pltpu.SemaphoreType.DMA,
        pltpu.SemaphoreType.DMA,
        pltpu.SemaphoreType.DMA,
        pltpu.SemaphoreType.DMA,
    ],
)
def _k1(tri0, tri1, tri2, tri_idx_p, f0, f1, tbA, tbB,
        g0A, g0B, g1A, g1B, g2A, g2B,
        ones, zbuf, fsp, ga, gb, gc, sa, sb, sc):
    tbufs = (tbA, tbB)
    tris = (tri0, tri1, tri2)
    gbufs = ((g0A, g1A, g2A), (g0B, g1B, g2B))
    c = lax.axis_index("c")
    s = lax.axis_index("s")
    wid = s * NC + c
    gsems = (ga, gb, gc)
    ssems = (sa, sb, sc)
    NCHUNK = TRI_PER_TILE // K1_CHUNK

    def fill1(i, _):
        ones[pl.ds(i * 16, 16)] = jnp.full((16,), 1, _i32)
        return 0

    lax.fori_loop(0, K1_CHUNK // 16, fill1, 0)

    def fillz(i, _):
        zbuf[pl.ds(i * 16, 16)] = jnp.zeros((16,), _i32)
        return 0

    lax.fori_loop(0, 256, fillz, 0)

    base = wid * TRI_PER_TILE

    def fetch(k, p):
        tb = tbufs[p]
        pltpu.sync_copy(tri_idx_p.at[pl.ds(base + k * K1_CHUNK, K1_CHUNK)], tb)
        return tuple(pltpu.async_copy(tris[m].at[tb], gbufs[p][m], gsems[m])
                     for m in range(3))

    def scat(p):
        return (pltpu.async_copy(ones, fsp.at[gbufs[p][0]], ssems[0]),
                pltpu.async_copy(ones, fsp.at[gbufs[p][1]], ssems[1]),
                pltpu.async_copy(ones, fsp.at[gbufs[p][2]], ssems[2]))

    g_in = fetch(0, 0)
    zslice = NPAD // NSUB

    def z(i, _):
        pltpu.sync_copy(zbuf, fsp.at[pl.ds(s * zslice + i * 4096, 4096)])
        return 0

    lax.fori_loop(0, zslice // 4096, z, 0)
    plsc.subcore_barrier()

    s_in = None
    for k in range(NCHUNK):
        p = k % 2
        for d in g_in:
            d.wait()
        if s_in is not None:
            for d in s_in:
                d.wait()
        s_in = scat(p)
        if k + 1 < NCHUNK:
            g_in = fetch(k + 1, 1 - p)
    for d in s_in:
        d.wait()
    plsc.subcore_barrier()

    @pl.when(c == 0)
    def _():
        pltpu.sync_copy(fsp.at[pl.ds(s * zslice, zslice)],
                        f0.at[pl.ds(s * zslice, zslice)])

    @pl.when(c == 1)
    def _():
        pltpu.sync_copy(fsp.at[pl.ds(s * zslice, zslice)],
                        f1.at[pl.ds(s * zslice, zslice)])


@functools.partial(
    pl.kernel,
    out_type=(
        jax.ShapeDtypeStruct((NW, 16), _i32),
        jax.ShapeDtypeStruct((NPAD,), _i32),
        jax.ShapeDtypeStruct((NW, 64), _i32),
    ),
    mesh=_mesh,
    compiler_params=_params,
    scratch_types=[
        pltpu.VMEM((2048,), _i32),
        pltpu.VMEM((2048,), _i32),
        pltpu.VMEM((2048,), _i32),
        pltpu.VMEM((64,), _i32),
        pltpu.VMEM((16,), _i32),
    ],
)
def _k2a(f0, f1, sums, flor, gcnt, fa, fb, fo, cb, sb):
    wid = _wid()
    base = wid * FL_PER_TILE

    iota16 = lax.iota(_i32, 16)

    def blk(i, carry):
        accv, cvec = carry
        pltpu.sync_copy(f0.at[pl.ds(base + i * 2048, 2048)], fa)
        pltpu.sync_copy(f1.at[pl.ds(base + i * 2048, 2048)], fb)
        for q in range(4):
            def inner(j, a):
                v = fa[pl.ds(q * 512 + j * 16, 16)] | fb[pl.ds(q * 512 + j * 16, 16)]
                fo[pl.ds(q * 512 + j * 16, 16)] = v
                return a + v

            acc2 = lax.fori_loop(0, 32, inner, jnp.zeros((16,), _i32))
            cnt = jnp.sum(acc2)
            lane = (i * 4 + q) % 16
            cvec = cvec + jnp.where(iota16 == lane, cnt, 0)
            accv = accv + acc2
        pltpu.sync_copy(fo, flor.at[pl.ds(base + i * 2048, 2048)])
        flushed = (i % 4) == 3

        @pl.when(flushed)
        def _():
            cb[pl.ds((i // 4) * 16, 16)] = cvec

        cvec = jnp.where(flushed, jnp.zeros((16,), _i32), cvec)
        return accv, cvec

    accv, _unused = lax.fori_loop(
        0, FL_PER_TILE // 2048, blk,
        (jnp.zeros((16,), _i32), jnp.zeros((16,), _i32)))
    tot = jnp.sum(accv)
    sb[pl.ds(0, 16)] = jnp.broadcast_to(tot, (16,))
    pltpu.sync_copy(sb, sums.at[wid])
    pltpu.sync_copy(cb, gcnt.at[wid])


@functools.partial(
    pl.kernel,
    out_type=jax.ShapeDtypeStruct((3 * NV,), jnp.float32),
    mesh=_mesh,
    compiler_params=_params,
    scratch_types=[
        pltpu.VMEM((NW, 16), _i32),
        pltpu.VMEM((64,), _i32),
        pltpu.VMEM((80,), _i32),
        pltpu.VMEM((S2,), _i32),
        pltpu.VMEM((3 * VSEG,), jnp.float32),
        pltpu.VMEM((3 * S2,), jnp.float32),
        pltpu.SemaphoreType.DMA,
        pltpu.SemaphoreType.DMA,
        pltpu.SemaphoreType.DMA,
    ],
)
def _k2c(flor, sums, gcnt, val0, val1, val2, out_p,
         svmem, gcv, pb, fla, vbuf, outb, sa, sb_, sc_):
    vals = (val0, val1, val2)
    wid = _wid()
    pltpu.sync_copy(sums, svmem)
    pltpu.sync_copy(gcnt.at[wid], gcv)
    iota = lax.iota(_i32, 16)
    zeros16 = jnp.zeros((16,), _i32)
    clo = plsc.load_gather(svmem, [iota, zeros16])
    chi = plsc.load_gather(svmem, [iota + 16, zeros16])
    off = (jnp.sum(jnp.where(iota < jnp.minimum(wid, 16), clo, 0))
           + jnp.sum(jnp.where(iota < wid - 16, chi, 0)))

    carry = off
    for q in range(4):
        v = gcv[pl.ds(q * 16, 16)]
        inc = plsc.cumsum(v)
        pb[pl.ds(q * 16, 16)] = (inc - v) + carry
        carry = carry + jnp.sum(v)

    base_v = wid * FL_PER_TILE
    sems = (sa, sb_, sc_)

    def do_sub(k, groups):
        S = sum(groups)
        v0 = base_v + k * S2
        pbv = pb[pl.ds(k * 4, 16)]
        cum = pbv[0]
        pltpu.sync_copy(flor.at[pl.ds(v0, S)], fla.at[pl.ds(0, S)])
        st8 = pl.multiple_of(cum & jnp.int32(-8), 8)
        dw = [pltpu.async_copy(vals[m].at[pl.ds(st8, S + 8)],
                               vbuf.at[pl.ds(m * VSEG, S + 8)], sems[m])
              for m in range(3)]
        for d in dw:
            d.wait()

        def opass(i, lbs):
            nlbs = []
            for q, gs in enumerate(groups):
                lb = lbs[q]
                f = fla[pl.ds(q * 512 + i * 16, 16)]
                msk = f > 0
                for m in range(3):
                    g = plsc.load_expanded(vbuf.at[pl.ds(m * VSEG + lb, 16)],
                                           mask=msk)
                    outb[pl.ds(m * S2 + q * 512 + i * 16, 16)] = (
                        jnp.where(msk, g, 0.0))
                nlbs.append(lb + jnp.sum(f))
            return tuple(nlbs)

        lbs0 = tuple(pbv[q] - st8 for q in range(len(groups)))
        niter = max(gs for gs in groups) // 16
        if len(set(groups)) == 1:
            lax.fori_loop(0, niter, opass, lbs0)
        else:
            for q, gs in enumerate(groups):
                def one(i, lb, q=q):
                    f = fla[pl.ds(q * 512 + i * 16, 16)]
                    msk = f > 0
                    for m in range(3):
                        g = plsc.load_expanded(
                            vbuf.at[pl.ds(m * VSEG + lb, 16)], mask=msk)
                        outb[pl.ds(m * S2 + q * 512 + i * 16, 16)] = (
                            jnp.where(msk, g, 0.0))
                    return lb + jnp.sum(f)

                lax.fori_loop(0, gs // 16, one, lbs0[q])
        do = [pltpu.async_copy(outb.at[pl.ds(m * S2, S)],
                               out_p.at[pl.ds(3 * 0 + m * NV + v0, S)], sems[m])
              for m in range(3)]
        for d in do:
            d.wait()

    nfull = jnp.clip((NV - base_v) // S2, 0, FL_PER_TILE // S2)

    def mainb(k, _):
        do_sub(k, [512, 512, 512, 512])
        return 0

    lax.fori_loop(0, nfull, mainb, 0)

    @pl.when((nfull < FL_PER_TILE // S2) & (base_v + nfull * S2 < NV))
    def _():
        do_sub(nfull, [512, 64])


def kernel(vertices, triangles, tri_idx, values):
    tri0, tri1, tri2 = (triangles[:, m] for m in range(3))
    val0, val1, val2 = (values[:NVAL2, m] for m in range(3))
    pad = jnp.broadcast_to(tri_idx[:1], (NSEL_PAD - NSEL,))
    tri_idx_p = jnp.concatenate([tri_idx, pad])
    f0, f1 = _k1(tri0, tri1, tri2, tri_idx_p)
    sums, flor, gcnt = _k2a(f0, f1)
    delta_p = _k2c(flor, sums, gcnt, val0, val1, val2)
    return vertices + delta_p.reshape(3, NV).T

# --- scband reference (transcript-rebuilt; emitter-appended) ---
"""Pipeline reference for scband-triangle-mesh-10428180594918 (READ-ONLY COPY).

The authoritative reference and input builder live on the scoring server;
editing this copy changes nothing except your own understanding.
"""

import jax, jax.numpy as jnp
import numpy as np

NUM_VERTICES = 1_000_000
NUM_TRIANGLES = 2_000_000
N_SEL = 500_000


def setup_inputs(seed: int = 0) -> dict:
    key = jax.random.key(seed)
    k1, k2, k3, k4 = jax.random.split(key, 4)
    vertices = jax.random.normal(k1, (NUM_VERTICES, 3), dtype=jnp.float32)
    triangles = jax.random.randint(k2, (NUM_TRIANGLES, 3), 0, NUM_VERTICES, dtype=jnp.int32)
    tri_idx = jax.random.randint(k3, (N_SEL,), 0, NUM_TRIANGLES, dtype=jnp.int32)
    values = jax.random.normal(k4, (N_SEL * 3, 3), dtype=jnp.float32)
    return {"vertices": vertices, "triangles": triangles, "tri_idx": tri_idx, "values": values}


def reference(vertices, triangles, tri_idx, values):
    # Faithful translation of TriangleMesh.update_vertices[tri_idx].add(values):
    # _TriangleMeshVerticesUpdateRef._triangles_index:
    #   gather the vertex indices of the selected triangles, flatten,
    #   then unique with padding using fill_value = num_vertices (out of bounds -> dropped on scatter)
    index = triangles.at[tri_idx, :].get().reshape(-1)
    index = jnp.unique(index, size=index.shape[0], fill_value=vertices.shape[0])
    # _TriangleMeshVerticesUpdateRef.add: scatter-add into the vertex array
    new_vertices = vertices.at[index, :].add(
        values, indices_are_sorted=True, unique_indices=True
    )
    return new_vertices

if __name__ == "__main__":
    import jax
    _d = setup_inputs()
    print(jax.jit(kernel)(*tuple(_d.values())))

</pallas_src>

<mosaic_0001>
#map = affine_map<(d0, d1) -> (0)>
#map1 = affine_map<(d0, d1) -> (0, 0)>
module attributes {stable_mosaic.version = 14 : i64} {
  func.func @_k2a(%arg0: i32, %arg1: i32, %arg2: memref<1048576xi32, #tpu.memory_space<hbm>>, %arg3: memref<1048576xi32, #tpu.memory_space<hbm>>, %arg4: memref<32x16xi32, #tpu.memory_space<hbm>>, %arg5: memref<1048576xi32, #tpu.memory_space<hbm>>, %arg6: memref<32x64xi32, #tpu.memory_space<hbm>>, %arg7: memref<2048xi32, #tpu.memory_space<vmem>>, %arg8: memref<2048xi32, #tpu.memory_space<vmem>>, %arg9: memref<2048xi32, #tpu.memory_space<vmem>>, %arg10: memref<64xi32, #tpu.memory_space<vmem>>, %arg11: memref<16xi32, #tpu.memory_space<vmem>>) attributes {dimension_semantics = [#tpu.dimension_semantics<core_parallel>, #tpu.dimension_semantics<subcore_parallel>], iteration_bounds = array<i64: 2, 16>, scalar_prefetch = 0 : i64, scratch_operands = 5 : i64, tpu.core_type = #tpu.core_type<sc_vector_subcore>, window_params = [{transform_indices = #map}, {transform_indices = #map}, {transform_indices = #map1}, {transform_indices = #map}, {transform_indices = #map1}]} {
    %mul3A = arith.constant 2 : i32
    %mul3A_0 = arith.muli %arg1, %mul3A : i32
    %add3A = arith.addi %mul3A_0, %arg0 : i32
    %mul3A_1 = arith.constant 32768 : i32
    %mul3A_2 = arith.muli %add3A, %mul3A_1 : i32
    %iota3A = tpu.iota {dimensions = array<i32: 0>} : vector<16xi32>
    %broadcast_in_dim3A = arith.constant 0 : i32
    %broadcast_in_dim3A_3 = vector.broadcast %broadcast_in_dim3A : i32 to vector<16xi32>
    %broadcast_in_dim3A_4 = arith.constant 0 : i32
    %broadcast_in_dim3A_5 = vector.broadcast %broadcast_in_dim3A_4 : i32 to vector<16xi32>
    %scan3A = arith.constant 0 : i32
    %scan3A_6 = arith.constant 16 : i32
    %scan3A_7 = arith.addi %scan3A, %scan3A_6 : i32
    %scan3A_8 = arith.constant 1 : i32
    %scan3A_9:2 = scf.for %scan3A_16 = %scan3A to %scan3A_7 step %scan3A_8 iter_args(%scan3A_17 = %broadcast_in_dim3A_3, %scan3A_18 = %broadcast_in_dim3A_5) -> (vector<16xi32>, vector<16xi32>)  : i32 {
      %mul3A_19 = arith.constant 2048 : i32
      %mul3A_20 = arith.muli %scan3A_16, %mul3A_19 : i32
      %add3A_21 = arith.addi %mul3A_2, %mul3A_20 : i32
      "tpu.region"() ({
        %run_scoped3A = tpu.sem_alloc : memref<!tpu.dma_semaphore, #tpu.memory_space<semaphore_mem>>
        %dma_start3A = tpu.memref_slice %arg2[%add3A_21] : memref<1048576xi32, #tpu.memory_space<hbm>> -> memref<2048xi32, #tpu.memory_space<hbm>>
        %dma_start3A_203 = tpu.memref_slice %arg2[%add3A_21] : memref<1048576xi32, #tpu.memory_space<hbm>> -> memref<2048xi32, #tpu.memory_space<hbm>>
        tpu.enqueue_dma source(%dma_start3A_203 : memref<2048xi32, #tpu.memory_space<hbm>>) target(%arg7 : memref<2048xi32, #tpu.memory_space<vmem>>) target_semaphore(%run_scoped3A : memref<!tpu.dma_semaphore, #tpu.memory_space<semaphore_mem>>)
        %dma_wait3A = tpu.memref_slice %arg2[%add3A_21] : memref<1048576xi32, #tpu.memory_space<hbm>> -> memref<2048xi32, #tpu.memory_space<hbm>>
        %dma_wait3A_204 = tpu.memref_slice %arg2[%add3A_21] : memref<1048576xi32, #tpu.memory_space<hbm>> -> memref<2048xi32, #tpu.memory_space<hbm>>
        tpu.wait_dma2 semaphore(%run_scoped3A : memref<!tpu.dma_semaphore, #tpu.memory_space<semaphore_mem>>) src(%dma_wait3A_204 : memref<2048xi32, #tpu.memory_space<hbm>>) dst(%arg7 : memref<2048xi32, #tpu.memory_space<vmem>>)
        tpu.yield
      }) : () -> ()
      %mul3A_22 = arith.constant 2048 : i32
      %mul3A_23 = arith.muli %scan3A_16, %mul3A_22 : i32
      %add3A_24 = arith.addi %mul3A_2, %mul3A_23 : i32
      "tpu.region"() ({
        %run_scoped3A = tpu.sem_alloc : memref<!tpu.dma_semaphore, #tpu.memory_space<semaphore_mem>>
        %dma_start3A = tpu.memref_slice %arg3[%add3A_24] : memref<1048576xi32, #tpu.memory_space<hbm>> -> memref<2048xi32, #tpu.memory_space<hbm>>
        %dma_start3A_203 = tpu.memref_slice %arg3[%add3A_24] : memref<1048576xi32, #tpu.memory_space<hbm>> -> memref<2048xi32, #tpu.memory_space<hbm>>
        tpu.enqueue_dma source(%dma_start3A_203 : memref<2048xi32, #tpu.memory_space<hbm>>) target(%arg8 : memref<2048xi32, #tpu.memory_space<vmem>>) target_semaphore(%run_scoped3A : memref<!tpu.dma_semaphore, #tpu.memory_space<semaphore_mem>>)
        %dma_wait3A = tpu.memref_slice %arg3[%add3A_24] : memref<1048576xi32, #tpu.memory_space<hbm>> -> memref<2048xi32, #tpu.memory_space<hbm>>
        %dma_wait3A_204 = tpu.memref_slice %arg3[%add3A_24] : memref<1048576xi32, #tpu.memory_space<hbm>> -> memref<2048xi32, #tpu.memory_space<hbm>>
        tpu.wait_dma2 semaphore(%run_scoped3A : memref<!tpu.dma_semaphore, #tpu.memory_space<semaphore_mem>>) src(%dma_wait3A_204 : memref<2048xi32, #tpu.memory_space<hbm>>) dst(%arg8 : memref<2048xi32, #tpu.memory_space<vmem>>)
        tpu.yield
      }) : () -> ()
      %broadcast_in_dim3A_25 = arith.constant 0 : i32
      %broadcast_in_dim3A_26 = vector.broadcast %broadcast_in_dim3A_25 : i32 to vector<16xi32>
      %scan3A_27 = arith.constant 0 : i32
      %scan3A_28 = arith.constant 32 : i32
      %scan3A_29 = arith.addi %scan3A_27, %scan3A_28 : i32
      %scan3A_30 = arith.constant 1 : i32
      %scan3A_31 = scf.for %scan3A_203 = %scan3A_27 to %scan3A_29 step %scan3A_30 iter_args(%scan3A_204 = %broadcast_in_dim3A_26) -> (vector<16xi32>)  : i32 {
        %mul3A_205 = arith.constant 16 : i32
        %mul3A_206 = arith.muli %scan3A_203, %mul3A_205 : i32
        %add3A_207 = arith.constant 0 : i32
        %add3A_208 = arith.addi %add3A_207, %mul3A_206 : i32
        %get3A = arith.index_cast %add3A_208 : i32 to index
        %get3A_209 = tpu.vector_load %arg7[%get3A] {strides = array<i32>} : memref<2048xi32, #tpu.memory_space<vmem>>, vector<16xi32>,
        %mul3A_210 = arith.constant 16 : i32
        %mul3A_211 = arith.muli %scan3A_203, %mul3A_210 : i32
        %add3A_212 = arith.constant 0 : i32
        %add3A_213 = arith.addi %add3A_212, %mul3A_211 : i32
        %get3A_214 = arith.index_cast %add3A_213 : i32 to index
        %get3A_215 = tpu.vector_load %arg8[%get3A_214] {strides = array<i32>} : memref<2048xi32, #tpu.memory_space<vmem>>, vector<16xi32>,
        %or3A = arith.ori %get3A_209, %get3A_215 : vector<16xi32>
        %mul3A_216 = arith.constant 16 : i32
        %mul3A_217 = arith.muli %scan3A_203, %mul3A_216 : i32
        %add3A_218 = arith.constant 0 : i32
        %add3A_219 = arith.addi %add3A_218, %mul3A_217 : i32
        %swap3A_220 = arith.index_cast %add3A_219 : i32 to index
        %swap3A_221 = tpu.vector_load %arg9[%swap3A_220] {strides = array<i32>} : memref<2048xi32, #tpu.memory_space<vmem>>, vector<16xi32>,
        tpu.vector_store %arg9[%swap3A_220], %or3A {strides = array<i32>} : memref<2048xi32, #tpu.memory_space<vmem>>, vector<16xi32>,
        %add3A_222 = arith.addi %scan3A_204, %or3A : vector<16xi32>
        scf.yield %add3A_222 : vector<16xi32>
      }
      %scan3A_32 = arith.constant 32 : i32
      %reduce_sum3A_33 = arith.constant true
      %reduce_sum3A_34 = vector.broadcast %reduce_sum3A_33 : i1 to vector<16xi1>
      %reduce_sum3A_35 = tpu.scan <sum>, %scan3A_31 masked %reduce_sum3A_34 : vector<16xi32>, vector<16xi1> -> vector<16xi32>
      %reduce_sum3A_36 = vector.extract %reduce_sum3A_35[15] : i32 from vector<16xi32>
      %mul3A_37 = arith.constant 4 : i32
      %mul3A_38 = arith.muli %scan3A_16, %mul3A_37 : i32
      %add3A_39 = arith.constant 0 : i32
      %add3A_40 = arith.addi %mul3A_38, %add3A_39 : i32
      %jit3A = arith.constant 16 : i32
      %eq3A = arith.constant 0 : i32
      %eq3A_41 = arith.cmpi eq, %jit3A, %eq3A : i32
      %jit3A_42 = arith.constant 1 : i32
      %select_n3A = arith.select %eq3A_41, %jit3A_42, %jit3A : i32
      %rem3A = arith.remsi %add3A_40, %select_n3A : i32
      %ne3A = arith.constant 0 : i32
      %ne3A_43 = arith.cmpi ne, %rem3A, %ne3A : i32
      %lt3A = arith.constant 0 : i32
      %lt3A_44 = arith.cmpi slt, %rem3A, %lt3A : i32
      %lt3A_45 = arith.constant 0 : i32
      %lt3A_46 = arith.cmpi slt, %select_n3A, %lt3A_45 : i32
      %ne3A_47 = arith.xori %lt3A_44, %lt3A_46 : i1
      %and3A = arith.andi %ne3A_47, %ne3A_43 : i1
      %add3A_48 = arith.addi %rem3A, %select_n3A : i32
      %select_n3A_49 = arith.select %and3A, %add3A_48, %rem3A : i32
      %eq3A_50 = vector.broadcast %select_n3A_49 : i32 to vector<16xi32>
      %eq3A_51 = arith.cmpi eq, %iota3A, %eq3A_50 : vector<16xi32>
      %jit3A_52 = arith.constant 0 : i32
      %broadcast_in_dim3A_53 = vector.broadcast %reduce_sum3A_36 : i32 to vector<16xi32>
      %broadcast_in_dim3A_54 = vector.broadcast %jit3A_52 : i32 to vector<16xi32>
      %select_n3A_55 = arith.select %eq3A_51, %broadcast_in_dim3A_53, %broadcast_in_dim3A_54 : vector<16xi1>, vector<16xi32>
      %add3A_56 = arith.addi %scan3A_18, %select_n3A_55 : vector<16xi32>
      %add3A_57 = arith.addi %scan3A_17, %scan3A_31 : vector<16xi32>
      %broadcast_in_dim3A_58 = arith.constant 0 : i32
      %broadcast_in_dim3A_59 = vector.broadcast %broadcast_in_dim3A_58 : i32 to vector<16xi32>
      %scan3A_60 = arith.constant 0 : i32
      %scan3A_61 = arith.constant 32 : i32
      %scan3A_62 = arith.addi %scan3A_60, %scan3A_61 : i32
      %scan3A_63 = arith.constant 1 : i32
      %scan3A_64 = scf.for %scan3A_203 = %scan3A_60 to %scan3A_62 step %scan3A_63 iter_args(%scan3A_204 = %broadcast_in_dim3A_59) -> (vector<16xi32>)  : i32 {
        %mul3A_205 = arith.constant 16 : i32
        %mul3A_206 = arith.muli %scan3A_203, %mul3A_205 : i32
        %add3A_207 = arith.constant 512 : i32
        %add3A_208 = arith.addi %add3A_207, %mul3A_206 : i32
        %get3A = arith.index_cast %add3A_208 : i32 to index
        %get3A_209 = tpu.vector_load %arg7[%get3A] {strides = array<i32>} : memref<2048xi32, #tpu.memory_space<vmem>>, vector<16xi32>,
        %mul3A_210 = arith.constant 16 : i32
        %mul3A_211 = arith.muli %scan3A_203, %mul3A_210 : i32
        %add3A_212 = arith.constant 512 : i32
        %add3A_213 = arith.addi %add3A_212, %mul3A_211 : i32
        %get3A_214 = arith.index_cast %add3A_213 : i32 to index
        %get3A_215 = tpu.vector_load %arg8[%get3A_214] {strides = array<i32>} : memref<2048xi32, #tpu.memory_space<vmem>>, vector<16xi32>,
        %or3A = arith.ori %get3A_209, %get3A_215 : vector<16xi32>
        %mul3A_216 = arith.constant 16 : i32
        %mul3A_217 = arith.muli %scan3A_203, %mul3A_216 : i32
        %add3A_218 = arith.constant 512 : i32
        %add3A_219 = arith.addi %add3A_218, %mul3A_217 : i32
        %swap3A_220 = arith.index_cast %add3A_219 : i32 to index
        %swap3A_221 = tpu.vector_load %arg9[%swap3A_220] {strides = array<i32>} : memref<2048xi32, #tpu.memory_space<vmem>>, vector<16xi32>,
        tpu.vector_store %arg9[%swap3A_220], %or3A {strides = array<i32>} : memref<2048xi32, #tpu.memory_space<vmem>>, vector<16xi32>,
        %add3A_222 = arith.addi %scan3A_204, %or3A : vector<16xi32>
        scf.yield %add3A_222 : vector<16xi32>
      }
      %scan3A_65 = arith.constant 32 : i32
      %reduce_sum3A_66 = arith.constant true
      %reduce_sum3A_67 = vector.broadcast %reduce_sum3A_66 : i1 to vector<16xi1>
      %reduce_sum3A_68 = tpu.scan <sum>, %scan3A_64 masked %reduce_sum3A_67 : vector<16xi32>, vector<16xi1> -> vector<16xi32>
      %reduce_sum3A_69 = vector.extract %reduce_sum3A_68[15] : i32 from vector<16xi32>
      %mul3A_70 = arith.constant 4 : i32
      %mul3A_71 = arith.muli %scan3A_16, %mul3A_70 : i32
      %add3A_72 = arith.constant 1 : i32
      %add3A_73 = arith.addi %mul3A_71, %add3A_72 : i32
      %jit3A_74 = arith.constant 16 : i32
      %eq3A_75 = arith.constant 0 : i32
      %eq3A_76 = arith.cmpi eq, %jit3A_74, %eq3A_75 : i32
      %jit3A_77 = arith.constant 1 : i32
      %select_n3A_78 = arith.select %eq3A_76, %jit3A_77, %jit3A_74 : i32
      %rem3A_79 = arith.remsi %add3A_73, %select_n3A_78 : i32
      %ne3A_80 = arith.constant 0 : i32
      %ne3A_81 = arith.cmpi ne, %rem3A_79, %ne3A_80 : i32
      %lt3A_82 = arith.constant 0 : i32
      %lt3A_83 = arith.cmpi slt, %rem3A_79, %lt3A_82 : i32
      %lt3A_84 = arith.constant 0 : i32
      %lt3A_85 = arith.cmpi slt, %select_n3A_78, %lt3A_84 : i32
      %ne3A_86 = arith.xori %lt3A_83, %lt3A_85 : i1
      %and3A_87 = arith.andi %ne3A_86, %ne3A_81 : i1
      %add3A_88 = arith.addi %rem3A_79, %select_n3A_78 : i32
      %select_n3A_89 = arith.select %and3A_87, %add3A_88, %rem3A_79 : i32
      %eq3A_90 = vector.broadcast %select_n3A_89 : i32 to vector<16xi32>
      %eq3A_91 = arith.cmpi eq, %iota3A, %eq3A_90 : vector<16xi32>
      %jit3A_92 = arith.constant 0 : i32
      %broadcast_in_dim3A_93 = vector.broadcast %reduce_sum3A_69 : i32 to vector<16xi32>
      %broadcast_in_dim3A_94 = vector.broadcast %jit3A_92 : i32 to vector<16xi32>
      %select_n3A_95 = arith.select %eq3A_91, %broadcast_in_dim3A_93, %broadcast_in_dim3A_94 : vector<16xi1>, vector<16xi32>
      %add3A_96 = arith.addi %add3A_56, %select_n3A_95 : vector<16xi32>
      %add3A_97 = arith.addi %add3A_57, %scan3A_64 : vector<16xi32>
      %broadcast_in_dim3A_98 = arith.constant 0 : i32
      %broadcast_in_dim3A_99 = vector.broadcast %broadcast_in_dim3A_98 : i32 to vector<16xi32>
      %scan3A_100 = arith.constant 0 : i32
      %scan3A_101 = arith.constant 32 : i32
      %scan3A_102 = arith.addi %scan3A_100, %scan3A_101 : i32
      %scan3A_103 = arith.constant 1 : i32
      %scan3A_104 = scf.for %scan3A_203 = %scan3A_100 to %scan3A_102 step %scan3A_103 iter_args(%scan3A_204 = %broadcast_in_dim3A_99) -> (vector<16xi32>)  : i32 {
        %mul3A_205 = arith.constant 16 : i32
        %mul3A_206 = arith.muli %scan3A_203, %mul3A_205 : i32
        %add3A_207 = arith.constant 1024 : i32
        %add3A_208 = arith.addi %add3A_207, %mul3A_206 : i32
        %get3A = arith.index_cast %add3A_208 : i32 to index
        %get3A_209 = tpu.vector_load %arg7[%get3A] {strides = array<i32>} : memref<2048xi32, #tpu.memory_space<vmem>>, vector<16xi32>,
        %mul3A_210 = arith.constant 16 : i32
        %mul3A_211 = arith.muli %scan3A_203, %mul3A_210 : i32
        %add3A_212 = arith.constant 1024 : i32
        %add3A_213 = arith.addi %add3A_212, %mul3A_211 : i32
        %get3A_214 = arith.index_cast %add3A_213 : i32 to index
        %get3A_215 = tpu.vector_load %arg8[%get3A_214] {strides = array<i32>} : memref<2048xi32, #tpu.memory_space<vmem>>, vector<16xi32>,
        %or3A = arith.ori %get3A_209, %get3A_215 : vector<16xi32>
        %mul3A_216 = arith.constant 16 : i32
        %mul3A_217 = arith.muli %scan3A_203, %mul3A_216 : i32
        %add3A_218 = arith.constant 1024 : i32
        %add3A_219 = arith.addi %add3A_218, %mul3A_217 : i32
        %swap3A_220 = arith.index_cast %add3A_219 : i32 to index
        %swap3A_221 = tpu.vector_load %arg9[%swap3A_220] {strides = array<i32>} : memref<2048xi32, #tpu.memory_space<vmem>>, vector<16xi32>,
        tpu.vector_store %arg9[%swap3A_220], %or3A {strides = array<i32>} : memref<2048xi32, #tpu.memory_space<vmem>>, vector<16xi32>,
        %add3A_222 = arith.addi %scan3A_204, %or3A : vector<16xi32>
        scf.yield %add3A_222 : vector<16xi32>
      }
      %scan3A_105 = arith.constant 32 : i32
      %reduce_sum3A_106 = arith.constant true
      %reduce_sum3A_107 = vector.broadcast %reduce_sum3A_106 : i1 to vector<16xi1>
      %reduce_sum3A_108 = tpu.scan <sum>, %scan3A_104 masked %reduce_sum3A_107 : vector<16xi32>, vector<16xi1> -> vector<16xi32>
      %reduce_sum3A_109 = vector.extract %reduce_sum3A_108[15] : i32 from vector<16xi32>
      %mul3A_110 = arith.constant 4 : i32
      %mul3A_111 = arith.muli %scan3A_16, %mul3A_110 : i32
      %add3A_112 = arith.constant 2 : i32
      %add3A_113 = arith.addi %mul3A_111, %add3A_112 : i32
      %jit3A_114 = arith.constant 16 : i32
      %eq3A_115 = arith.constant 0 : i32
      %eq3A_116 = arith.cmpi eq, %jit3A_114, %eq3A_115 : i32
      %jit3A_117 = arith.constant 1 : i32
      %select_n3A_118 = arith.select %eq3A_116, %jit3A_117, %jit3A_114 : i32
      %rem3A_119 = arith.remsi %add3A_113, %select_n3A_118 : i32
      %ne3A_120 = arith.constant 0 : i32
      %ne3A_121 = arith.cmpi ne, %rem3A_119, %ne3A_120 : i32
      %lt3A_122 = arith.constant 0 : i32
      %lt3A_123 = arith.cmpi slt, %rem3A_119, %lt3A_122 : i32
      %lt3A_124 = arith.constant 0 : i32
      %lt3A_125 = arith.cmpi slt, %select_n3A_118, %lt3A_124 : i32
      %ne3A_126 = arith.xori %lt3A_123, %lt3A_125 : i1
      %and3A_127 = arith.andi %ne3A_126, %ne3A_121 : i1
      %add3A_128 = arith.addi %rem3A_119, %select_n3A_118 : i32
      %select_n3A_129 = arith.select %and3A_127, %add3A_128, %rem3A_119 : i32
      %eq3A_130 = vector.broadcast %select_n3A_129 : i32 to vector<16xi32>
      %eq3A_131 = arith.cmpi eq, %iota3A, %eq3A_130 : vector<16xi32>
      %jit3A_132 = arith.constant 0 : i32
      %broadcast_in_dim3A_133 = vector.broadcast %reduce_sum3A_109 : i32 to vector<16xi32>
      %broadcast_in_dim3A_134 = vector.broadcast %jit3A_132 : i32 to vector<16xi32>
      %select_n3A_135 = arith.select %eq3A_131, %broadcast_in_dim3A_133, %broadcast_in_dim3A_134 : vector<16xi1>, vector<16xi32>
      %add3A_136 = arith.addi %add3A_96, %select_n3A_135 : vector<16xi32>
      %add3A_137 = arith.addi %add3A_97, %scan3A_104 : vector<16xi32>
      %broadcast_in_dim3A_138 = arith.constant 0 : i32
      %broadcast_in_dim3A_139 = vector.broadcast %broadcast_in_dim3A_138 : i32 to vector<16xi32>
      %scan3A_140 = arith.constant 0 : i32
      %scan3A_141 = arith.constant 32 : i32
      %scan3A_142 = arith.addi %scan3A_140, %scan3A_141 : i32
      %scan3A_143 = arith.constant 1 : i32
      %scan3A_144 = scf.for %scan3A_203 = %scan3A_140 to %scan3A_142 step %scan3A_143 iter_args(%scan3A_204 = %broadcast_in_dim3A_139) -> (vector<16xi32>)  : i32 {
        %mul3A_205 = arith.constant 16 : i32
        %mul3A_206 = arith.muli %scan3A_203, %mul3A_205 : i32
        %add3A_207 = arith.constant 1536 : i32
        %add3A_208 = arith.addi %add3A_207, %mul3A_206 : i32
        %get3A = arith.index_cast %add3A_208 : i32 to index
        %get3A_209 = tpu.vector_load %arg7[%get3A] {strides = array<i32>} : memref<2048xi32, #tpu.memory_space<vmem>>, vector<16xi32>,
        %mul3A_210 = arith.constant 16 : i32
        %mul3A_211 = arith.muli %scan3A_203, %mul3A_210 : i32
        %add3A_212 = arith.constant 1536 : i32
        %add3A_213 = arith.addi %add3A_212, %mul3A_211 : i32
        %get3A_214 = arith.index_cast %add3A_213 : i32 to index
        %get3A_215 = tpu.vector_load %arg8[%get3A_214] {strides = array<i32>} : memref<2048xi32, #tpu.memory_space<vmem>>, vector<16xi32>,
        %or3A = arith.ori %get3A_209, %get3A_215 : vector<16xi32>
        %mul3A_216 = arith.constant 16 : i32
        %mul3A_217 = arith.muli %scan3A_203, %mul3A_216 : i32
        %add3A_218 = arith.constant 1536 : i32
        %add3A_219 = arith.addi %add3A_218, %mul3A_217 : i32
        %swap3A_220 = arith.index_cast %add3A_219 : i32 to index
        %swap3A_221 = tpu.vector_load %arg9[%swap3A_220] {strides = array<i32>} : memref<2048xi32, #tpu.memory_space<vmem>>, vector<16xi32>,
        tpu.vector_store %arg9[%swap3A_220], %or3A {strides = array<i32>} : memref<2048xi32, #tpu.memory_space<vmem>>, vector<16xi32>,
        %add3A_222 = arith.addi %scan3A_204, %or3A : vector<16xi32>
        scf.yield %add3A_222 : vector<16xi32>
      }
      %scan3A_145 = arith.constant 32 : i32
      %reduce_sum3A_146 = arith.constant true
      %reduce_sum3A_147 = vector.broadcast %reduce_sum3A_146 : i1 to vector<16xi1>
      %reduce_sum3A_148 = tpu.scan <sum>, %scan3A_144 masked %reduce_sum3A_147 : vector<16xi32>, vector<16xi1> -> vector<16xi32>
      %reduce_sum3A_149 = vector.extract %reduce_sum3A_148[15] : i32 from vector<16xi32>
      %mul3A_150 = arith.constant 4 : i32
      %mul3A_151 = arith.muli %scan3A_16, %mul3A_150 : i32
      %add3A_152 = arith.constant 3 : i32
      %add3A_153 = arith.addi %mul3A_151, %add3A_152 : i32
      %jit3A_154 = arith.constant 16 : i32
      %eq3A_155 = arith.constant 0 : i32
      %eq3A_156 = arith.cmpi eq, %jit3A_154, %eq3A_155 : i32
      %jit3A_157 = arith.constant 1 : i32
      %select_n3A_158 = arith.select %eq3A_156, %jit3A_157, %jit3A_154 : i32
      %rem3A_159 = arith.remsi %add3A_153, %select_n3A_158 : i32
      %ne3A_160 = arith.constant 0 : i32
      %ne3A_161 = arith.cmpi ne, %rem3A_159, %ne3A_160 : i32
      %lt3A_162 = arith.constant 0 : i32
      %lt3A_163 = arith.cmpi slt, %rem3A_159, %lt3A_162 : i32
      %lt3A_164 = arith.constant 0 : i32
      %lt3A_165 = arith.cmpi slt, %select_n3A_158, %lt3A_164 : i32
      %ne3A_166 = arith.xori %lt3A_163, %lt3A_165 : i1
      %and3A_167 = arith.andi %ne3A_166, %ne3A_161 : i1
      %add3A_168 = arith.addi %rem3A_159, %select_n3A_158 : i32
      %select_n3A_169 = arith.select %and3A_167, %add3A_168, %rem3A_159 : i32
      %eq3A_170 = vector.broadcast %select_n3A_169 : i32 to vector<16xi32>
      %eq3A_171 = arith.cmpi eq, %iota3A, %eq3A_170 : vector<16xi32>
      %jit3A_172 = arith.constant 0 : i32
      %broadcast_in_dim3A_173 = vector.broadcast %reduce_sum3A_149 : i32 to vector<16xi32>
      %broadcast_in_dim3A_174 = vector.broadcast %jit3A_172 : i32 to vector<16xi32>
      %select_n3A_175 = arith.select %eq3A_171, %broadcast_in_dim3A_173, %broadcast_in_dim3A_174 : vector<16xi1>, vector<16xi32>
      %add3A_176 = arith.addi %add3A_136, %select_n3A_175 : vector<16xi32>
      %add3A_177 = arith.addi %add3A_137, %scan3A_144 : vector<16xi32>
      %mul3A_178 = arith.constant 2048 : i32
      %mul3A_179 = arith.muli %scan3A_16, %mul3A_178 : i32
      %add3A_180 = arith.addi %mul3A_2, %mul3A_179 : i32
      "tpu.region"() ({
        %run_scoped3A = tpu.sem_alloc : memref<!tpu.dma_semaphore, #tpu.memory_space<semaphore_mem>>
        %dma_start3A = tpu.memref_slice %arg5[%add3A_180] : memref<1048576xi32, #tpu.memory_space<hbm>> -> memref<2048xi32, #tpu.memory_space<hbm>>
        %dma_start3A_203 = tpu.memref_slice %arg5[%add3A_180] : memref<1048576xi32, #tpu.memory_space<hbm>> -> memref<2048xi32, #tpu.memory_space<hbm>>
        tpu.enqueue_dma source(%arg9 : memref<2048xi32, #tpu.memory_space<vmem>>) target(%dma_start3A_203 : memref<2048xi32, #tpu.memory_space<hbm>>) target_semaphore(%run_scoped3A : memref<!tpu.dma_semaphore, #tpu.memory_space<semaphore_mem>>)
        %dma_wait3A = tpu.memref_slice %arg5[%add3A_180] : memref<1048576xi32, #tpu.memory_space<hbm>> -> memref<2048xi32, #tpu.memory_space<hbm>>
        %dma_wait3A_204 = tpu.memref_slice %arg5[%add3A_180] : memref<1048576xi32, #tpu.memory_space<hbm>> -> memref<2048xi32, #tpu.memory_space<hbm>>
        tpu.wait_dma2 semaphore(%run_scoped3A : memref<!tpu.dma_semaphore, #tpu.memory_space<semaphore_mem>>) src(%arg9 : memref<2048xi32, #tpu.memory_space<vmem>>) dst(%dma_wait3A_204 : memref<2048xi32, #tpu.memory_space<hbm>>)
        tpu.yield
      }) : () -> ()
      %jit3A_181 = arith.constant 4 : i32
      %eq3A_182 = arith.constant 0 : i32
      %eq3A_183 = arith.cmpi eq, %jit3A_181, %eq3A_182 : i32
      %jit3A_184 = arith.constant 1 : i32
      %select_n3A_185 = arith.select %eq3A_183, %jit3A_184, %jit3A_181 : i32
      %rem3A_186 = arith.remsi %scan3A_16, %select_n3A_185 : i32
      %ne3A_187 = arith.constant 0 : i32
      %ne3A_188 = arith.cmpi ne, %rem3A_186, %ne3A_187 : i32
      %lt3A_189 = arith.constant 0 : i32
      %lt3A_190 = arith.cmpi slt, %rem3A_186, %lt3A_189 : i32
      %lt3A_191 = arith.constant 0 : i32
      %lt3A_192 = arith.cmpi slt, %select_n3A_185, %lt3A_191 : i32
      %ne3A_193 = arith.xori %lt3A_190, %lt3A_192 : i1
      %and3A_194 = arith.andi %ne3A_193, %ne3A_188 : i1
      %add3A_195 = arith.addi %rem3A_186, %select_n3A_185 : i32
      %select_n3A_196 = arith.select %and3A_194, %add3A_195, %rem3A_186 : i32
      %eq3A_197 = arith.constant 3 : i32
      %eq3A_198 = arith.cmpi eq, %select_n3A_196, %eq3A_197 : i32
      %convert_element_type3A = arith.extui %eq3A_198 : i1 to i32
      %cond3A = arith.constant 0 : i32
      %cond3A_199 = arith.cmpi ne, %convert_element_type3A, %cond3A : i32
      scf.if %cond3A_199 {
        %jit3A_203 = arith.constant 4 : i32
        %div3A = arith.divsi %scan3A_16, %jit3A_203 : i32
        %sign3A = arith.constant 0 : i32
        %sign3A_204 = arith.cmpi sgt, %scan3A_16, %sign3A : i32
        %sign3A_205 = arith.extui %sign3A_204 : i1 to i32
        %sign3A_206 = arith.constant 0 : i32
        %sign3A_207 = arith.cmpi slt, %scan3A_16, %sign3A_206 : i32
        %sign3A_208 = arith.extui %sign3A_207 : i1 to i32
        %sign3A_209 = arith.subi %sign3A_205, %sign3A_208 : i32
        %sign3A_210 = arith.constant 0 : i32
        %sign3A_211 = arith.cmpi sgt, %jit3A_203, %sign3A_210 : i32
        %sign3A_212 = arith.extui %sign3A_211 : i1 to i32
        %sign3A_213 = arith.constant 0 : i32
        %sign3A_214 = arith.cmpi slt, %jit3A_203, %sign3A_213 : i32
        %sign3A_215 = arith.extui %sign3A_214 : i1 to i32
        %sign3A_216 = arith.subi %sign3A_212, %sign3A_215 : i32
        %ne3A_217 = arith.cmpi ne, %sign3A_209, %sign3A_216 : i32
        %rem3A_218 = arith.remsi %scan3A_16, %jit3A_203 : i32
        %ne3A_219 = arith.constant 0 : i32
        %ne3A_220 = arith.cmpi ne, %rem3A_218, %ne3A_219 : i32
        %and3A_221 = arith.andi %ne3A_217, %ne3A_220 : i1
        %sub3A = arith.constant 1 : i32
        %sub3A_222 = arith.subi %div3A, %sub3A : i32
        %select_n3A_223 = arith.select %and3A_221, %sub3A_222, %div3A : i32
        %mul3A_224 = arith.constant 16 : i32
        %mul3A_225 = arith.muli %select_n3A_223, %mul3A_224 : i32
        %swap3A_226 = arith.index_cast %mul3A_225 : i32 to index
        %swap3A_227 = tpu.vector_load %arg10[%swap3A_226] {strides = array<i32>} : memref<64xi32, #tpu.memory_space<vmem>>, vector<16xi32>,
        tpu.vector_store %arg10[%swap3A_226], %add3A_176 {strides = array<i32>} : memref<64xi32, #tpu.memory_space<vmem>>, vector<16xi32>,
      } else {
      }
      %broadcast_in_dim3A_200 = arith.constant 0 : i32
      %broadcast_in_dim3A_201 = vector.broadcast %broadcast_in_dim3A_200 : i32 to vector<16xi32>
      %select_n3A_202 = arith.select %eq3A_198, %broadcast_in_dim3A_201, %add3A_176 : vector<16xi32>
      scf.yield %add3A_177, %select_n3A_202 : vector<16xi32>, vector<16xi32>
    }
    %scan3A_10 = arith.constant 16 : i32
    %reduce_sum3A = arith.constant true
    %reduce_sum3A_11 = vector.broadcast %reduce_sum3A : i1 to vector<16xi1>
    %reduce_sum3A_12 = tpu.scan <sum>, %scan3A_9#0 masked %reduce_sum3A_11 : vector<16xi32>, vector<16xi1> -> vector<16xi32>
    %reduce_sum3A_13 = vector.extract %reduce_sum3A_12[15] : i32 from vector<16xi32>
    %broadcast_in_dim3A_14 = vector.broadcast %reduce_sum3A_13 : i32 to vector<16xi32>
    %swap3A = arith.constant 0 : index
    %swap3A_15 = tpu.vector_load %arg11[%swap3A] {strides = array<i32>} : memref<16xi32, #tpu.memory_space<vmem>>, vector<16xi32>,
    tpu.vector_store %arg11[%swap3A], %broadcast_in_dim3A_14 {strides = array<i32>} : memref<16xi32, #tpu.memory_space<vmem>>, vector<16xi32>,
    "tpu.region"() ({
      %run_scoped3A = tpu.sem_alloc : memref<!tpu.dma_semaphore, #tpu.memory_space<semaphore_mem>>
      %dma_start3A = arith.constant 0 : i32
      %dma_start3A_16 = tpu.memref_slice %arg4[%add3A, %dma_start3A] : memref<32x16xi32, #tpu.memory_space<hbm>> -> memref<1x16xi32, #tpu.memory_space<hbm>>
      %dma_start3A_17 = tpu.memref_squeeze %dma_start3A_16 : memref<1x16xi32, #tpu.memory_space<hbm>> -> memref<16xi32, #tpu.memory_space<hbm>>
      %dma_start3A_18 = arith.constant 0 : i32
      %dma_start3A_19 = tpu.memref_slice %arg4[%add3A, %dma_start3A_18] : memref<32x16xi32, #tpu.memory_space<hbm>> -> memref<1x16xi32, #tpu.memory_space<hbm>>
      %dma_start3A_20 = tpu.memref_squeeze %dma_start3A_19 : memref<1x16xi32, #tpu.memory_space<hbm>> -> memref<16xi32, #tpu.memory_space<hbm>>
      tpu.enqueue_dma source(%arg11 : memref<16xi32, #tpu.memory_space<vmem>>) target(%dma_start3A_20 : memref<16xi32, #tpu.memory_space<hbm>>) target_semaphore(%run_scoped3A : memref<!tpu.dma_semaphore, #tpu.memory_space<semaphore_mem>>)
      %dma_wait3A = arith.constant 0 : i32
      %dma_wait3A_21 = tpu.memref_slice %arg4[%add3A, %dma_wait3A] : memref<32x16xi32, #tpu.memory_space<hbm>> -> memref<1x16xi32, #tpu.memory_space<hbm>>
      %dma_wait3A_22 = tpu.memref_squeeze %dma_wait3A_21 : memref<1x16xi32, #tpu.memory_space<hbm>> -> memref<16xi32, #tpu.memory_space<hbm>>
      %dma_wait3A_23 = arith.constant 0 : i32
      %dma_wait3A_24 = tpu.memref_slice %arg4[%add3A, %dma_wait3A_23] : memref<32x16xi32, #tpu.memory_space<hbm>> -> memref<1x16xi32, #tpu.memory_space<hbm>>
      %dma_wait3A_25 = tpu.memref_squeeze %dma_wait3A_24 : memref<1x16xi32, #tpu.memory_space<hbm>> -> memref<16xi32, #tpu.memory_space<hbm>>
      tpu.wait_dma2 semaphore(%run_scoped3A : memref<!tpu.dma_semaphore, #tpu.memory_space<semaphore_mem>>) src(%arg11 : memref<16xi32, #tpu.memory_space<vmem>>) dst(%dma_wait3A_25 : memref<16xi32, #tpu.memory_space<hbm>>)
      tpu.yield
    }) : () -> ()
    "tpu.region"() ({
      %run_scoped3A = tpu.sem_alloc : memref<!tpu.dma_semaphore, #tpu.memory_space<semaphore_mem>>
      %dma_start3A = arith.constant 0 : i32
      %dma_start3A_16 = tpu.memref_slice %arg6[%add3A, %dma_start3A] : memref<32x64xi32, #tpu.memory_space<hbm>> -> memref<1x64xi32, #tpu.memory_space<hbm>>
      %dma_start3A_17 = tpu.memref_squeeze %dma_start3A_16 : memref<1x64xi32, #tpu.memory_space<hbm>> -> memref<64xi32, #tpu.memory_space<hbm>>
      %dma_start3A_18 = arith.constant 0 : i32
      %dma_start3A_19 = tpu.memref_slice %arg6[%add3A, %dma_start3A_18] : memref<32x64xi32, #tpu.memory_space<hbm>> -> memref<1x64xi32, #tpu.memory_space<hbm>>
      %dma_start3A_20 = tpu.memref_squeeze %dma_start3A_19 : memref<1x64xi32, #tpu.memory_space<hbm>> -> memref<64xi32, #tpu.memory_space<hbm>>
      tpu.enqueue_dma source(%arg10 : memref<64xi32, #tpu.memory_space<vmem>>) target(%dma_start3A_20 : memref<64xi32, #tpu.memory_space<hbm>>) target_semaphore(%run_scoped3A : memref<!tpu.dma_semaphore, #tpu.memory_space<semaphore_mem>>)
      %dma_wait3A = arith.constant 0 : i32
      %dma_wait3A_21 = tpu.memref_slice %arg6[%add3A, %dma_wait3A] : memref<32x64xi32, #tpu.memory_space<hbm>> -> memref<1x64xi32, #tpu.memory_space<hbm>>
      %dma_wait3A_22 = tpu.memref_squeeze %dma_wait3A_21 : memref<1x64xi32, #tpu.memory_space<hbm>> -> memref<64xi32, #tpu.memory_space<hbm>>
      %dma_wait3A_23 = arith.constant 0 : i32
      %dma_wait3A_24 = tpu.memref_slice %arg6[%add3A, %dma_wait3A_23] : memref<32x64xi32, #tpu.memory_space<hbm>> -> memref<1x64xi32, #tpu.memory_space<hbm>>
      %dma_wait3A_25 = tpu.memref_squeeze %dma_wait3A_24 : memref<1x64xi32, #tpu.memory_space<hbm>> -> memref<64xi32, #tpu.memory_space<hbm>>
      tpu.wait_dma2 semaphore(%run_scoped3A : memref<!tpu.dma_semaphore, #tpu.memory_space<semaphore_mem>>) src(%arg10 : memref<64xi32, #tpu.memory_space<vmem>>) dst(%dma_wait3A_25 : memref<64xi32, #tpu.memory_space<hbm>>)
      tpu.yield
    }) : () -> ()
    return
  }
}

#map = affine_map<(d0, d1) -> (0)>
module attributes {stable_mosaic.version = 14 : i64} {
  func.func @_k1(%arg0: i32, %arg1: i32, %arg2: memref<2000000xi32, #tpu.memory_space<hbm>>, %arg3: memref<2000000xi32, #tpu.memory_space<hbm>>, %arg4: memref<2000000xi32, #tpu.memory_space<hbm>>, %arg5: memref<500736xi32, #tpu.memory_space<hbm>>, %arg6: memref<1048576xi32, #tpu.memory_space<hbm>>, %arg7: memref<1048576xi32, #tpu.memory_space<hbm>>, %arg8: memref<5216xi32, #tpu.memory_space<vmem>>, %arg9: memref<5216xi32, #tpu.memory_space<vmem>>, %arg10: memref<5216xi32, #tpu.memory_space<vmem>>, %arg11: memref<5216xi32, #tpu.memory_space<vmem>>, %arg12: memref<5216xi32, #tpu.memory_space<vmem>>, %arg13: memref<5216xi32, #tpu.memory_space<vmem>>, %arg14: memref<5216xi32, #tpu.memory_space<vmem>>, %arg15: memref<5216xi32, #tpu.memory_space<vmem>>, %arg16: memref<5216xi32, #tpu.memory_space<vmem>>, %arg17: memref<4096xi32, #tpu.memory_space<vmem>>, %arg18: memref<1048576xi32, #tpu.memory_space<vmem_shared>>, %arg19: memref<!tpu.dma_semaphore, #tpu.memory_space<semaphore_mem>>, %arg20: memref<!tpu.dma_semaphore, #tpu.memory_space<semaphore_mem>>, %arg21: memref<!tpu.dma_semaphore, #tpu.memory_space<semaphore_mem>>, %arg22: memref<!tpu.dma_semaphore, #tpu.memory_space<semaphore_mem>>, %arg23: memref<!tpu.dma_semaphore, #tpu.memory_space<semaphore_mem>>, %arg24: memref<!tpu.dma_semaphore, #tpu.memory_space<semaphore_mem>>) attributes {dimension_semantics = [#tpu.dimension_semantics<core_parallel>, #tpu.dimension_semantics<subcore_parallel>], iteration_bounds = array<i64: 2, 16>, scalar_prefetch = 0 : i64, scratch_operands = 17 : i64, tpu.core_type = #tpu.core_type<sc_vector_subcore>, window_params = [{transform_indices = #map}, {transform_indices = #map}, {transform_indices = #map}, {transform_indices = #map}, {transform_indices = #map}, {transform_indices = #map}]} {
    %mul3A = arith.constant 2 : i32
    %mul3A_0 = arith.muli %arg1, %mul3A : i32
    %add3A = arith.addi %mul3A_0, %arg0 : i32
    %scan3A = arith.constant 0 : i32
    %scan3A_1 = arith.constant 0 : i32
    %scan3A_2 = arith.constant 326 : i32
    %scan3A_3 = arith.addi %scan3A_1, %scan3A_2 : i32
    %scan3A_4 = arith.constant 1 : i32
    %scan3A_5 = scf.for %scan3A_107 = %scan3A_1 to %scan3A_3 step %scan3A_4 iter_args(%scan3A_108 = %scan3A) -> (i32)  : i32 {
      %broadcast_in_dim3A = arith.constant 1 : i32
      %broadcast_in_dim3A_109 = vector.broadcast %broadcast_in_dim3A : i32 to vector<16xi32>
      %mul3A_110 = arith.constant 16 : i32
      %mul3A_111 = arith.muli %scan3A_107, %mul3A_110 : i32
      %swap3A = arith.index_cast %mul3A_111 : i32 to index
      %swap3A_112 = tpu.vector_load %arg16[%swap3A] {strides = array<i32>} : memref<5216xi32, #tpu.memory_space<vmem>>, vector<16xi32>,
      tpu.vector_store %arg16[%swap3A], %broadcast_in_dim3A_109 {strides = array<i32>} : memref<5216xi32, #tpu.memory_space<vmem>>, vector<16xi32>,
      %scan3A_113 = arith.constant 0 : i32
      scf.yield %scan3A_113 : i32
    }
    %scan3A_6 = arith.constant 326 : i32
    %scan3A_7 = arith.constant 0 : i32
    %scan3A_8 = arith.constant 0 : i32
    %scan3A_9 = arith.constant 256 : i32
    %scan3A_10 = arith.addi %scan3A_8, %scan3A_9 : i32
    %scan3A_11 = arith.constant 1 : i32
    %scan3A_12 = scf.for %scan3A_107 = %scan3A_8 to %scan3A_10 step %scan3A_11 iter_args(%scan3A_108 = %scan3A_7) -> (i32)  : i32 {
      %broadcast_in_dim3A = arith.constant 0 : i32
      %broadcast_in_dim3A_109 = vector.broadcast %broadcast_in_dim3A : i32 to vector<16xi32>
      %mul3A_110 = arith.constant 16 : i32
      %mul3A_111 = arith.muli %scan3A_107, %mul3A_110 : i32
      %swap3A = arith.index_cast %mul3A_111 : i32 to index
      %swap3A_112 = tpu.vector_load %arg17[%swap3A] {strides = array<i32>} : memref<4096xi32, #tpu.memory_space<vmem>>, vector<16xi32>,
      tpu.vector_store %arg17[%swap3A], %broadcast_in_dim3A_109 {strides = array<i32>} : memref<4096xi32, #tpu.memory_space<vmem>>, vector<16xi32>,
      %scan3A_113 = arith.constant 0 : i32
      scf.yield %scan3A_113 : i32
    }
    %scan3A_13 = arith.constant 256 : i32
    %mul3A_14 = arith.constant 15648 : i32
    %mul3A_15 = arith.muli %add3A, %mul3A_14 : i32
    %add3A_16 = arith.constant 0 : i32
    %add3A_17 = arith.addi %mul3A_15, %add3A_16 : i32
    "tpu.region"() ({
      %run_scoped3A = tpu.sem_alloc : memref<!tpu.dma_semaphore, #tpu.memory_space<semaphore_mem>>
      %dma_start3A_107 = tpu.memref_slice %arg5[%add3A_17] : memref<500736xi32, #tpu.memory_space<hbm>> -> memref<5216xi32, #tpu.memory_space<hbm>>
      %dma_start3A_108 = tpu.memref_slice %arg5[%add3A_17] : memref<500736xi32, #tpu.memory_space<hbm>> -> memref<5216xi32, #tpu.memory_space<hbm>>
      tpu.enqueue_dma source(%dma_start3A_108 : memref<5216xi32, #tpu.memory_space<hbm>>) target(%arg8 : memref<5216xi32, #tpu.memory_space<vmem>>) target_semaphore(%run_scoped3A : memref<!tpu.dma_semaphore, #tpu.memory_space<semaphore_mem>>)
      %dma_wait3A_109 = tpu.memref_slice %arg5[%add3A_17] : memref<500736xi32, #tpu.memory_space<hbm>> -> memref<5216xi32, #tpu.memory_space<hbm>>
      %dma_wait3A_110 = tpu.memref_slice %arg5[%add3A_17] : memref<500736xi32, #tpu.memory_space<hbm>> -> memref<5216xi32, #tpu.memory_space<hbm>>
      tpu.wait_dma2 semaphore(%run_scoped3A : memref<!tpu.dma_semaphore, #tpu.memory_space<semaphore_mem>>) src(%dma_wait3A_110 : memref<5216xi32, #tpu.memory_space<hbm>>) dst(%arg8 : memref<5216xi32, #tpu.memory_space<vmem>>)
      tpu.yield
    }) : () -> ()
    %dma_start3A = arith.constant 0 : i32
    %dma_start3A_18 = tpu.memref_slice %arg2[%dma_start3A] : memref<2000000xi32, #tpu.memory_space<hbm>> -> memref<2000000xi32, #tpu.memory_space<hbm>>
    tpu.enqueue_indirect_dma source(%dma_start3A_18 : memref<2000000xi32, #tpu.memory_space<hbm>>) target(%arg10 : memref<5216xi32, #tpu.memory_space<vmem>>) offsets(%arg8 : memref<5216xi32, #tpu.memory_space<vmem>>) semaphore(%arg19 : memref<!tpu.dma_semaphore, #tpu.memory_space<semaphore_mem>>)
    %dma_start3A_19 = arith.constant 0 : i32
    %dma_start3A_20 = tpu.memref_slice %arg3[%dma_start3A_19] : memref<2000000xi32, #tpu.memory_space<hbm>> -> memref<2000000xi32, #tpu.memory_space<hbm>>
    tpu.enqueue_indirect_dma source(%dma_start3A_20 : memref<2000000xi32, #tpu.memory_space<hbm>>) target(%arg12 : memref<5216xi32, #tpu.memory_space<vmem>>) offsets(%arg8 : memref<5216xi32, #tpu.memory_space<vmem>>) semaphore(%arg20 : memref<!tpu.dma_semaphore, #tpu.memory_space<semaphore_mem>>)
    %dma_start3A_21 = arith.constant 0 : i32
    %dma_start3A_22 = tpu.memref_slice %arg4[%dma_start3A_21] : memref<2000000xi32, #tpu.memory_space<hbm>> -> memref<2000000xi32, #tpu.memory_space<hbm>>
    tpu.enqueue_indirect_dma source(%dma_start3A_22 : memref<2000000xi32, #tpu.memory_space<hbm>>) target(%arg14 : memref<5216xi32, #tpu.memory_space<vmem>>) offsets(%arg8 : memref<5216xi32, #tpu.memory_space<vmem>>) semaphore(%arg21 : memref<!tpu.dma_semaphore, #tpu.memory_space<semaphore_mem>>)
    %scan3A_23 = arith.constant 0 : i32
    %scan3A_24 = arith.constant 0 : i32
    %scan3A_25 = arith.constant 16 : i32
    %scan3A_26 = arith.addi %scan3A_24, %scan3A_25 : i32
    %scan3A_27 = arith.constant 1 : i32
    %scan3A_28 = scf.for %scan3A_107 = %scan3A_24 to %scan3A_26 step %scan3A_27 iter_args(%scan3A_108 = %scan3A_23) -> (i32)  : i32 {
      %mul3A_109 = arith.constant 65536 : i32
      %mul3A_110 = arith.muli %arg1, %mul3A_109 : i32
      %mul3A_111 = arith.constant 4096 : i32
      %mul3A_112 = arith.muli %scan3A_107, %mul3A_111 : i32
      %add3A_113 = arith.addi %mul3A_110, %mul3A_112 : i32
      "tpu.region"() ({
        %run_scoped3A = tpu.sem_alloc : memref<!tpu.dma_semaphore, #tpu.memory_space<semaphore_mem>>
        %dma_start3A_115 = tpu.memref_slice %arg18[%add3A_113] : memref<1048576xi32, #tpu.memory_space<vmem_shared>> -> memref<4096xi32, #tpu.memory_space<vmem_shared>>
        %dma_start3A_116 = tpu.memref_slice %arg18[%add3A_113] : memref<1048576xi32, #tpu.memory_space<vmem_shared>> -> memref<4096xi32, #tpu.memory_space<vmem_shared>>
        tpu.enqueue_dma source(%arg17 : memref<4096xi32, #tpu.memory_space<vmem>>) target(%dma_start3A_116 : memref<4096xi32, #tpu.memory_space<vmem_shared>>) target_semaphore(%run_scoped3A : memref<!tpu.dma_semaphore, #tpu.memory_space<semaphore_mem>>)
        %dma_wait3A_117 = tpu.memref_slice %arg18[%add3A_113] : memref<1048576xi32, #tpu.memory_space<vmem_shared>> -> memref<4096xi32, #tpu.memory_space<vmem_shared>>
        %dma_wait3A_118 = tpu.memref_slice %arg18[%add3A_113] : memref<1048576xi32, #tpu.memory_space<vmem_shared>> -> memref<4096xi32, #tpu.memory_space<vmem_shared>>
        tpu.wait_dma2 semaphore(%run_scoped3A : memref<!tpu.dma_semaphore, #tpu.memory_space<semaphore_mem>>) src(%arg17 : memref<4096xi32, #tpu.memory_space<vmem>>) dst(%dma_wait3A_118 : memref<4096xi32, #tpu.memory_space<vmem_shared>>)
        tpu.yield
      }) : () -> ()
      %scan3A_114 = arith.constant 0 : i32
      scf.yield %scan3A_114 : i32
    }
    %scan3A_29 = arith.constant 16 : i32
    %barrier3A = arith.constant 0 : index
    tpu.barrier barrier_id(%barrier3A)
    %dma_wait3A = arith.constant 0 : i32
    %dma_wait3A_30 = tpu.memref_slice %arg2[%dma_wait3A] : memref<2000000xi32, #tpu.memory_space<hbm>> -> memref<2000000xi32, #tpu.memory_space<hbm>>
    tpu.wait_indirect_dma semaphore(%arg19 : memref<!tpu.dma_semaphore, #tpu.memory_space<semaphore_mem>>) src(%dma_wait3A_30 : memref<2000000xi32, #tpu.memory_space<hbm>>) dst(%arg10 : memref<5216xi32, #tpu.memory_space<vmem>>)
    %dma_wait3A_31 = arith.constant 0 : i32
    %dma_wait3A_32 = tpu.memref_slice %arg3[%dma_wait3A_31] : memref<2000000xi32, #tpu.memory_space<hbm>> -> memref<2000000xi32, #tpu.memory_space<hbm>>
    tpu.wait_indirect_dma semaphore(%arg20 : memref<!tpu.dma_semaphore, #tpu.memory_space<semaphore_mem>>) src(%dma_wait3A_32 : memref<2000000xi32, #tpu.memory_space<hbm>>) dst(%arg12 : memref<5216xi32, #tpu.memory_space<vmem>>)
    %dma_wait3A_33 = arith.constant 0 : i32
    %dma_wait3A_34 = tpu.memref_slice %arg4[%dma_wait3A_33] : memref<2000000xi32, #tpu.memory_space<hbm>> -> memref<2000000xi32, #tpu.memory_space<hbm>>
    tpu.wait_indirect_dma semaphore(%arg21 : memref<!tpu.dma_semaphore, #tpu.memory_space<semaphore_mem>>) src(%dma_wait3A_34 : memref<2000000xi32, #tpu.memory_space<hbm>>) dst(%arg14 : memref<5216xi32, #tpu.memory_space<vmem>>)
    %dma_start3A_35 = arith.constant 0 : i32
    %dma_start3A_36 = tpu.memref_slice %arg18[%dma_start3A_35] : memref<1048576xi32, #tpu.memory_space<vmem_shared>> -> memref<1048576xi32, #tpu.memory_space<vmem_shared>>
    tpu.enqueue_indirect_dma source(%arg16 : memref<5216xi32, #tpu.memory_space<vmem>>) target(%dma_start3A_36 : memref<1048576xi32, #tpu.memory_space<vmem_shared>>) offsets(%arg10 : memref<5216xi32, #tpu.memory_space<vmem>>) semaphore(%arg22 : memref<!tpu.dma_semaphore, #tpu.memory_space<semaphore_mem>>)
    %dma_start3A_37 = arith.constant 0 : i32
    %dma_start3A_38 = tpu.memref_slice %arg18[%dma_start3A_37] : memref<1048576xi32, #tpu.memory_space<vmem_shared>> -> memref<1048576xi32, #tpu.memory_space<vmem_shared>>
    tpu.enqueue_indirect_dma source(%arg16 : memref<5216xi32, #tpu.memory_space<vmem>>) target(%dma_start3A_38 : memref<1048576xi32, #tpu.memory_space<vmem_shared>>) offsets(%arg12 : memref<5216xi32, #tpu.memory_space<vmem>>) semaphore(%arg23 : memref<!tpu.dma_semaphore, #tpu.memory_space<semaphore_mem>>)
    %dma_start3A_39 = arith.constant 0 : i32
    %dma_start3A_40 = tpu.memref_slice %arg18[%dma_start3A_39] : memref<1048576xi32, #tpu.memory_space<vmem_shared>> -> memref<1048576xi32, #tpu.memory_space<vmem_shared>>
    tpu.enqueue_indirect_dma source(%arg16 : memref<5216xi32, #tpu.memory_space<vmem>>) target(%dma_start3A_40 : memref<1048576xi32, #tpu.memory_space<vmem_shared>>) offsets(%arg14 : memref<5216xi32, #tpu.memory_space<vmem>>) semaphore(%arg24 : memref<!tpu.dma_semaphore, #tpu.memory_space<semaphore_mem>>)
    %add3A_41 = arith.constant 5216 : i32
    %add3A_42 = arith.addi %mul3A_15, %add3A_41 : i32
    "tpu.region"() ({
      %run_scoped3A = tpu.sem_alloc : memref<!tpu.dma_semaphore, #tpu.memory_space<semaphore_mem>>
      %dma_start3A_107 = tpu.memref_slice %arg5[%add3A_42] : memref<500736xi32, #tpu.memory_space<hbm>> -> memref<5216xi32, #tpu.memory_space<hbm>>
      %dma_start3A_108 = tpu.memref_slice %arg5[%add3A_42] : memref<500736xi32, #tpu.memory_space<hbm>> -> memref<5216xi32, #tpu.memory_space<hbm>>
      tpu.enqueue_dma source(%dma_start3A_108 : memref<5216xi32, #tpu.memory_space<hbm>>) target(%arg9 : memref<5216xi32, #tpu.memory_space<vmem>>) target_semaphore(%run_scoped3A : memref<!tpu.dma_semaphore, #tpu.memory_space<semaphore_mem>>)
      %dma_wait3A_109 = tpu.memref_slice %arg5[%add3A_42] : memref<500736xi32, #tpu.memory_space<hbm>> -> memref<5216xi32, #tpu.memory_space<hbm>>
      %dma_wait3A_110 = tpu.memref_slice %arg5[%add3A_42] : memref<500736xi32, #tpu.memory_space<hbm>> -> memref<5216xi32, #tpu.memory_space<hbm>>
      tpu.wait_dma2 semaphore(%run_scoped3A : memref<!tpu.dma_semaphore, #tpu.memory_space<semaphore_mem>>) src(%dma_wait3A_110 : memref<5216xi32, #tpu.memory_space<hbm>>) dst(%arg9 : memref<5216xi32, #tpu.memory_space<vmem>>)
      tpu.yield
    }) : () -> ()
    %dma_start3A_43 = arith.constant 0 : i32
    %dma_start3A_44 = tpu.memref_slice %arg2[%dma_start3A_43] : memref<2000000xi32, #tpu.memory_space<hbm>> -> memref<2000000xi32, #tpu.memory_space<hbm>>
    tpu.enqueue_indirect_dma source(%dma_start3A_44 : memref<2000000xi32, #tpu.memory_space<hbm>>) target(%arg11 : memref<5216xi32, #tpu.memory_space<vmem>>) offsets(%arg9 : memref<5216xi32, #tpu.memory_space<vmem>>) semaphore(%arg19 : memref<!tpu.dma_semaphore, #tpu.memory_space<semaphore_mem>>)
    %dma_start3A_45 = arith.constant 0 : i32
    %dma_start3A_46 = tpu.memref_slice %arg3[%dma_start3A_45] : memref<2000000xi32, #tpu.memory_space<hbm>> -> memref<2000000xi32, #tpu.memory_space<hbm>>
    tpu.enqueue_indirect_dma source(%dma_start3A_46 : memref<2000000xi32, #tpu.memory_space<hbm>>) target(%arg13 : memref<5216xi32, #tpu.memory_space<vmem>>) offsets(%arg9 : memref<5216xi32, #tpu.memory_space<vmem>>) semaphore(%arg20 : memref<!tpu.dma_semaphore, #tpu.memory_space<semaphore_mem>>)
    %dma_start3A_47 = arith.constant 0 : i32
    %dma_start3A_48 = tpu.memref_slice %arg4[%dma_start3A_47] : memref<2000000xi32, #tpu.memory_space<hbm>> -> memref<2000000xi32, #tpu.memory_space<hbm>>
    tpu.enqueue_indirect_dma source(%dma_start3A_48 : memref<2000000xi32, #tpu.memory_space<hbm>>) target(%arg15 : memref<5216xi32, #tpu.memory_space<vmem>>) offsets(%arg9 : memref<5216xi32, #tpu.memory_space<vmem>>) semaphore(%arg21 : memref<!tpu.dma_semaphore, #tpu.memory_space<semaphore_mem>>)
    %dma_wait3A_49 = arith.constant 0 : i32
    %dma_wait3A_50 = tpu.memref_slice %arg2[%dma_wait3A_49] : memref<2000000xi32, #tpu.memory_space<hbm>> -> memref<2000000xi32, #tpu.memory_space<hbm>>
    tpu.wait_indirect_dma semaphore(%arg19 : memref<!tpu.dma_semaphore, #tpu.memory_space<semaphore_mem>>) src(%dma_wait3A_50 : memref<2000000xi32, #tpu.memory_space<hbm>>) dst(%arg11 : memref<5216xi32, #tpu.memory_space<vmem>>)
    %dma_wait3A_51 = arith.constant 0 : i32
    %dma_wait3A_52 = tpu.memref_slice %arg3[%dma_wait3A_51] : memref<2000000xi32, #tpu.memory_space<hbm>> -> memref<2000000xi32, #tpu.memory_space<hbm>>
    tpu.wait_indirect_dma semaphore(%arg20 : memref<!tpu.dma_semaphore, #tpu.memory_space<semaphore_mem>>) src(%dma_wait3A_52 : memref<2000000xi32, #tpu.memory_space<hbm>>) dst(%arg13 : memref<5216xi32, #tpu.memory_space<vmem>>)
    %dma_wait3A_53 = arith.constant 0 : i32
    %dma_wait3A_54 = tpu.memref_slice %arg4[%dma_wait3A_53] : memref<2000000xi32, #tpu.memory_space<hbm>> -> memref<2000000xi32, #tpu.memory_space<hbm>>
    tpu.wait_indirect_dma semaphore(%arg21 : memref<!tpu.dma_semaphore, #tpu.memory_space<semaphore_mem>>) src(%dma_wait3A_54 : memref<2000000xi32, #tpu.memory_space<hbm>>) dst(%arg15 : memref<5216xi32, #tpu.memory_space<vmem>>)
    %dma_wait3A_55 = arith.constant 0 : i32
    %dma_wait3A_56 = tpu.memref_slice %arg18[%dma_wait3A_55] : memref<1048576xi32, #tpu.memory_space<vmem_shared>> -> memref<1048576xi32, #tpu.memory_space<vmem_shared>>
    tpu.wait_indirect_dma semaphore(%arg22 : memref<!tpu.dma_semaphore, #tpu.memory_space<semaphore_mem>>) src(%arg16 : memref<5216xi32, #tpu.memory_space<vmem>>) dst(%dma_wait3A_56 : memref<1048576xi32, #tpu.memory_space<vmem_shared>>)
    %dma_wait3A_57 = arith.constant 0 : i32
    %dma_wait3A_58 = tpu.memref_slice %arg18[%dma_wait3A_57] : memref<1048576xi32, #tpu.memory_space<vmem_shared>> -> memref<1048576xi32, #tpu.memory_space<vmem_shared>>
    tpu.wait_indirect_dma semaphore(%arg23 : memref<!tpu.dma_semaphore, #tpu.memory_space<semaphore_mem>>) src(%arg16 : memref<5216xi32, #tpu.memory_space<vmem>>) dst(%dma_wait3A_58 : memref<1048576xi32, #tpu.memory_space<vmem_shared>>)
    %dma_wait3A_59 = arith.constant 0 : i32
    %dma_wait3A_60 = tpu.memref_slice %arg18[%dma_wait3A_59] : memref<1048576xi32, #tpu.memory_space<vmem_shared>> -> memref<1048576xi32, #tpu.memory_space<vmem_shared>>
    tpu.wait_indirect_dma semaphore(%arg24 : memref<!tpu.dma_semaphore, #tpu.memory_space<semaphore_mem>>) src(%arg16 : memref<5216xi32, #tpu.memory_space<vmem>>) dst(%dma_wait3A_60 : memref<1048576xi32, #tpu.memory_space<vmem_shared>>)
    %dma_start3A_61 = arith.constant 0 : i32
    %dma_start3A_62 = tpu.memref_slice %arg18[%dma_start3A_61] : memref<1048576xi32, #tpu.memory_space<vmem_shared>> -> memref<1048576xi32, #tpu.memory_space<vmem_shared>>
    tpu.enqueue_indirect_dma source(%arg16 : memref<5216xi32, #tpu.memory_space<vmem>>) target(%dma_start3A_62 : memref<1048576xi32, #tpu.memory_space<vmem_shared>>) offsets(%arg11 : memref<5216xi32, #tpu.memory_space<vmem>>) semaphore(%arg22 : memref<!tpu.dma_semaphore, #tpu.memory_space<semaphore_mem>>)
    %dma_start3A_63 = arith.constant 0 : i32
    %dma_start3A_64 = tpu.memref_slice %arg18[%dma_start3A_63] : memref<1048576xi32, #tpu.memory_space<vmem_shared>> -> memref<1048576xi32, #tpu.memory_space<vmem_shared>>
    tpu.enqueue_indirect_dma source(%arg16 : memref<5216xi32, #tpu.memory_space<vmem>>) target(%dma_start3A_64 : memref<1048576xi32, #tpu.memory_space<vmem_shared>>) offsets(%arg13 : memref<5216xi32, #tpu.memory_space<vmem>>) semaphore(%arg23 : memref<!tpu.dma_semaphore, #tpu.memory_space<semaphore_mem>>)
    %dma_start3A_65 = arith.constant 0 : i32
    %dma_start3A_66 = tpu.memref_slice %arg18[%dma_start3A_65] : memref<1048576xi32, #tpu.memory_space<vmem_shared>> -> memref<1048576xi32, #tpu.memory_space<vmem_shared>>
    tpu.enqueue_indirect_dma source(%arg16 : memref<5216xi32, #tpu.memory_space<vmem>>) target(%dma_start3A_66 : memref<1048576xi32, #tpu.memory_space<vmem_shared>>) offsets(%arg15 : memref<5216xi32, #tpu.memory_space<vmem>>) semaphore(%arg24 : memref<!tpu.dma_semaphore, #tpu.memory_space<semaphore_mem>>)
    %add3A_67 = arith.constant 10432 : i32
    %add3A_68 = arith.addi %mul3A_15, %add3A_67 : i32
    "tpu.region"() ({
      %run_scoped3A = tpu.sem_alloc : memref<!tpu.dma_semaphore, #tpu.memory_space<semaphore_mem>>
      %dma_start3A_107 = tpu.memref_slice %arg5[%add3A_68] : memref<500736xi32, #tpu.memory_space<hbm>> -> memref<5216xi32, #tpu.memory_space<hbm>>
      %dma_start3A_108 = tpu.memref_slice %arg5[%add3A_68] : memref<500736xi32, #tpu.memory_space<hbm>> -> memref<5216xi32, #tpu.memory_space<hbm>>
      tpu.enqueue_dma source(%dma_start3A_108 : memref<5216xi32, #tpu.memory_space<hbm>>) target(%arg8 : memref<5216xi32, #tpu.memory_space<vmem>>) target_semaphore(%run_scoped3A : memref<!tpu.dma_semaphore, #tpu.memory_space<semaphore_mem>>)
      %dma_wait3A_109 = tpu.memref_slice %arg5[%add3A_68] : memref<500736xi32, #tpu.memory_space<hbm>> -> memref<5216xi32, #tpu.memory_space<hbm>>
      %dma_wait3A_110 = tpu.memref_slice %arg5[%add3A_68] : memref<500736xi32, #tpu.memory_space<hbm>> -> memref<5216xi32, #tpu.memory_space<hbm>>
      tpu.wait_dma2 semaphore(%run_scoped3A : memref<!tpu.dma_semaphore, #tpu.memory_space<semaphore_mem>>) src(%dma_wait3A_110 : memref<5216xi32, #tpu.memory_space<hbm>>) dst(%arg8 : memref<5216xi32, #tpu.memory_space<vmem>>)
      tpu.yield
    }) : () -> ()
    %dma_start3A_69 = arith.constant 0 : i32
    %dma_start3A_70 = tpu.memref_slice %arg2[%dma_start3A_69] : memref<2000000xi32, #tpu.memory_space<hbm>> -> memref<2000000xi32, #tpu.memory_space<hbm>>
    tpu.enqueue_indirect_dma source(%dma_start3A_70 : memref<2000000xi32, #tpu.memory_space<hbm>>) target(%arg10 : memref<5216xi32, #tpu.memory_space<vmem>>) offsets(%arg8 : memref<5216xi32, #tpu.memory_space<vmem>>) semaphore(%arg19 : memref<!tpu.dma_semaphore, #tpu.memory_space<semaphore_mem>>)
    %dma_start3A_71 = arith.constant 0 : i32
    %dma_start3A_72 = tpu.memref_slice %arg3[%dma_start3A_71] : memref<2000000xi32, #tpu.memory_space<hbm>> -> memref<2000000xi32, #tpu.memory_space<hbm>>
    tpu.enqueue_indirect_dma source(%dma_start3A_72 : memref<2000000xi32, #tpu.memory_space<hbm>>) target(%arg12 : memref<5216xi32, #tpu.memory_space<vmem>>) offsets(%arg8 : memref<5216xi32, #tpu.memory_space<vmem>>) semaphore(%arg20 : memref<!tpu.dma_semaphore, #tpu.memory_space<semaphore_mem>>)
    %dma_start3A_73 = arith.constant 0 : i32
    %dma_start3A_74 = tpu.memref_slice %arg4[%dma_start3A_73] : memref<2000000xi32, #tpu.memory_space<hbm>> -> memref<2000000xi32, #tpu.memory_space<hbm>>
    tpu.enqueue_indirect_dma source(%dma_start3A_74 : memref<2000000xi32, #tpu.memory_space<hbm>>) target(%arg14 : memref<5216xi32, #tpu.memory_space<vmem>>) offsets(%arg8 : memref<5216xi32, #tpu.memory_space<vmem>>) semaphore(%arg21 : memref<!tpu.dma_semaphore, #tpu.memory_space<semaphore_mem>>)
    %dma_wait3A_75 = arith.constant 0 : i32
    %dma_wait3A_76 = tpu.memref_slice %arg2[%dma_wait3A_75] : memref<2000000xi32, #tpu.memory_space<hbm>> -> memref<2000000xi32, #tpu.memory_space<hbm>>
    tpu.wait_indirect_dma semaphore(%arg19 : memref<!tpu.dma_semaphore, #tpu.memory_space<semaphore_mem>>) src(%dma_wait3A_76 : memref<2000000xi32, #tpu.memory_space<hbm>>) dst(%arg10 : memref<5216xi32, #tpu.memory_space<vmem>>)
    %dma_wait3A_77 = arith.constant 0 : i32
    %dma_wait3A_78 = tpu.memref_slice %arg3[%dma_wait3A_77] : memref<2000000xi32, #tpu.memory_space<hbm>> -> memref<2000000xi32, #tpu.memory_space<hbm>>
    tpu.wait_indirect_dma semaphore(%arg20 : memref<!tpu.dma_semaphore, #tpu.memory_space<semaphore_mem>>) src(%dma_wait3A_78 : memref<2000000xi32, #tpu.memory_space<hbm>>) dst(%arg12 : memref<5216xi32, #tpu.memory_space<vmem>>)
    %dma_wait3A_79 = arith.constant 0 : i32
    %dma_wait3A_80 = tpu.memref_slice %arg4[%dma_wait3A_79] : memref<2000000xi32, #tpu.memory_space<hbm>> -> memref<2000000xi32, #tpu.memory_space<hbm>>
    tpu.wait_indirect_dma semaphore(%arg21 : memref<!tpu.dma_semaphore, #tpu.memory_space<semaphore_mem>>) src(%dma_wait3A_80 : memref<2000000xi32, #tpu.memory_space<hbm>>) dst(%arg14 : memref<5216xi32, #tpu.memory_space<vmem>>)
    %dma_wait3A_81 = arith.constant 0 : i32
    %dma_wait3A_82 = tpu.memref_slice %arg18[%dma_wait3A_81] : memref<1048576xi32, #tpu.memory_space<vmem_shared>> -> memref<1048576xi32, #tpu.memory_space<vmem_shared>>
    tpu.wait_indirect_dma semaphore(%arg22 : memref<!tpu.dma_semaphore, #tpu.memory_space<semaphore_mem>>) src(%arg16 : memref<5216xi32, #tpu.memory_space<vmem>>) dst(%dma_wait3A_82 : memref<1048576xi32, #tpu.memory_space<vmem_shared>>)
    %dma_wait3A_83 = arith.constant 0 : i32
    %dma_wait3A_84 = tpu.memref_slice %arg18[%dma_wait3A_83] : memref<1048576xi32, #tpu.memory_space<vmem_shared>> -> memref<1048576xi32, #tpu.memory_space<vmem_shared>>
    tpu.wait_indirect_dma semaphore(%arg23 : memref<!tpu.dma_semaphore, #tpu.memory_space<semaphore_mem>>) src(%arg16 : memref<5216xi32, #tpu.memory_space<vmem>>) dst(%dma_wait3A_84 : memref<1048576xi32, #tpu.memory_space<vmem_shared>>)
    %dma_wait3A_85 = arith.constant 0 : i32
    %dma_wait3A_86 = tpu.memref_slice %arg18[%dma_wait3A_85] : memref<1048576xi32, #tpu.memory_space<vmem_shared>> -> memref<1048576xi32, #tpu.memory_space<vmem_shared>>
    tpu.wait_indirect_dma semaphore(%arg24 : memref<!tpu.dma_semaphore, #tpu.memory_space<semaphore_mem>>) src(%arg16 : memref<5216xi32, #tpu.memory_space<vmem>>) dst(%dma_wait3A_86 : memref<1048576xi32, #tpu.memory_space<vmem_shared>>)
    %dma_start3A_87 = arith.constant 0 : i32
    %dma_start3A_88 = tpu.memref_slice %arg18[%dma_start3A_87] : memref<1048576xi32, #tpu.memory_space<vmem_shared>> -> memref<1048576xi32, #tpu.memory_space<vmem_shared>>
    tpu.enqueue_indirect_dma source(%arg16 : memref<5216xi32, #tpu.memory_space<vmem>>) target(%dma_start3A_88 : memref<1048576xi32, #tpu.memory_space<vmem_shared>>) offsets(%arg10 : memref<5216xi32, #tpu.memory_space<vmem>>) semaphore(%arg22 : memref<!tpu.dma_semaphore, #tpu.memory_space<semaphore_mem>>)
    %dma_start3A_89 = arith.constant 0 : i32
    %dma_start3A_90 = tpu.memref_slice %arg18[%dma_start3A_89] : memref<1048576xi32, #tpu.memory_space<vmem_shared>> -> memref<1048576xi32, #tpu.memory_space<vmem_shared>>
    tpu.enqueue_indirect_dma source(%arg16 : memref<5216xi32, #tpu.memory_space<vmem>>) target(%dma_start3A_90 : memref<1048576xi32, #tpu.memory_space<vmem_shared>>) offsets(%arg12 : memref<5216xi32, #tpu.memory_space<vmem>>) semaphore(%arg23 : memref<!tpu.dma_semaphore, #tpu.memory_space<semaphore_mem>>)
    %dma_start3A_91 = arith.constant 0 : i32
    %dma_start3A_92 = tpu.memref_slice %arg18[%dma_start3A_91] : memref<1048576xi32, #tpu.memory_space<vmem_shared>> -> memref<1048576xi32, #tpu.memory_space<vmem_shared>>
    tpu.enqueue_indirect_dma source(%arg16 : memref<5216xi32, #tpu.memory_space<vmem>>) target(%dma_start3A_92 : memref<1048576xi32, #tpu.memory_space<vmem_shared>>) offsets(%arg14 : memref<5216xi32, #tpu.memory_space<vmem>>) semaphore(%arg24 : memref<!tpu.dma_semaphore, #tpu.memory_space<semaphore_mem>>)
    %dma_wait3A_93 = arith.constant 0 : i32
    %dma_wait3A_94 = tpu.memref_slice %arg18[%dma_wait3A_93] : memref<1048576xi32, #tpu.memory_space<vmem_shared>> -> memref<1048576xi32, #tpu.memory_space<vmem_shared>>
    tpu.wait_indirect_dma semaphore(%arg22 : memref<!tpu.dma_semaphore, #tpu.memory_space<semaphore_mem>>) src(%arg16 : memref<5216xi32, #tpu.memory_space<vmem>>) dst(%dma_wait3A_94 : memref<1048576xi32, #tpu.memory_space<vmem_shared>>)
    %dma_wait3A_95 = arith.constant 0 : i32
    %dma_wait3A_96 = tpu.memref_slice %arg18[%dma_wait3A_95] : memref<1048576xi32, #tpu.memory_space<vmem_shared>> -> memref<1048576xi32, #tpu.memory_space<vmem_shared>>
    tpu.wait_indirect_dma semaphore(%arg23 : memref<!tpu.dma_semaphore, #tpu.memory_space<semaphore_mem>>) src(%arg16 : memref<5216xi32, #tpu.memory_space<vmem>>) dst(%dma_wait3A_96 : memref<1048576xi32, #tpu.memory_space<vmem_shared>>)
    %dma_wait3A_97 = arith.constant 0 : i32
    %dma_wait3A_98 = tpu.memref_slice %arg18[%dma_wait3A_97] : memref<1048576xi32, #tpu.memory_space<vmem_shared>> -> memref<1048576xi32, #tpu.memory_space<vmem_shared>>
    tpu.wait_indirect_dma semaphore(%arg24 : memref<!tpu.dma_semaphore, #tpu.memory_space<semaphore_mem>>) src(%arg16 : memref<5216xi32, #tpu.memory_space<vmem>>) dst(%dma_wait3A_98 : memref<1048576xi32, #tpu.memory_space<vmem_shared>>)
    %barrier3A_99 = arith.constant 0 : index
    tpu.barrier barrier_id(%barrier3A_99)
    %eq3A = arith.constant 0 : i32
    %eq3A_100 = arith.cmpi eq, %arg0, %eq3A : i32
    %convert_element_type3A = arith.extui %eq3A_100 : i1 to i32
    %cond3A = arith.constant 0 : i32
    %cond3A_101 = arith.cmpi ne, %convert_element_type3A, %cond3A : i32
    scf.if %cond3A_101 {
      %mul3A_107 = arith.constant 65536 : i32
      %mul3A_108 = arith.muli %arg1, %mul3A_107 : i32
      %mul3A_109 = arith.constant 65536 : i32
      %mul3A_110 = arith.muli %arg1, %mul3A_109 : i32
      "tpu.region"() ({
        %run_scoped3A = tpu.sem_alloc : memref<!tpu.dma_semaphore, #tpu.memory_space<semaphore_mem>>
        %dma_start3A_111 = tpu.memref_slice %arg6[%mul3A_110] : memref<1048576xi32, #tpu.memory_space<hbm>> -> memref<65536xi32, #tpu.memory_space<hbm>>
        %dma_start3A_112 = tpu.memref_slice %arg18[%mul3A_108] : memref<1048576xi32, #tpu.memory_space<vmem_shared>> -> memref<65536xi32, #tpu.memory_space<vmem_shared>>
        tpu.enqueue_dma source(%dma_start3A_112 : memref<65536xi32, #tpu.memory_space<vmem_shared>>) target(%dma_start3A_111 : memref<65536xi32, #tpu.memory_space<hbm>>) target_semaphore(%run_scoped3A : memref<!tpu.dma_semaphore, #tpu.memory_space<semaphore_mem>>)
        %dma_wait3A_113 = tpu.memref_slice %arg6[%mul3A_110] : memref<1048576xi32, #tpu.memory_space<hbm>> -> memref<65536xi32, #tpu.memory_space<hbm>>
        %dma_wait3A_114 = tpu.memref_slice %arg18[%mul3A_108] : memref<1048576xi32, #tpu.memory_space<vmem_shared>> -> memref<65536xi32, #tpu.memory_space<vmem_shared>>
        tpu.wait_dma2 semaphore(%run_scoped3A : memref<!tpu.dma_semaphore, #tpu.memory_space<semaphore_mem>>) src(%dma_wait3A_114 : memref<65536xi32, #tpu.memory_space<vmem_shared>>) dst(%dma_wait3A_113 : memref<65536xi32, #tpu.memory_space<hbm>>)
        tpu.yield
      }) : () -> ()
    } else {
    }
    %eq3A_102 = arith.constant 1 : i32
    %eq3A_103 = arith.cmpi eq, %arg0, %eq3A_102 : i32
    %convert_element_type3A_104 = arith.extui %eq3A_103 : i1 to i32
    %cond3A_105 = arith.constant 0 : i32
    %cond3A_106 = arith.cmpi ne, %convert_element_type3A_104, %cond3A_105 : i32
    scf.if %cond3A_106 {
      %mul3A_107 = arith.constant 65536 : i32
      %mul3A_108 = arith.muli %arg1, %mul3A_107 : i32
      %mul3A_109 = arith.constant 65536 : i32
      %mul3A_110 = arith.muli %arg1, %mul3A_109 : i32
      "tpu.region"() ({
        %run_scoped3A = tpu.sem_alloc : memref<!tpu.dma_semaphore, #tpu.memory_space<semaphore_mem>>
        %dma_start3A_111 = tpu.memref_slice %arg7[%mul3A_110] : memref<1048576xi32, #tpu.memory_space<hbm>> -> memref<65536xi32, #tpu.memory_space<hbm>>
        %dma_start3A_112 = tpu.memref_slice %arg18[%mul3A_108] : memref<1048576xi32, #tpu.memory_space<vmem_shared>> -> memref<65536xi32, #tpu.memory_space<vmem_shared>>
        tpu.enqueue_dma source(%dma_start3A_112 : memref<65536xi32, #tpu.memory_space<vmem_shared>>) target(%dma_start3A_111 : memref<65536xi32, #tpu.memory_space<hbm>>) target_semaphore(%run_scoped3A : memref<!tpu.dma_semaphore, #tpu.memory_space<semaphore_mem>>)
        %dma_wait3A_113 = tpu.memref_slice %arg7[%mul3A_110] : memref<1048576xi32, #tpu.memory_space<hbm>> -> memref<65536xi32, #tpu.memory_space<hbm>>
        %dma_wait3A_114 = tpu.memref_slice %arg18[%mul3A_108] : memref<1048576xi32, #tpu.memory_space<vmem_shared>> -> memref<65536xi32, #tpu.memory_space<vmem_shared>>
        tpu.wait_dma2 semaphore(%run_scoped3A : memref<!tpu.dma_semaphore, #tpu.memory_space<semaphore_mem>>) src(%dma_wait3A_114 : memref<65536xi32, #tpu.memory_space<vmem_shared>>) dst(%dma_wait3A_113 : memref<65536xi32, #tpu.memory_space<hbm>>)
        tpu.yield
      }) : () -> ()
    } else {
    }
    return
  }
}

#map = affine_map<(d0, d1) -> (0)>
#map1 = affine_map<(d0, d1) -> (0, 0)>
module attributes {stable_mosaic.version = 14 : i64} {
  func.func @_k2c(%arg0: i32, %arg1: i32, %arg2: memref<1048576xi32, #tpu.memory_space<hbm>>, %arg3: memref<32x16xi32, #tpu.memory_space<hbm>>, %arg4: memref<32x64xi32, #tpu.memory_space<hbm>>, %arg5: memref<1002560xf32, #tpu.memory_space<hbm>>, %arg6: memref<1002560xf32, #tpu.memory_space<hbm>>, %arg7: memref<1002560xf32, #tpu.memory_space<hbm>>, %arg8: memref<3000000xf32, #tpu.memory_space<hbm>>, %arg9: memref<32x16xi32, #tpu.memory_space<vmem>>, %arg10: memref<64xi32, #tpu.memory_space<vmem>>, %arg11: memref<80xi32, #tpu.memory_space<vmem>>, %arg12: memref<2048xi32, #tpu.memory_space<vmem>>, %arg13: memref<6168xf32, #tpu.memory_space<vmem>>, %arg14: memref<6144xf32, #tpu.memory_space<vmem>>, %arg15: memref<!tpu.dma_semaphore, #tpu.memory_space<semaphore_mem>>, %arg16: memref<!tpu.dma_semaphore, #tpu.memory_space<semaphore_mem>>, %arg17: memref<!tpu.dma_semaphore, #tpu.memory_space<semaphore_mem>>) attributes {dimension_semantics = [#tpu.dimension_semantics<core_parallel>, #tpu.dimension_semantics<subcore_parallel>], iteration_bounds = array<i64: 2, 16>, scalar_prefetch = 0 : i64, scratch_operands = 9 : i64, tpu.core_type = #tpu.core_type<sc_vector_subcore>, window_params = [{transform_indices = #map}, {transform_indices = #map1}, {transform_indices = #map1}, {transform_indices = #map}, {transform_indices = #map}, {transform_indices = #map}, {transform_indices = #map}]} {
    %mul3A = arith.constant 2 : i32
    %mul3A_0 = arith.muli %arg1, %mul3A : i32
    %add3A = arith.addi %mul3A_0, %arg0 : i32
    "tpu.region"() ({
      %run_scoped3A = tpu.sem_alloc : memref<!tpu.dma_semaphore, #tpu.memory_space<semaphore_mem>>
      tpu.enqueue_dma source(%arg3 : memref<32x16xi32, #tpu.memory_space<hbm>>) target(%arg9 : memref<32x16xi32, #tpu.memory_space<vmem>>) target_semaphore(%run_scoped3A : memref<!tpu.dma_semaphore, #tpu.memory_space<semaphore_mem>>)
      tpu.wait_dma2 semaphore(%run_scoped3A : memref<!tpu.dma_semaphore, #tpu.memory_space<semaphore_mem>>) src(%arg3 : memref<32x16xi32, #tpu.memory_space<hbm>>) dst(%arg9 : memref<32x16xi32, #tpu.memory_space<vmem>>)
      tpu.yield
    }) : () -> ()
    "tpu.region"() ({
      %run_scoped3A = tpu.sem_alloc : memref<!tpu.dma_semaphore, #tpu.memory_space<semaphore_mem>>
      %dma_start3A = arith.constant 0 : i32
      %dma_start3A_126 = tpu.memref_slice %arg4[%add3A, %dma_start3A] : memref<32x64xi32, #tpu.memory_space<hbm>> -> memref<1x64xi32, #tpu.memory_space<hbm>>
      %dma_start3A_127 = tpu.memref_squeeze %dma_start3A_126 : memref<1x64xi32, #tpu.memory_space<hbm>> -> memref<64xi32, #tpu.memory_space<hbm>>
      %dma_start3A_128 = arith.constant 0 : i32
      %dma_start3A_129 = tpu.memref_slice %arg4[%add3A, %dma_start3A_128] : memref<32x64xi32, #tpu.memory_space<hbm>> -> memref<1x64xi32, #tpu.memory_space<hbm>>
      %dma_start3A_130 = tpu.memref_squeeze %dma_start3A_129 : memref<1x64xi32, #tpu.memory_space<hbm>> -> memref<64xi32, #tpu.memory_space<hbm>>
      tpu.enqueue_dma source(%dma_start3A_130 : memref<64xi32, #tpu.memory_space<hbm>>) target(%arg10 : memref<64xi32, #tpu.memory_space<vmem>>) target_semaphore(%run_scoped3A : memref<!tpu.dma_semaphore, #tpu.memory_space<semaphore_mem>>)
      %dma_wait3A = arith.constant 0 : i32
      %dma_wait3A_131 = tpu.memref_slice %arg4[%add3A, %dma_wait3A] : memref<32x64xi32, #tpu.memory_space<hbm>> -> memref<1x64xi32, #tpu.memory_space<hbm>>
      %dma_wait3A_132 = tpu.memref_squeeze %dma_wait3A_131 : memref<1x64xi32, #tpu.memory_space<hbm>> -> memref<64xi32, #tpu.memory_space<hbm>>
      %dma_wait3A_133 = arith.constant 0 : i32
      %dma_wait3A_134 = tpu.memref_slice %arg4[%add3A, %dma_wait3A_133] : memref<32x64xi32, #tpu.memory_space<hbm>> -> memref<1x64xi32, #tpu.memory_space<hbm>>
      %dma_wait3A_135 = tpu.memref_squeeze %dma_wait3A_134 : memref<1x64xi32, #tpu.memory_space<hbm>> -> memref<64xi32, #tpu.memory_space<hbm>>
      tpu.wait_dma2 semaphore(%run_scoped3A : memref<!tpu.dma_semaphore, #tpu.memory_space<semaphore_mem>>) src(%dma_wait3A_135 : memref<64xi32, #tpu.memory_space<hbm>>) dst(%arg10 : memref<64xi32, #tpu.memory_space<vmem>>)
      tpu.yield
    }) : () -> ()
    %iota3A = tpu.iota {dimensions = array<i32: 0>} : vector<16xi32>
    %broadcast_in_dim3A = arith.constant 0 : i32
    %broadcast_in_dim3A_1 = vector.broadcast %broadcast_in_dim3A : i32 to vector<16xi32>
    %gather3A = tpu.vector_load_idx %arg9[%iota3A, %broadcast_in_dim3A_1] : memref<32x16xi32, #tpu.memory_space<vmem>>[vector<16xi32>, vector<16xi32>], vector<16xi32>,
    %add3A_2 = arith.constant 16 : i32
    %add3A_3 = vector.broadcast %add3A_2 : i32 to vector<16xi32>
    %add3A_4 = arith.addi %iota3A, %add3A_3 : vector<16xi32>
    %gather3A_5 = tpu.vector_load_idx %arg9[%add3A_4, %broadcast_in_dim3A_1] : memref<32x16xi32, #tpu.memory_space<vmem>>[vector<16xi32>, vector<16xi32>], vector<16xi32>,
    %min3A = arith.constant 16 : i32
    %min3A_6 = arith.minsi %add3A, %min3A : i32
    %lt3A = vector.broadcast %min3A_6 : i32 to vector<16xi32>
    %lt3A_7 = arith.cmpi slt, %iota3A, %lt3A : vector<16xi32>
    %jit3A = arith.constant 0 : i32
    %broadcast_in_dim3A_8 = vector.broadcast %jit3A : i32 to vector<16xi32>
    %select_n3A = arith.select %lt3A_7, %gather3A, %broadcast_in_dim3A_8 : vector<16xi1>, vector<16xi32>
    %reduce_sum3A = arith.constant true
    %reduce_sum3A_9 = vector.broadcast %reduce_sum3A : i1 to vector<16xi1>
    %reduce_sum3A_10 = tpu.scan <sum>, %select_n3A masked %reduce_sum3A_9 : vector<16xi32>, vector<16xi1> -> vector<16xi32>
    %reduce_sum3A_11 = vector.extract %reduce_sum3A_10[15] : i32 from vector<16xi32>
    %sub3A = arith.constant 16 : i32
    %sub3A_12 = arith.subi %add3A, %sub3A : i32
    %lt3A_13 = vector.broadcast %sub3A_12 : i32 to vector<16xi32>
    %lt3A_14 = arith.cmpi slt, %iota3A, %lt3A_13 : vector<16xi32>
    %jit3A_15 = arith.constant 0 : i32
    %broadcast_in_dim3A_16 = vector.broadcast %jit3A_15 : i32 to vector<16xi32>
    %select_n3A_17 = arith.select %lt3A_14, %gather3A_5, %broadcast_in_dim3A_16 : vector<16xi1>, vector<16xi32>
    %reduce_sum3A_18 = arith.constant true
    %reduce_sum3A_19 = vector.broadcast %reduce_sum3A_18 : i1 to vector<16xi1>
    %reduce_sum3A_20 = tpu.scan <sum>, %select_n3A_17 masked %reduce_sum3A_19 : vector<16xi32>, vector<16xi1> -> vector<16xi32>
    %reduce_sum3A_21 = vector.extract %reduce_sum3A_20[15] : i32 from vector<16xi32>
    %add3A_22 = arith.addi %reduce_sum3A_11, %reduce_sum3A_21 : i32
    %get3A = arith.constant 0 : index
    %get3A_23 = tpu.vector_load %arg10[%get3A] {strides = array<i32>} : memref<64xi32, #tpu.memory_space<vmem>>, vector<16xi32>,
    %broadcast_in_dim3A_24 = arith.constant true
    %broadcast_in_dim3A_25 = vector.broadcast %broadcast_in_dim3A_24 : i1 to vector<16xi1>
    %masked_cumsum3A = tpu.scan <sum>, %get3A_23 masked %broadcast_in_dim3A_25 : vector<16xi32>, vector<16xi1> -> vector<16xi32>
    %sub3A_26 = arith.subi %masked_cumsum3A, %get3A_23 : vector<16xi32>
    %add3A_27 = vector.broadcast %add3A_22 : i32 to vector<16xi32>
    %add3A_28 = arith.addi %sub3A_26, %add3A_27 : vector<16xi32>
    %swap3A = arith.constant 0 : index
    %swap3A_29 = tpu.vector_load %arg11[%swap3A] {strides = array<i32>} : memref<80xi32, #tpu.memory_space<vmem>>, vector<16xi32>,
    tpu.vector_store %arg11[%swap3A], %add3A_28 {strides = array<i32>} : memref<80xi32, #tpu.memory_space<vmem>>, vector<16xi32>,
    %reduce_sum3A_30 = arith.constant true
    %reduce_sum3A_31 = vector.broadcast %reduce_sum3A_30 : i1 to vector<16xi1>
    %reduce_sum3A_32 = tpu.scan <sum>, %get3A_23 masked %reduce_sum3A_31 : vector<16xi32>, vector<16xi1> -> vector<16xi32>
    %reduce_sum3A_33 = vector.extract %reduce_sum3A_32[15] : i32 from vector<16xi32>
    %add3A_34 = arith.addi %add3A_22, %reduce_sum3A_33 : i32
    %get3A_35 = arith.constant 16 : index
    %get3A_36 = tpu.vector_load %arg10[%get3A_35] {strides = array<i32>} : memref<64xi32, #tpu.memory_space<vmem>>, vector<16xi32>,
    %broadcast_in_dim3A_37 = arith.constant true
    %broadcast_in_dim3A_38 = vector.broadcast %broadcast_in_dim3A_37 : i1 to vector<16xi1>
    %masked_cumsum3A_39 = tpu.scan <sum>, %get3A_36 masked %broadcast_in_dim3A_38 : vector<16xi32>, vector<16xi1> -> vector<16xi32>
    %sub3A_40 = arith.subi %masked_cumsum3A_39, %get3A_36 : vector<16xi32>
    %add3A_41 = vector.broadcast %add3A_34 : i32 to vector<16xi32>
    %add3A_42 = arith.addi %sub3A_40, %add3A_41 : vector<16xi32>
    %swap3A_43 = arith.constant 16 : index
    %swap3A_44 = tpu.vector_load %arg11[%swap3A_43] {strides = array<i32>} : memref<80xi32, #tpu.memory_space<vmem>>, vector<16xi32>,
    tpu.vector_store %arg11[%swap3A_43], %add3A_42 {strides = array<i32>} : memref<80xi32, #tpu.memory_space<vmem>>, vector<16xi32>,
    %reduce_sum3A_45 = arith.constant true
    %reduce_sum3A_46 = vector.broadcast %reduce_sum3A_45 : i1 to vector<16xi1>
    %reduce_sum3A_47 = tpu.scan <sum>, %get3A_36 masked %reduce_sum3A_46 : vector<16xi32>, vector<16xi1> -> vector<16xi32>
    %reduce_sum3A_48 = vector.extract %reduce_sum3A_47[15] : i32 from vector<16xi32>
    %add3A_49 = arith.addi %add3A_34, %reduce_sum3A_48 : i32
    %get3A_50 = arith.constant 32 : index
    %get3A_51 = tpu.vector_load %arg10[%get3A_50] {strides = array<i32>} : memref<64xi32, #tpu.memory_space<vmem>>, vector<16xi32>,
    %broadcast_in_dim3A_52 = arith.constant true
    %broadcast_in_dim3A_53 = vector.broadcast %broadcast_in_dim3A_52 : i1 to vector<16xi1>
    %masked_cumsum3A_54 = tpu.scan <sum>, %get3A_51 masked %broadcast_in_dim3A_53 : vector<16xi32>, vector<16xi1> -> vector<16xi32>
    %sub3A_55 = arith.subi %masked_cumsum3A_54, %get3A_51 : vector<16xi32>
    %add3A_56 = vector.broadcast %add3A_49 : i32 to vector<16xi32>
    %add3A_57 = arith.addi %sub3A_55, %add3A_56 : vector<16xi32>
    %swap3A_58 = arith.constant 32 : index
    %swap3A_59 = tpu.vector_load %arg11[%swap3A_58] {strides = array<i32>} : memref<80xi32, #tpu.memory_space<vmem>>, vector<16xi32>,
    tpu.vector_store %arg11[%swap3A_58], %add3A_57 {strides = array<i32>} : memref<80xi32, #tpu.memory_space<vmem>>, vector<16xi32>,
    %reduce_sum3A_60 = arith.constant true
    %reduce_sum3A_61 = vector.broadcast %reduce_sum3A_60 : i1 to vector<16xi1>
    %reduce_sum3A_62 = tpu.scan <sum>, %get3A_51 masked %reduce_sum3A_61 : vector<16xi32>, vector<16xi1> -> vector<16xi32>
    %reduce_sum3A_63 = vector.extract %reduce_sum3A_62[15] : i32 from vector<16xi32>
    %add3A_64 = arith.addi %add3A_49, %reduce_sum3A_63 : i32
    %get3A_65 = arith.constant 48 : index
    %get3A_66 = tpu.vector_load %arg10[%get3A_65] {strides = array<i32>} : memref<64xi32, #tpu.memory_space<vmem>>, vector<16xi32>,
    %broadcast_in_dim3A_67 = arith.constant true
    %broadcast_in_dim3A_68 = vector.broadcast %broadcast_in_dim3A_67 : i1 to vector<16xi1>
    %masked_cumsum3A_69 = tpu.scan <sum>, %get3A_66 masked %broadcast_in_dim3A_68 : vector<16xi32>, vector<16xi1> -> vector<16xi32>
    %sub3A_70 = arith.subi %masked_cumsum3A_69, %get3A_66 : vector<16xi32>
    %add3A_71 = vector.broadcast %add3A_64 : i32 to vector<16xi32>
    %add3A_72 = arith.addi %sub3A_70, %add3A_71 : vector<16xi32>
    %swap3A_73 = arith.constant 48 : index
    %swap3A_74 = tpu.vector_load %arg11[%swap3A_73] {strides = array<i32>} : memref<80xi32, #tpu.memory_space<vmem>>, vector<16xi32>,
    tpu.vector_store %arg11[%swap3A_73], %add3A_72 {strides = array<i32>} : memref<80xi32, #tpu.memory_space<vmem>>, vector<16xi32>,
    %reduce_sum3A_75 = arith.constant true
    %reduce_sum3A_76 = vector.broadcast %reduce_sum3A_75 : i1 to vector<16xi1>
    %reduce_sum3A_77 = tpu.scan <sum>, %get3A_66 masked %reduce_sum3A_76 : vector<16xi32>, vector<16xi1> -> vector<16xi32>
    %reduce_sum3A_78 = vector.extract %reduce_sum3A_77[15] : i32 from vector<16xi32>
    %add3A_79 = arith.addi %add3A_64, %reduce_sum3A_78 : i32
    %mul3A_80 = arith.constant 32768 : i32
    %mul3A_81 = arith.muli %add3A, %mul3A_80 : i32
    %sub3A_82 = arith.constant 1000000 : i32
    %sub3A_83 = arith.subi %sub3A_82, %mul3A_81 : i32
    %jit3A_84 = arith.constant 2048 : i32
    %div3A = arith.divsi %sub3A_83, %jit3A_84 : i32
    %sign3A = arith.constant 0 : i32
    %sign3A_85 = arith.cmpi sgt, %sub3A_83, %sign3A : i32
    %sign3A_86 = arith.extui %sign3A_85 : i1 to i32
    %sign3A_87 = arith.constant 0 : i32
    %sign3A_88 = arith.cmpi slt, %sub3A_83, %sign3A_87 : i32
    %sign3A_89 = arith.extui %sign3A_88 : i1 to i32
    %sign3A_90 = arith.subi %sign3A_86, %sign3A_89 : i32
    %sign3A_91 = arith.constant 0 : i32
    %sign3A_92 = arith.cmpi sgt, %jit3A_84, %sign3A_91 : i32
    %sign3A_93 = arith.extui %sign3A_92 : i1 to i32
    %sign3A_94 = arith.constant 0 : i32
    %sign3A_95 = arith.cmpi slt, %jit3A_84, %sign3A_94 : i32
    %sign3A_96 = arith.extui %sign3A_95 : i1 to i32
    %sign3A_97 = arith.subi %sign3A_93, %sign3A_96 : i32
    %ne3A = arith.cmpi ne, %sign3A_90, %sign3A_97 : i32
    %rem3A = arith.remsi %sub3A_83, %jit3A_84 : i32
    %ne3A_98 = arith.constant 0 : i32
    %ne3A_99 = arith.cmpi ne, %rem3A, %ne3A_98 : i32
    %and3A = arith.andi %ne3A, %ne3A_99 : i1
    %sub3A_100 = arith.constant 1 : i32
    %sub3A_101 = arith.subi %div3A, %sub3A_100 : i32
    %select_n3A_102 = arith.select %and3A, %sub3A_101, %div3A : i32
    %jit3A_103 = arith.constant 0 : i32
    %jit3A_104 = arith.constant 16 : i32
    %max3A = arith.maxsi %jit3A_103, %select_n3A_102 : i32
    %min3A_105 = arith.minsi %jit3A_104, %max3A : i32
    %while3A = arith.constant 0 : i32
    %while3A_106 = arith.constant 0 : i32
    %while3A_107 = arith.subi %min3A_105, %while3A : i32
    %while3A_108 = arith.addi %while3A, %while3A_107 : i32
    %while3A_109 = arith.constant 1 : i32
    %while3A_110 = arith.divsi %while3A_107, %while3A_109 : i32
    %while3A_111 = arith.muli %while3A_110, %while3A_109 : i32
    %while3A_112 = arith.addi %while3A, %while3A_111 : i32
    %while3A_113 = arith.constant 1 : i32
    %while3A_114 = scf.for %while3A_126 = %while3A to %while3A_112 step %while3A_113 iter_args(%while3A_127 = %while3A_106) -> (i32)  : i32 {
      %mul3A_128 = arith.constant 2048 : i32
      %mul3A_129 = arith.muli %while3A_126, %mul3A_128 : i32
      %add3A_130 = arith.addi %mul3A_81, %mul3A_129 : i32
      %mul3A_131 = arith.constant 4 : i32
      %mul3A_132 = arith.muli %while3A_126, %mul3A_131 : i32
      %get3A_133 = arith.index_cast %mul3A_132 : i32 to index
      %get3A_134 = tpu.vector_load %arg11[%get3A_133] {strides = array<i32>} : memref<80xi32, #tpu.memory_space<vmem>>, vector<16xi32>,
      %slice3A = vector.extract_strided_slice %get3A_134 {offsets = [0], sizes = [1], strides = [1]} : vector<16xi32> to vector<1xi32>
      %squeeze3A = vector.extract %slice3A[0] : i32 from vector<1xi32>
      "tpu.region"() ({
        %run_scoped3A = tpu.sem_alloc : memref<!tpu.dma_semaphore, #tpu.memory_space<semaphore_mem>>
        %dma_start3A_231 = arith.constant 0 : i32
        %dma_start3A_232 = tpu.memref_slice %arg12[%dma_start3A_231] : memref<2048xi32, #tpu.memory_space<vmem>> -> memref<2048xi32, #tpu.memory_space<vmem>>
        %dma_start3A_233 = tpu.memref_slice %arg2[%add3A_130] : memref<1048576xi32, #tpu.memory_space<hbm>> -> memref<2048xi32, #tpu.memory_space<hbm>>
        %dma_start3A_234 = arith.constant 0 : i32
        %dma_start3A_235 = tpu.memref_slice %arg12[%dma_start3A_234] : memref<2048xi32, #tpu.memory_space<vmem>> -> memref<2048xi32, #tpu.memory_space<vmem>>
        %dma_start3A_236 = tpu.memref_slice %arg2[%add3A_130] : memref<1048576xi32, #tpu.memory_space<hbm>> -> memref<2048xi32, #tpu.memory_space<hbm>>
        tpu.enqueue_dma source(%dma_start3A_236 : memref<2048xi32, #tpu.memory_space<hbm>>) target(%dma_start3A_235 : memref<2048xi32, #tpu.memory_space<vmem>>) target_semaphore(%run_scoped3A : memref<!tpu.dma_semaphore, #tpu.memory_space<semaphore_mem>>)
        %dma_wait3A_237 = arith.constant 0 : i32
        %dma_wait3A_238 = tpu.memref_slice %arg12[%dma_wait3A_237] : memref<2048xi32, #tpu.memory_space<vmem>> -> memref<2048xi32, #tpu.memory_space<vmem>>
        %dma_wait3A_239 = tpu.memref_slice %arg2[%add3A_130] : memref<1048576xi32, #tpu.memory_space<hbm>> -> memref<2048xi32, #tpu.memory_space<hbm>>
        %dma_wait3A_240 = arith.constant 0 : i32
        %dma_wait3A_241 = tpu.memref_slice %arg12[%dma_wait3A_240] : memref<2048xi32, #tpu.memory_space<vmem>> -> memref<2048xi32, #tpu.memory_space<vmem>>
        %dma_wait3A_242 = tpu.memref_slice %arg2[%add3A_130] : memref<1048576xi32, #tpu.memory_space<hbm>> -> memref<2048xi32, #tpu.memory_space<hbm>>
        tpu.wait_dma2 semaphore(%run_scoped3A : memref<!tpu.dma_semaphore, #tpu.memory_space<semaphore_mem>>) src(%dma_wait3A_242 : memref<2048xi32, #tpu.memory_space<hbm>>) dst(%dma_wait3A_241 : memref<2048xi32, #tpu.memory_space<vmem>>)
        tpu.yield
      }) : () -> ()
      %and3A_135 = arith.constant -8 : i32
      %and3A_136 = arith.andi %squeeze3A, %and3A_135 : i32
      %multiple_of3A = tpu.assume_multiple %and3A_136, 8 : i32
      %dma_start3A = arith.constant 0 : i32
      %dma_start3A_137 = tpu.memref_slice %arg13[%dma_start3A] : memref<6168xf32, #tpu.memory_space<vmem>> -> memref<2056xf32, #tpu.memory_space<vmem>>
      %dma_start3A_138 = tpu.memref_slice %arg5[%multiple_of3A] : memref<1002560xf32, #tpu.memory_space<hbm>> -> memref<2056xf32, #tpu.memory_space<hbm>>
      %dma_start3A_139 = arith.constant 0 : i32
      %dma_start3A_140 = tpu.memref_slice %arg13[%dma_start3A_139] : memref<6168xf32, #tpu.memory_space<vmem>> -> memref<2056xf32, #tpu.memory_space<vmem>>
      %dma_start3A_141 = tpu.memref_slice %arg5[%multiple_of3A] : memref<1002560xf32, #tpu.memory_space<hbm>> -> memref<2056xf32, #tpu.memory_space<hbm>>
      tpu.enqueue_dma source(%dma_start3A_141 : memref<2056xf32, #tpu.memory_space<hbm>>) target(%dma_start3A_140 : memref<2056xf32, #tpu.memory_space<vmem>>) target_semaphore(%arg15 : memref<!tpu.dma_semaphore, #tpu.memory_space<semaphore_mem>>)
      %dma_start3A_142 = arith.constant 2056 : i32
      %dma_start3A_143 = tpu.memref_slice %arg13[%dma_start3A_142] : memref<6168xf32, #tpu.memory_space<vmem>> -> memref<2056xf32, #tpu.memory_space<vmem>>
      %dma_start3A_144 = tpu.memref_slice %arg6[%multiple_of3A] : memref<1002560xf32, #tpu.memory_space<hbm>> -> memref<2056xf32, #tpu.memory_space<hbm>>
      %dma_start3A_145 = arith.constant 2056 : i32
      %dma_start3A_146 = tpu.memref_slice %arg13[%dma_start3A_145] : memref<6168xf32, #tpu.memory_space<vmem>> -> memref<2056xf32, #tpu.memory_space<vmem>>
      %dma_start3A_147 = tpu.memref_slice %arg6[%multiple_of3A] : memref<1002560xf32, #tpu.memory_space<hbm>> -> memref<2056xf32, #tpu.memory_space<hbm>>
      tpu.enqueue_dma source(%dma_start3A_147 : memref<2056xf32, #tpu.memory_space<hbm>>) target(%dma_start3A_146 : memref<2056xf32, #tpu.memory_space<vmem>>) target_semaphore(%arg16 : memref<!tpu.dma_semaphore, #tpu.memory_space<semaphore_mem>>)
      %dma_start3A_148 = arith.constant 4112 : i32
      %dma_start3A_149 = tpu.memref_slice %arg13[%dma_start3A_148] : memref<6168xf32, #tpu.memory_space<vmem>> -> memref<2056xf32, #tpu.memory_space<vmem>>
      %dma_start3A_150 = tpu.memref_slice %arg7[%multiple_of3A] : memref<1002560xf32, #tpu.memory_space<hbm>> -> memref<2056xf32, #tpu.memory_space<hbm>>
      %dma_start3A_151 = arith.constant 4112 : i32
      %dma_start3A_152 = tpu.memref_slice %arg13[%dma_start3A_151] : memref<6168xf32, #tpu.memory_space<vmem>> -> memref<2056xf32, #tpu.memory_space<vmem>>
      %dma_start3A_153 = tpu.memref_slice %arg7[%multiple_of3A] : memref<1002560xf32, #tpu.memory_space<hbm>> -> memref<2056xf32, #tpu.memory_space<hbm>>
      tpu.enqueue_dma source(%dma_start3A_153 : memref<2056xf32, #tpu.memory_space<hbm>>) target(%dma_start3A_152 : memref<2056xf32, #tpu.memory_space<vmem>>) target_semaphore(%arg17 : memref<!tpu.dma_semaphore, #tpu.memory_space<semaphore_mem>>)
      %dma_wait3A = arith.constant 0 : i32
      %dma_wait3A_154 = tpu.memref_slice %arg13[%dma_wait3A] : memref<6168xf32, #tpu.memory_space<vmem>> -> memref<2056xf32, #tpu.memory_space<vmem>>
      %dma_wait3A_155 = tpu.memref_slice %arg5[%multiple_of3A] : memref<1002560xf32, #tpu.memory_space<hbm>> -> memref<2056xf32, #tpu.memory_space<hbm>>
      %dma_wait3A_156 = arith.constant 0 : i32
      %dma_wait3A_157 = tpu.memref_slice %arg13[%dma_wait3A_156] : memref<6168xf32, #tpu.memory_space<vmem>> -> memref<2056xf32, #tpu.memory_space<vmem>>
      %dma_wait3A_158 = tpu.memref_slice %arg5[%multiple_of3A] : memref<1002560xf32, #tpu.memory_space<hbm>> -> memref<2056xf32, #tpu.memory_space<hbm>>
      tpu.wait_dma2 semaphore(%arg15 : memref<!tpu.dma_semaphore, #tpu.memory_space<semaphore_mem>>) src(%dma_wait3A_158 : memref<2056xf32, #tpu.memory_space<hbm>>) dst(%dma_wait3A_157 : memref<2056xf32, #tpu.memory_space<vmem>>)
      %dma_wait3A_159 = arith.constant 2056 : i32
      %dma_wait3A_160 = tpu.memref_slice %arg13[%dma_wait3A_159] : memref<6168xf32, #tpu.memory_space<vmem>> -> memref<2056xf32, #tpu.memory_space<vmem>>
      %dma_wait3A_161 = tpu.memref_slice %arg6[%multiple_of3A] : memref<1002560xf32, #tpu.memory_space<hbm>> -> memref<2056xf32, #tpu.memory_space<hbm>>
      %dma_wait3A_162 = arith.constant 2056 : i32
      %dma_wait3A_163 = tpu.memref_slice %arg13[%dma_wait3A_162] : memref<6168xf32, #tpu.memory_space<vmem>> -> memref<2056xf32, #tpu.memory_space<vmem>>
      %dma_wait3A_164 = tpu.memref_slice %arg6[%multiple_of3A] : memref<1002560xf32, #tpu.memory_space<hbm>> -> memref<2056xf32, #tpu.memory_space<hbm>>
      tpu.wait_dma2 semaphore(%arg16 : memref<!tpu.dma_semaphore, #tpu.memory_space<semaphore_mem>>) src(%dma_wait3A_164 : memref<2056xf32, #tpu.memory_space<hbm>>) dst(%dma_wait3A_163 : memref<2056xf32, #tpu.memory_space<vmem>>)
      %dma_wait3A_165 = arith.constant 4112 : i32
      %dma_wait3A_166 = tpu.memref_slice %arg13[%dma_wait3A_165] : memref<6168xf32, #tpu.memory_space<vmem>> -> memref<2056xf32, #tpu.memory_space<vmem>>
      %dma_wait3A_167 = tpu.memref_slice %arg7[%multiple_of3A] : memref<1002560xf32, #tpu.memory_space<hbm>> -> memref<2056xf32, #tpu.memory_space<hbm>>
      %dma_wait3A_168 = arith.constant 4112 : i32
      %dma_wait3A_169 = tpu.memref_slice %arg13[%dma_wait3A_168] : memref<6168xf32, #tpu.memory_space<vmem>> -> memref<2056xf32, #tpu.memory_space<vmem>>
      %dma_wait3A_170 = tpu.memref_slice %arg7[%multiple_of3A] : memref<1002560xf32, #tpu.memory_space<hbm>> -> memref<2056xf32, #tpu.memory_space<hbm>>
      tpu.wait_dma2 semaphore(%arg17 : memref<!tpu.dma_semaphore, #tpu.memory_space<semaphore_mem>>) src(%dma_wait3A_170 : memref<2056xf32, #tpu.memory_space<hbm>>) dst(%dma_wait3A_169 : memref<2056xf32, #tpu.memory_space<vmem>>)
      %slice3A_171 = vector.extract_strided_slice %get3A_134 {offsets = [0], sizes = [1], strides = [1]} : vector<16xi32> to vector<1xi32>
      %squeeze3A_172 = vector.extract %slice3A_171[0] : i32 from vector<1xi32>
      %sub3A_173 = arith.subi %squeeze3A_172, %multiple_of3A : i32
      %slice3A_174 = vector.extract_strided_slice %get3A_134 {offsets = [1], sizes = [1], strides = [1]} : vector<16xi32> to vector<1xi32>
      %squeeze3A_175 = vector.extract %slice3A_174[0] : i32 from vector<1xi32>
      %sub3A_176 = arith.subi %squeeze3A_175, %multiple_of3A : i32
      %slice3A_177 = vector.extract_strided_slice %get3A_134 {offsets = [2], sizes = [1], strides = [1]} : vector<16xi32> to vector<1xi32>
      %squeeze3A_178 = vector.extract %slice3A_177[0] : i32 from vector<1xi32>
      %sub3A_179 = arith.subi %squeeze3A_178, %multiple_of3A : i32
      %slice3A_180 = vector.extract_strided_slice %get3A_134 {offsets = [3], sizes = [1], strides = [1]} : vector<16xi32> to vector<1xi32>
      %squeeze3A_181 = vector.extract %slice3A_180[0] : i32 from vector<1xi32>
      %sub3A_182 = arith.subi %squeeze3A_181, %multiple_of3A : i32
      %scan3A = arith.constant 0 : i32
      %scan3A_183 = arith.constant 32 : i32
      %scan3A_184 = arith.addi %scan3A, %scan3A_183 : i32
      %scan3A_185 = arith.constant 1 : i32
      %scan3A_186:4 = scf.for %scan3A_231 = %scan3A to %scan3A_184 step %scan3A_185 iter_args(%scan3A_232 = %sub3A_173, %scan3A_233 = %sub3A_176, %scan3A_234 = %sub3A_179, %scan3A_235 = %sub3A_182) -> (i32, i32, i32, i32)  : i32 {
        %mul3A_236 = arith.constant 16 : i32
        %mul3A_237 = arith.muli %scan3A_231, %mul3A_236 : i32
        %add3A_238 = arith.constant 0 : i32
        %add3A_239 = arith.addi %add3A_238, %mul3A_237 : i32
        %get3A_240 = arith.index_cast %add3A_239 : i32 to index
        %get3A_241 = tpu.vector_load %arg12[%get3A_240] {strides = array<i32>} : memref<2048xi32, #tpu.memory_space<vmem>>, vector<16xi32>,
        %gt3A = arith.constant 0 : i32
        %gt3A_242 = vector.broadcast %gt3A : i32 to vector<16xi32>
        %gt3A_243 = arith.cmpi sgt, %get3A_241, %gt3A_242 : vector<16xi32>
        %add3A_244 = arith.constant 0 : i32
        %add3A_245 = arith.addi %add3A_244, %scan3A_232 : i32
        %load3A = arith.index_cast %add3A_245 : i32 to index
        %load3A_246 = tpu.vector_load %arg13[%load3A] masked %gt3A_243 {strides = array<i32>} : memref<6168xf32, #tpu.memory_space<vmem>>, vector<16xf32>, vector<16xi1>
        %jit3A_247 = arith.constant 0.000000e+00 : f32
        %broadcast_in_dim3A_248 = vector.broadcast %jit3A_247 : f32 to vector<16xf32>
        %select_n3A_249 = arith.select %gt3A_243, %load3A_246, %broadcast_in_dim3A_248 : vector<16xi1>, vector<16xf32>
        %mul3A_250 = arith.constant 16 : i32
        %mul3A_251 = arith.muli %scan3A_231, %mul3A_250 : i32
        %add3A_252 = arith.constant 0 : i32
        %add3A_253 = arith.addi %add3A_252, %mul3A_251 : i32
        %swap3A_254 = arith.index_cast %add3A_253 : i32 to index
        %swap3A_255 = tpu.vector_load %arg14[%swap3A_254] {strides = array<i32>} : memref<6144xf32, #tpu.memory_space<vmem>>, vector<16xf32>,
        tpu.vector_store %arg14[%swap3A_254], %select_n3A_249 {strides = array<i32>} : memref<6144xf32, #tpu.memory_space<vmem>>, vector<16xf32>,
        %add3A_256 = arith.constant 2056 : i32
        %add3A_257 = arith.addi %add3A_256, %scan3A_232 : i32
        %load3A_258 = arith.index_cast %add3A_257 : i32 to index
        %load3A_259 = tpu.vector_load %arg13[%load3A_258] masked %gt3A_243 {strides = array<i32>} : memref<6168xf32, #tpu.memory_space<vmem>>, vector<16xf32>, vector<16xi1>
        %jit3A_260 = arith.constant 0.000000e+00 : f32
        %broadcast_in_dim3A_261 = vector.broadcast %jit3A_260 : f32 to vector<16xf32>
        %select_n3A_262 = arith.select %gt3A_243, %load3A_259, %broadcast_in_dim3A_261 : vector<16xi1>, vector<16xf32>
        %mul3A_263 = arith.constant 16 : i32
        %mul3A_264 = arith.muli %scan3A_231, %mul3A_263 : i32
        %add3A_265 = arith.constant 2048 : i32
        %add3A_266 = arith.addi %add3A_265, %mul3A_264 : i32
        %swap3A_267 = arith.index_cast %add3A_266 : i32 to index
        %swap3A_268 = tpu.vector_load %arg14[%swap3A_267] {strides = array<i32>} : memref<6144xf32, #tpu.memory_space<vmem>>, vector<16xf32>,
        tpu.vector_store %arg14[%swap3A_267], %select_n3A_262 {strides = array<i32>} : memref<6144xf32, #tpu.memory_space<vmem>>, vector<16xf32>,
        %add3A_269 = arith.constant 4112 : i32
        %add3A_270 = arith.addi %add3A_269, %scan3A_232 : i32
        %load3A_271 = arith.index_cast %add3A_270 : i32 to index
        %load3A_272 = tpu.vector_load %arg13[%load3A_271] masked %gt3A_243 {strides = array<i32>} : memref<6168xf32, #tpu.memory_space<vmem>>, vector<16xf32>, vector<16xi1>
        %jit3A_273 = arith.constant 0.000000e+00 : f32
        %broadcast_in_dim3A_274 = vector.broadcast %jit3A_273 : f32 to vector<16xf32>
        %select_n3A_275 = arith.select %gt3A_243, %load3A_272, %broadcast_in_dim3A_274 : vector<16xi1>, vector<16xf32>
        %mul3A_276 = arith.constant 16 : i32
        %mul3A_277 = arith.muli %scan3A_231, %mul3A_276 : i32
        %add3A_278 = arith.constant 4096 : i32
        %add3A_279 = arith.addi %add3A_278, %mul3A_277 : i32
        %swap3A_280 = arith.index_cast %add3A_279 : i32 to index
        %swap3A_281 = tpu.vector_load %arg14[%swap3A_280] {strides = array<i32>} : memref<6144xf32, #tpu.memory_space<vmem>>, vector<16xf32>,
        tpu.vector_store %arg14[%swap3A_280], %select_n3A_275 {strides = array<i32>} : memref<6144xf32, #tpu.memory_space<vmem>>, vector<16xf32>,
        %reduce_sum3A_282 = arith.constant true
        %reduce_sum3A_283 = vector.broadcast %reduce_sum3A_282 : i1 to vector<16xi1>
        %reduce_sum3A_284 = tpu.scan <sum>, %get3A_241 masked %reduce_sum3A_283 : vector<16xi32>, vector<16xi1> -> vector<16xi32>
        %reduce_sum3A_285 = vector.extract %reduce_sum3A_284[15] : i32 from vector<16xi32>
        %add3A_286 = arith.addi %scan3A_232, %reduce_sum3A_285 : i32
        %mul3A_287 = arith.constant 16 : i32
        %mul3A_288 = arith.muli %scan3A_231, %mul3A_287 : i32
        %add3A_289 = arith.constant 512 : i32
        %add3A_290 = arith.addi %add3A_289, %mul3A_288 : i32
        %get3A_291 = arith.index_cast %add3A_290 : i32 to index
        %get3A_292 = tpu.vector_load %arg12[%get3A_291] {strides = array<i32>} : memref<2048xi32, #tpu.memory_space<vmem>>, vector<16xi32>,
        %gt3A_293 = arith.constant 0 : i32
        %gt3A_294 = vector.broadcast %gt3A_293 : i32 to vector<16xi32>
        %gt3A_295 = arith.cmpi sgt, %get3A_292, %gt3A_294 : vector<16xi32>
        %add3A_296 = arith.constant 0 : i32
        %add3A_297 = arith.addi %add3A_296, %scan3A_233 : i32
        %load3A_298 = arith.index_cast %add3A_297 : i32 to index
        %load3A_299 = tpu.vector_load %arg13[%load3A_298] masked %gt3A_295 {strides = array<i32>} : memref<6168xf32, #tpu.memory_space<vmem>>, vector<16xf32>, vector<16xi1>
        %jit3A_300 = arith.constant 0.000000e+00 : f32
        %broadcast_in_dim3A_301 = vector.broadcast %jit3A_300 : f32 to vector<16xf32>
        %select_n3A_302 = arith.select %gt3A_295, %load3A_299, %broadcast_in_dim3A_301 : vector<16xi1>, vector<16xf32>
        %mul3A_303 = arith.constant 16 : i32
        %mul3A_304 = arith.muli %scan3A_231, %mul3A_303 : i32
        %add3A_305 = arith.constant 512 : i32
        %add3A_306 = arith.addi %add3A_305, %mul3A_304 : i32
        %swap3A_307 = arith.index_cast %add3A_306 : i32 to index
        %swap3A_308 = tpu.vector_load %arg14[%swap3A_307] {strides = array<i32>} : memref<6144xf32, #tpu.memory_space<vmem>>, vector<16xf32>,
        tpu.vector_store %arg14[%swap3A_307], %select_n3A_302 {strides = array<i32>} : memref<6144xf32, #tpu.memory_space<vmem>>, vector<16xf32>,
        %add3A_309 = arith.constant 2056 : i32
        %add3A_310 = arith.addi %add3A_309, %scan3A_233 : i32
        %load3A_311 = arith.index_cast %add3A_310 : i32 to index
        %load3A_312 = tpu.vector_load %arg13[%load3A_311] masked %gt3A_295 {strides = array<i32>} : memref<6168xf32, #tpu.memory_space<vmem>>, vector<16xf32>, vector<16xi1>
        %jit3A_313 = arith.constant 0.000000e+00 : f32
        %broadcast_in_dim3A_314 = vector.broadcast %jit3A_313 : f32 to vector<16xf32>
        %select_n3A_315 = arith.select %gt3A_295, %load3A_312, %broadcast_in_dim3A_314 : vector<16xi1>, vector<16xf32>
        %mul3A_316 = arith.constant 16 : i32
        %mul3A_317 = arith.muli %scan3A_231, %mul3A_316 : i32
        %add3A_318 = arith.constant 2560 : i32
        %add3A_319 = arith.addi %add3A_318, %mul3A_317 : i32
        %swap3A_320 = arith.index_cast %add3A_319 : i32 to index
        %swap3A_321 = tpu.vector_load %arg14[%swap3A_320] {strides = array<i32>} : memref<6144xf32, #tpu.memory_space<vmem>>, vector<16xf32>,
        tpu.vector_store %arg14[%swap3A_320], %select_n3A_315 {strides = array<i32>} : memref<6144xf32, #tpu.memory_space<vmem>>, vector<16xf32>,
        %add3A_322 = arith.constant 4112 : i32
        %add3A_323 = arith.addi %add3A_322, %scan3A_233 : i32
        %load3A_324 = arith.index_cast %add3A_323 : i32 to index
        %load3A_325 = tpu.vector_load %arg13[%load3A_324] masked %gt3A_295 {strides = array<i32>} : memref<6168xf32, #tpu.memory_space<vmem>>, vector<16xf32>, vector<16xi1>
        %jit3A_326 = arith.constant 0.000000e+00 : f32
        %broadcast_in_dim3A_327 = vector.broadcast %jit3A_326 : f32 to vector<16xf32>
        %select_n3A_328 = arith.select %gt3A_295, %load3A_325, %broadcast_in_dim3A_327 : vector<16xi1>, vector<16xf32>
        %mul3A_329 = arith.constant 16 : i32
        %mul3A_330 = arith.muli %scan3A_231, %mul3A_329 : i32
        %add3A_331 = arith.constant 4608 : i32
        %add3A_332 = arith.addi %add3A_331, %mul3A_330 : i32
        %swap3A_333 = arith.index_cast %add3A_332 : i32 to index
        %swap3A_334 = tpu.vector_load %arg14[%swap3A_333] {strides = array<i32>} : memref<6144xf32, #tpu.memory_space<vmem>>, vector<16xf32>,
        tpu.vector_store %arg14[%swap3A_333], %select_n3A_328 {strides = array<i32>} : memref<6144xf32, #tpu.memory_space<vmem>>, vector<16xf32>,
        %reduce_sum3A_335 = arith.constant true
        %reduce_sum3A_336 = vector.broadcast %reduce_sum3A_335 : i1 to vector<16xi1>
        %reduce_sum3A_337 = tpu.scan <sum>, %get3A_292 masked %reduce_sum3A_336 : vector<16xi32>, vector<16xi1> -> vector<16xi32>
        %reduce_sum3A_338 = vector.extract %reduce_sum3A_337[15] : i32 from vector<16xi32>
        %add3A_339 = arith.addi %scan3A_233, %reduce_sum3A_338 : i32
        %mul3A_340 = arith.constant 16 : i32
        %mul3A_341 = arith.muli %scan3A_231, %mul3A_340 : i32
        %add3A_342 = arith.constant 1024 : i32
        %add3A_343 = arith.addi %add3A_342, %mul3A_341 : i32
        %get3A_344 = arith.index_cast %add3A_343 : i32 to index
        %get3A_345 = tpu.vector_load %arg12[%get3A_344] {strides = array<i32>} : memref<2048xi32, #tpu.memory_space<vmem>>, vector<16xi32>,
        %gt3A_346 = arith.constant 0 : i32
        %gt3A_347 = vector.broadcast %gt3A_346 : i32 to vector<16xi32>
        %gt3A_348 = arith.cmpi sgt, %get3A_345, %gt3A_347 : vector<16xi32>
        %add3A_349 = arith.constant 0 : i32
        %add3A_350 = arith.addi %add3A_349, %scan3A_234 : i32
        %load3A_351 = arith.index_cast %add3A_350 : i32 to index
        %load3A_352 = tpu.vector_load %arg13[%load3A_351] masked %gt3A_348 {strides = array<i32>} : memref<6168xf32, #tpu.memory_space<vmem>>, vector<16xf32>, vector<16xi1>
        %jit3A_353 = arith.constant 0.000000e+00 : f32
        %broadcast_in_dim3A_354 = vector.broadcast %jit3A_353 : f32 to vector<16xf32>
        %select_n3A_355 = arith.select %gt3A_348, %load3A_352, %broadcast_in_dim3A_354 : vector<16xi1>, vector<16xf32>
        %mul3A_356 = arith.constant 16 : i32
        %mul3A_357 = arith.muli %scan3A_231, %mul3A_356 : i32
        %add3A_358 = arith.constant 1024 : i32
        %add3A_359 = arith.addi %add3A_358, %mul3A_357 : i32
        %swap3A_360 = arith.index_cast %add3A_359 : i32 to index
        %swap3A_361 = tpu.vector_load %arg14[%swap3A_360] {strides = array<i32>} : memref<6144xf32, #tpu.memory_space<vmem>>, vector<16xf32>,
        tpu.vector_store %arg14[%swap3A_360], %select_n3A_355 {strides = array<i32>} : memref<6144xf32, #tpu.memory_space<vmem>>, vector<16xf32>,
        %add3A_362 = arith.constant 2056 : i32
        %add3A_363 = arith.addi %add3A_362, %scan3A_234 : i32
        %load3A_364 = arith.index_cast %add3A_363 : i32 to index
        %load3A_365 = tpu.vector_load %arg13[%load3A_364] masked %gt3A_348 {strides = array<i32>} : memref<6168xf32, #tpu.memory_space<vmem>>, vector<16xf32>, vector<16xi1>
        %jit3A_366 = arith.constant 0.000000e+00 : f32
        %broadcast_in_dim3A_367 = vector.broadcast %jit3A_366 : f32 to vector<16xf32>
        %select_n3A_368 = arith.select %gt3A_348, %load3A_365, %broadcast_in_dim3A_367 : vector<16xi1>, vector<16xf32>
        %mul3A_369 = arith.constant 16 : i32
        %mul3A_370 = arith.muli %scan3A_231, %mul3A_369 : i32
        %add3A_371 = arith.constant 3072 : i32
        %add3A_372 = arith.addi %add3A_371, %mul3A_370 : i32
        %swap3A_373 = arith.index_cast %add3A_372 : i32 to index
        %swap3A_374 = tpu.vector_load %arg14[%swap3A_373] {strides = array<i32>} : memref<6144xf32, #tpu.memory_space<vmem>>, vector<16xf32>,
        tpu.vector_store %arg14[%swap3A_373], %select_n3A_368 {strides = array<i32>} : memref<6144xf32, #tpu.memory_space<vmem>>, vector<16xf32>,
        %add3A_375 = arith.constant 4112 : i32
        %add3A_376 = arith.addi %add3A_375, %scan3A_234 : i32
        %load3A_377 = arith.index_cast %add3A_376 : i32 to index
        %load3A_378 = tpu.vector_load %arg13[%load3A_377] masked %gt3A_348 {strides = array<i32>} : memref<6168xf32, #tpu.memory_space<vmem>>, vector<16xf32>, vector<16xi1>
        %jit3A_379 = arith.constant 0.000000e+00 : f32
        %broadcast_in_dim3A_380 = vector.broadcast %jit3A_379 : f32 to vector<16xf32>
        %select_n3A_381 = arith.select %gt3A_348, %load3A_378, %broadcast_in_dim3A_380 : vector<16xi1>, vector<16xf32>
        %mul3A_382 = arith.constant 16 : i32
        %mul3A_383 = arith.muli %scan3A_231, %mul3A_382 : i32
        %add3A_384 = arith.constant 5120 : i32
        %add3A_385 = arith.addi %add3A_384, %mul3A_383 : i32
        %swap3A_386 = arith.index_cast %add3A_385 : i32 to index
        %swap3A_387 = tpu.vector_load %arg14[%swap3A_386] {strides = array<i32>} : memref<6144xf32, #tpu.memory_space<vmem>>, vector<16xf32>,
        tpu.vector_store %arg14[%swap3A_386], %select_n3A_381 {strides = array<i32>} : memref<6144xf32, #tpu.memory_space<vmem>>, vector<16xf32>,
        %reduce_sum3A_388 = arith.constant true
        %reduce_sum3A_389 = vector.broadcast %reduce_sum3A_388 : i1 to vector<16xi1>
        %reduce_sum3A_390 = tpu.scan <sum>, %get3A_345 masked %reduce_sum3A_389 : vector<16xi32>, vector<16xi1> -> vector<16xi32>
        %reduce_sum3A_391 = vector.extract %reduce_sum3A_390[15] : i32 from vector<16xi32>
        %add3A_392 = arith.addi %scan3A_234, %reduce_sum3A_391 : i32
        %mul3A_393 = arith.constant 16 : i32
        %mul3A_394 = arith.muli %scan3A_231, %mul3A_393 : i32
        %add3A_395 = arith.constant 1536 : i32
        %add3A_396 = arith.addi %add3A_395, %mul3A_394 : i32
        %get3A_397 = arith.index_cast %add3A_396 : i32 to index
        %get3A_398 = tpu.vector_load %arg12[%get3A_397] {strides = array<i32>} : memref<2048xi32, #tpu.memory_space<vmem>>, vector<16xi32>,
        %gt3A_399 = arith.constant 0 : i32
        %gt3A_400 = vector.broadcast %gt3A_399 : i32 to vector<16xi32>
        %gt3A_401 = arith.cmpi sgt, %get3A_398, %gt3A_400 : vector<16xi32>
        %add3A_402 = arith.constant 0 : i32
        %add3A_403 = arith.addi %add3A_402, %scan3A_235 : i32
        %load3A_404 = arith.index_cast %add3A_403 : i32 to index
        %load3A_405 = tpu.vector_load %arg13[%load3A_404] masked %gt3A_401 {strides = array<i32>} : memref<6168xf32, #tpu.memory_space<vmem>>, vector<16xf32>, vector<16xi1>
        %jit3A_406 = arith.constant 0.000000e+00 : f32
        %broadcast_in_dim3A_407 = vector.broadcast %jit3A_406 : f32 to vector<16xf32>
        %select_n3A_408 = arith.select %gt3A_401, %load3A_405, %broadcast_in_dim3A_407 : vector<16xi1>, vector<16xf32>
        %mul3A_409 = arith.constant 16 : i32
        %mul3A_410 = arith.muli %scan3A_231, %mul3A_409 : i32
        %add3A_411 = arith.constant 1536 : i32
        %add3A_412 = arith.addi %add3A_411, %mul3A_410 : i32
        %swap3A_413 = arith.index_cast %add3A_412 : i32 to index
        %swap3A_414 = tpu.vector_load %arg14[%swap3A_413] {strides = array<i32>} : memref<6144xf32, #tpu.memory_space<vmem>>, vector<16xf32>,
        tpu.vector_store %arg14[%swap3A_413], %select_n3A_408 {strides = array<i32>} : memref<6144xf32, #tpu.memory_space<vmem>>, vector<16xf32>,
        %add3A_415 = arith.constant 2056 : i32
        %add3A_416 = arith.addi %add3A_415, %scan3A_235 : i32
        %load3A_417 = arith.index_cast %add3A_416 : i32 to index
        %load3A_418 = tpu.vector_load %arg13[%load3A_417] masked %gt3A_401 {strides = array<i32>} : memref<6168xf32, #tpu.memory_space<vmem>>, vector<16xf32>, vector<16xi1>
        %jit3A_419 = arith.constant 0.000000e+00 : f32
        %broadcast_in_dim3A_420 = vector.broadcast %jit3A_419 : f32 to vector<16xf32>
        %select_n3A_421 = arith.select %gt3A_401, %load3A_418, %broadcast_in_dim3A_420 : vector<16xi1>, vector<16xf32>
        %mul3A_422 = arith.constant 16 : i32
        %mul3A_423 = arith.muli %scan3A_231, %mul3A_422 : i32
        %add3A_424 = arith.constant 3584 : i32
        %add3A_425 = arith.addi %add3A_424, %mul3A_423 : i32
        %swap3A_426 = arith.index_cast %add3A_425 : i32 to index
        %swap3A_427 = tpu.vector_load %arg14[%swap3A_426] {strides = array<i32>} : memref<6144xf32, #tpu.memory_space<vmem>>, vector<16xf32>,
        tpu.vector_store %arg14[%swap3A_426], %select_n3A_421 {strides = array<i32>} : memref<6144xf32, #tpu.memory_space<vmem>>, vector<16xf32>,
        %add3A_428 = arith.constant 4112 : i32
        %add3A_429 = arith.addi %add3A_428, %scan3A_235 : i32
        %load3A_430 = arith.index_cast %add3A_429 : i32 to index
        %load3A_431 = tpu.vector_load %arg13[%load3A_430] masked %gt3A_401 {strides = array<i32>} : memref<6168xf32, #tpu.memory_space<vmem>>, vector<16xf32>, vector<16xi1>
        %jit3A_432 = arith.constant 0.000000e+00 : f32
        %broadcast_in_dim3A_433 = vector.broadcast %jit3A_432 : f32 to vector<16xf32>
        %select_n3A_434 = arith.select %gt3A_401, %load3A_431, %broadcast_in_dim3A_433 : vector<16xi1>, vector<16xf32>
        %mul3A_435 = arith.constant 16 : i32
        %mul3A_436 = arith.muli %scan3A_231, %mul3A_435 : i32
        %add3A_437 = arith.constant 5632 : i32
        %add3A_438 = arith.addi %add3A_437, %mul3A_436 : i32
        %swap3A_439 = arith.index_cast %add3A_438 : i32 to index
        %swap3A_440 = tpu.vector_load %arg14[%swap3A_439] {strides = array<i32>} : memref<6144xf32, #tpu.memory_space<vmem>>, vector<16xf32>,
        tpu.vector_store %arg14[%swap3A_439], %select_n3A_434 {strides = array<i32>} : memref<6144xf32, #tpu.memory_space<vmem>>, vector<16xf32>,
        %reduce_sum3A_441 = arith.constant true
        %reduce_sum3A_442 = vector.broadcast %reduce_sum3A_441 : i1 to vector<16xi1>
        %reduce_sum3A_443 = tpu.scan <sum>, %get3A_398 masked %reduce_sum3A_442 : vector<16xi32>, vector<16xi1> -> vector<16xi32>
        %reduce_sum3A_444 = vector.extract %reduce_sum3A_443[15] : i32 from vector<16xi32>
        %add3A_445 = arith.addi %scan3A_235, %reduce_sum3A_444 : i32
        scf.yield %add3A_286, %add3A_339, %add3A_392, %add3A_445 : i32, i32, i32, i32
      }
      %scan3A_187 = arith.constant 32 : i32
      %add3A_188 = arith.constant 0 : i32
      %add3A_189 = arith.addi %add3A_188, %add3A_130 : i32
      %dma_start3A_190 = arith.constant 0 : i32
      %dma_start3A_191 = tpu.memref_slice %arg14[%dma_start3A_190] : memref<6144xf32, #tpu.memory_space<vmem>> -> memref<2048xf32, #tpu.memory_space<vmem>>
      %dma_start3A_192 = tpu.memref_slice %arg8[%add3A_189] : memref<3000000xf32, #tpu.memory_space<hbm>> -> memref<2048xf32, #tpu.memory_space<hbm>>
      %dma_start3A_193 = tpu.memref_slice %arg8[%add3A_189] : memref<3000000xf32, #tpu.memory_space<hbm>> -> memref<2048xf32, #tpu.memory_space<hbm>>
      %dma_start3A_194 = arith.constant 0 : i32
      %dma_start3A_195 = tpu.memref_slice %arg14[%dma_start3A_194] : memref<6144xf32, #tpu.memory_space<vmem>> -> memref<2048xf32, #tpu.memory_space<vmem>>
      tpu.enqueue_dma source(%dma_start3A_195 : memref<2048xf32, #tpu.memory_space<vmem>>) target(%dma_start3A_193 : memref<2048xf32, #tpu.memory_space<hbm>>) target_semaphore(%arg15 : memref<!tpu.dma_semaphore, #tpu.memory_space<semaphore_mem>>)
      %add3A_196 = arith.constant 1000000 : i32
      %add3A_197 = arith.addi %add3A_196, %add3A_130 : i32
      %dma_start3A_198 = arith.constant 2048 : i32
      %dma_start3A_199 = tpu.memref_slice %arg14[%dma_start3A_198] : memref<6144xf32, #tpu.memory_space<vmem>> -> memref<2048xf32, #tpu.memory_space<vmem>>
      %dma_start3A_200 = tpu.memref_slice %arg8[%add3A_197] : memref<3000000xf32, #tpu.memory_space<hbm>> -> memref<2048xf32, #tpu.memory_space<hbm>>
      %dma_start3A_201 = tpu.memref_slice %arg8[%add3A_197] : memref<3000000xf32, #tpu.memory_space<hbm>> -> memref<2048xf32, #tpu.memory_space<hbm>>
      %dma_start3A_202 = arith.constant 2048 : i32
      %dma_start3A_203 = tpu.memref_slice %arg14[%dma_start3A_202] : memref<6144xf32, #tpu.memory_space<vmem>> -> memref<2048xf32, #tpu.memory_space<vmem>>
      tpu.enqueue_dma source(%dma_start3A_203 : memref<2048xf32, #tpu.memory_space<vmem>>) target(%dma_start3A_201 : memref<2048xf32, #tpu.memory_space<hbm>>) target_semaphore(%arg16 : memref<!tpu.dma_semaphore, #tpu.memory_space<semaphore_mem>>)
      %add3A_204 = arith.constant 2000000 : i32
      %add3A_205 = arith.addi %add3A_204, %add3A_130 : i32
      %dma_start3A_206 = arith.constant 4096 : i32
      %dma_start3A_207 = tpu.memref_slice %arg14[%dma_start3A_206] : memref<6144xf32, #tpu.memory_space<vmem>> -> memref<2048xf32, #tpu.memory_space<vmem>>
      %dma_start3A_208 = tpu.memref_slice %arg8[%add3A_205] : memref<3000000xf32, #tpu.memory_space<hbm>> -> memref<2048xf32, #tpu.memory_space<hbm>>
      %dma_start3A_209 = tpu.memref_slice %arg8[%add3A_205] : memref<3000000xf32, #tpu.memory_space<hbm>> -> memref<2048xf32, #tpu.memory_space<hbm>>
      %dma_start3A_210 = arith.constant 4096 : i32
      %dma_start3A_211 = tpu.memref_slice %arg14[%dma_start3A_210] : memref<6144xf32, #tpu.memory_space<vmem>> -> memref<2048xf32, #tpu.memory_space<vmem>>
      tpu.enqueue_dma source(%dma_start3A_211 : memref<2048xf32, #tpu.memory_space<vmem>>) target(%dma_start3A_209 : memref<2048xf32, #tpu.memory_space<hbm>>) target_semaphore(%arg17 : memref<!tpu.dma_semaphore, #tpu.memory_space<semaphore_mem>>)
      %dma_wait3A_212 = arith.constant 0 : i32
      %dma_wait3A_213 = tpu.memref_slice %arg14[%dma_wait3A_212] : memref<6144xf32, #tpu.memory_space<vmem>> -> memref<2048xf32, #tpu.memory_space<vmem>>
      %dma_wait3A_214 = tpu.memref_slice %arg8[%add3A_189] : memref<3000000xf32, #tpu.memory_space<hbm>> -> memref<2048xf32, #tpu.memory_space<hbm>>
      %dma_wait3A_215 = tpu.memref_slice %arg8[%add3A_189] : memref<3000000xf32, #tpu.memory_space<hbm>> -> memref<2048xf32, #tpu.memory_space<hbm>>
      %dma_wait3A_216 = arith.constant 0 : i32
      %dma_wait3A_217 = tpu.memref_slice %arg14[%dma_wait3A_216] : memref<6144xf32, #tpu.memory_space<vmem>> -> memref<2048xf32, #tpu.memory_space<vmem>>
      tpu.wait_dma2 semaphore(%arg15 : memref<!tpu.dma_semaphore, #tpu.memory_space<semaphore_mem>>) src(%dma_wait3A_217 : memref<2048xf32, #tpu.memory_space<vmem>>) dst(%dma_wait3A_215 : memref<2048xf32, #tpu.memory_space<hbm>>)
      %dma_wait3A_218 = arith.constant 2048 : i32
      %dma_wait3A_219 = tpu.memref_slice %arg14[%dma_wait3A_218] : memref<6144xf32, #tpu.memory_space<vmem>> -> memref<2048xf32, #tpu.memory_space<vmem>>
      %dma_wait3A_220 = tpu.memref_slice %arg8[%add3A_197] : memref<3000000xf32, #tpu.memory_space<hbm>> -> memref<2048xf32, #tpu.memory_space<hbm>>
      %dma_wait3A_221 = tpu.memref_slice %arg8[%add3A_197] : memref<3000000xf32, #tpu.memory_space<hbm>> -> memref<2048xf32, #tpu.memory_space<hbm>>
      %dma_wait3A_222 = arith.constant 2048 : i32
      %dma_wait3A_223 = tpu.memref_slice %arg14[%dma_wait3A_222] : memref<6144xf32, #tpu.memory_space<vmem>> -> memref<2048xf32, #tpu.memory_space<vmem>>
      tpu.wait_dma2 semaphore(%arg16 : memref<!tpu.dma_semaphore, #tpu.memory_space<semaphore_mem>>) src(%dma_wait3A_223 : memref<2048xf32, #tpu.memory_space<vmem>>) dst(%dma_wait3A_221 : memref<2048xf32, #tpu.memory_space<hbm>>)
      %dma_wait3A_224 = arith.constant 4096 : i32
      %dma_wait3A_225 = tpu.memref_slice %arg14[%dma_wait3A_224] : memref<6144xf32, #tpu.memory_space<vmem>> -> memref<2048xf32, #tpu.memory_space<vmem>>
      %dma_wait3A_226 = tpu.memref_slice %arg8[%add3A_205] : memref<3000000xf32, #tpu.memory_space<hbm>> -> memref<2048xf32, #tpu.memory_space<hbm>>
      %dma_wait3A_227 = tpu.memref_slice %arg8[%add3A_205] : memref<3000000xf32, #tpu.memory_space<hbm>> -> memref<2048xf32, #tpu.memory_space<hbm>>
      %dma_wait3A_228 = arith.constant 4096 : i32
      %dma_wait3A_229 = tpu.memref_slice %arg14[%dma_wait3A_228] : memref<6144xf32, #tpu.memory_space<vmem>> -> memref<2048xf32, #tpu.memory_space<vmem>>
      tpu.wait_dma2 semaphore(%arg17 : memref<!tpu.dma_semaphore, #tpu.memory_space<semaphore_mem>>) src(%dma_wait3A_229 : memref<2048xf32, #tpu.memory_space<vmem>>) dst(%dma_wait3A_227 : memref<2048xf32, #tpu.memory_space<hbm>>)
      %while3A_230 = arith.constant 0 : i32
      scf.yield %while3A_230 : i32
    }
    %while3A_115 = arith.constant 1 : i32
    %while3A_116 = scf.for %while3A_126 = %while3A_112 to %while3A_108 step %while3A_115 iter_args(%while3A_127 = %while3A_114) -> (i32)  : i32 {
      %mul3A_128 = arith.constant 2048 : i32
      %mul3A_129 = arith.muli %while3A_126, %mul3A_128 : i32
      %add3A_130 = arith.addi %mul3A_81, %mul3A_129 : i32
      %mul3A_131 = arith.constant 4 : i32
      %mul3A_132 = arith.muli %while3A_126, %mul3A_131 : i32
      %get3A_133 = arith.index_cast %mul3A_132 : i32 to index
      %get3A_134 = tpu.vector_load %arg11[%get3A_133] {strides = array<i32>} : memref<80xi32, #tpu.memory_space<vmem>>, vector<16xi32>,
      %slice3A = vector.extract_strided_slice %get3A_134 {offsets = [0], sizes = [1], strides = [1]} : vector<16xi32> to vector<1xi32>
      %squeeze3A = vector.extract %slice3A[0] : i32 from vector<1xi32>
      "tpu.region"() ({
        %run_scoped3A = tpu.sem_alloc : memref<!tpu.dma_semaphore, #tpu.memory_space<semaphore_mem>>
        %dma_start3A_231 = arith.constant 0 : i32
        %dma_start3A_232 = tpu.memref_slice %arg12[%dma_start3A_231] : memref<2048xi32, #tpu.memory_space<vmem>> -> memref<2048xi32, #tpu.memory_space<vmem>>
        %dma_start3A_233 = tpu.memref_slice %arg2[%add3A_130] : memref<1048576xi32, #tpu.memory_space<hbm>> -> memref<2048xi32, #tpu.memory_space<hbm>>
        %dma_start3A_234 = arith.constant 0 : i32
        %dma_start3A_235 = tpu.memref_slice %arg12[%dma_start3A_234] : memref<2048xi32, #tpu.memory_space<vmem>> -> memref<2048xi32, #tpu.memory_space<vmem>>
        %dma_start3A_236 = tpu.memref_slice %arg2[%add3A_130] : memref<1048576xi32, #tpu.memory_space<hbm>> -> memref<2048xi32, #tpu.memory_space<hbm>>
        tpu.enqueue_dma source(%dma_start3A_236 : memref<2048xi32, #tpu.memory_space<hbm>>) target(%dma_start3A_235 : memref<2048xi32, #tpu.memory_space<vmem>>) target_semaphore(%run_scoped3A : memref<!tpu.dma_semaphore, #tpu.memory_space<semaphore_mem>>)
        %dma_wait3A_237 = arith.constant 0 : i32
        %dma_wait3A_238 = tpu.memref_slice %arg12[%dma_wait3A_237] : memref<2048xi32, #tpu.memory_space<vmem>> -> memref<2048xi32, #tpu.memory_space<vmem>>
        %dma_wait3A_239 = tpu.memref_slice %arg2[%add3A_130] : memref<1048576xi32, #tpu.memory_space<hbm>> -> memref<2048xi32, #tpu.memory_space<hbm>>
        %dma_wait3A_240 = arith.constant 0 : i32
        %dma_wait3A_241 = tpu.memref_slice %arg12[%dma_wait3A_240] : memref<2048xi32, #tpu.memory_space<vmem>> -> memref<2048xi32, #tpu.memory_space<vmem>>
        %dma_wait3A_242 = tpu.memref_slice %arg2[%add3A_130] : memref<1048576xi32, #tpu.memory_space<hbm>> -> memref<2048xi32, #tpu.memory_space<hbm>>
        tpu.wait_dma2 semaphore(%run_scoped3A : memref<!tpu.dma_semaphore, #tpu.memory_space<semaphore_mem>>) src(%dma_wait3A_242 : memref<2048xi32, #tpu.memory_space<hbm>>) dst(%dma_wait3A_241 : memref<2048xi32, #tpu.memory_space<vmem>>)
        tpu.yield
      }) : () -> ()
      %and3A_135 = arith.constant -8 : i32
      %and3A_136 = arith.andi %squeeze3A, %and3A_135 : i32
      %multiple_of3A = tpu.assume_multiple %and3A_136, 8 : i32
      %dma_start3A = arith.constant 0 : i32
      %dma_start3A_137 = tpu.memref_slice %arg13[%dma_start3A] : memref<6168xf32, #tpu.memory_space<vmem>> -> memref<2056xf32, #tpu.memory_space<vmem>>
      %dma_start3A_138 = tpu.memref_slice %arg5[%multiple_of3A] : memref<1002560xf32, #tpu.memory_space<hbm>> -> memref<2056xf32, #tpu.memory_space<hbm>>
      %dma_start3A_139 = arith.constant 0 : i32
      %dma_start3A_140 = tpu.memref_slice %arg13[%dma_start3A_139] : memref<6168xf32, #tpu.memory_space<vmem>> -> memref<2056xf32, #tpu.memory_space<vmem>>
      %dma_start3A_141 = tpu.memref_slice %arg5[%multiple_of3A] : memref<1002560xf32, #tpu.memory_space<hbm>> -> memref<2056xf32, #tpu.memory_space<hbm>>
      tpu.enqueue_dma source(%dma_start3A_141 : memref<2056xf32, #tpu.memory_space<hbm>>) target(%dma_start3A_140 : memref<2056xf32, #tpu.memory_space<vmem>>) target_semaphore(%arg15 : memref<!tpu.dma_semaphore, #tpu.memory_space<semaphore_mem>>)
      %dma_start3A_142 = arith.constant 2056 : i32
      %dma_start3A_143 = tpu.memref_slice %arg13[%dma_start3A_142] : memref<6168xf32, #tpu.memory_space<vmem>> -> memref<2056xf32, #tpu.memory_space<vmem>>
      %dma_start3A_144 = tpu.memref_slice %arg6[%multiple_of3A] : memref<1002560xf32, #tpu.memory_space<hbm>> -> memref<2056xf32, #tpu.memory_space<hbm>>
      %dma_start3A_145 = arith.constant 2056 : i32
      %dma_start3A_146 = tpu.memref_slice %arg13[%dma_start3A_145] : memref<6168xf32, #tpu.memory_space<vmem>> -> memref<2056xf32, #tpu.memory_space<vmem>>
      %dma_start3A_147 = tpu.memref_slice %arg6[%multiple_of3A] : memref<1002560xf32, #tpu.memory_space<hbm>> -> memref<2056xf32, #tpu.memory_space<hbm>>
      tpu.enqueue_dma source(%dma_start3A_147 : memref<2056xf32, #tpu.memory_space<hbm>>) target(%dma_start3A_146 : memref<2056xf32, #tpu.memory_space<vmem>>) target_semaphore(%arg16 : memref<!tpu.dma_semaphore, #tpu.memory_space<semaphore_mem>>)
      %dma_start3A_148 = arith.constant 4112 : i32
      %dma_start3A_149 = tpu.memref_slice %arg13[%dma_start3A_148] : memref<6168xf32, #tpu.memory_space<vmem>> -> memref<2056xf32, #tpu.memory_space<vmem>>
      %dma_start3A_150 = tpu.memref_slice %arg7[%multiple_of3A] : memref<1002560xf32, #tpu.memory_space<hbm>> -> memref<2056xf32, #tpu.memory_space<hbm>>
      %dma_start3A_151 = arith.constant 4112 : i32
      %dma_start3A_152 = tpu.memref_slice %arg13[%dma_start3A_151] : memref<6168xf32, #tpu.memory_space<vmem>> -> memref<2056xf32, #tpu.memory_space<vmem>>
      %dma_start3A_153 = tpu.memref_slice %arg7[%multiple_of3A] : memref<1002560xf32, #tpu.memory_space<hbm>> -> memref<2056xf32, #tpu.memory_space<hbm>>
      tpu.enqueue_dma source(%dma_start3A_153 : memref<2056xf32, #tpu.memory_space<hbm>>) target(%dma_start3A_152 : memref<2056xf32, #tpu.memory_space<vmem>>) target_semaphore(%arg17 : memref<!tpu.dma_semaphore, #tpu.memory_space<semaphore_mem>>)
      %dma_wait3A = arith.constant 0 : i32
      %dma_wait3A_154 = tpu.memref_slice %arg13[%dma_wait3A] : memref<6168xf32, #tpu.memory_space<vmem>> -> memref<2056xf32, #tpu.memory_space<vmem>>
      %dma_wait3A_155 = tpu.memref_slice %arg5[%multiple_of3A] : memref<1002560xf32, #tpu.memory_space<hbm>> -> memref<2056xf32, #tpu.memory_space<hbm>>
      %dma_wait3A_156 = arith.constant 0 : i32
      %dma_wait3A_157 = tpu.memref_slice %arg13[%dma_wait3A_156] : memref<6168xf32, #tpu.memory_space<vmem>> -> memref<2056xf32, #tpu.memory_space<vmem>>
      %dma_wait3A_158 = tpu.memref_slice %arg5[%multiple_of3A] : memref<1002560xf32, #tpu.memory_space<hbm>> -> memref<2056xf32, #tpu.memory_space<hbm>>
      tpu.wait_dma2 semaphore(%arg15 : memref<!tpu.dma_semaphore, #tpu.memory_space<semaphore_mem>>) src(%dma_wait3A_158 : memref<2056xf32, #tpu.memory_space<hbm>>) dst(%dma_wait3A_157 : memref<2056xf32, #tpu.memory_space<vmem>>)
      %dma_wait3A_159 = arith.constant 2056 : i32
      %dma_wait3A_160 = tpu.memref_slice %arg13[%dma_wait3A_159] : memref<6168xf32, #tpu.memory_space<vmem>> -> memref<2056xf32, #tpu.memory_space<vmem>>
      %dma_wait3A_161 = tpu.memref_slice %arg6[%multiple_of3A] : memref<1002560xf32, #tpu.memory_space<hbm>> -> memref<2056xf32, #tpu.memory_space<hbm>>
      %dma_wait3A_162 = arith.constant 2056 : i32
      %dma_wait3A_163 = tpu.memref_slice %arg13[%dma_wait3A_162] : memref<6168xf32, #tpu.memory_space<vmem>> -> memref<2056xf32, #tpu.memory_space<vmem>>
      %dma_wait3A_164 = tpu.memref_slice %arg6[%multiple_of3A] : memref<1002560xf32, #tpu.memory_space<hbm>> -> memref<2056xf32, #tpu.memory_space<hbm>>
      tpu.wait_dma2 semaphore(%arg16 : memref<!tpu.dma_semaphore, #tpu.memory_space<semaphore_mem>>) src(%dma_wait3A_164 : memref<2056xf32, #tpu.memory_space<hbm>>) dst(%dma_wait3A_163 : memref<2056xf32, #tpu.memory_space<vmem>>)
      %dma_wait3A_165 = arith.constant 4112 : i32
      %dma_wait3A_166 = tpu.memref_slice %arg13[%dma_wait3A_165] : memref<6168xf32, #tpu.memory_space<vmem>> -> memref<2056xf32, #tpu.memory_space<vmem>>
      %dma_wait3A_167 = tpu.memref_slice %arg7[%multiple_of3A] : memref<1002560xf32, #tpu.memory_space<hbm>> -> memref<2056xf32, #tpu.memory_space<hbm>>
      %dma_wait3A_168 = arith.constant 4112 : i32
      %dma_wait3A_169 = tpu.memref_slice %arg13[%dma_wait3A_168] : memref<6168xf32, #tpu.memory_space<vmem>> -> memref<2056xf32, #tpu.memory_space<vmem>>
      %dma_wait3A_170 = tpu.memref_slice %arg7[%multiple_of3A] : memref<1002560xf32, #tpu.memory_space<hbm>> -> memref<2056xf32, #tpu.memory_space<hbm>>
      tpu.wait_dma2 semaphore(%arg17 : memref<!tpu.dma_semaphore, #tpu.memory_space<semaphore_mem>>) src(%dma_wait3A_170 : memref<2056xf32, #tpu.memory_space<hbm>>) dst(%dma_wait3A_169 : memref<2056xf32, #tpu.memory_space<vmem>>)
      %slice3A_171 = vector.extract_strided_slice %get3A_134 {offsets = [0], sizes = [1], strides = [1]} : vector<16xi32> to vector<1xi32>
      %squeeze3A_172 = vector.extract %slice3A_171[0] : i32 from vector<1xi32>
      %sub3A_173 = arith.subi %squeeze3A_172, %multiple_of3A : i32
      %slice3A_174 = vector.extract_strided_slice %get3A_134 {offsets = [1], sizes = [1], strides = [1]} : vector<16xi32> to vector<1xi32>
      %squeeze3A_175 = vector.extract %slice3A_174[0] : i32 from vector<1xi32>
      %sub3A_176 = arith.subi %squeeze3A_175, %multiple_of3A : i32
      %slice3A_177 = vector.extract_strided_slice %get3A_134 {offsets = [2], sizes = [1], strides = [1]} : vector<16xi32> to vector<1xi32>
      %squeeze3A_178 = vector.extract %slice3A_177[0] : i32 from vector<1xi32>
      %sub3A_179 = arith.subi %squeeze3A_178, %multiple_of3A : i32
      %slice3A_180 = vector.extract_strided_slice %get3A_134 {offsets = [3], sizes = [1], strides = [1]} : vector<16xi32> to vector<1xi32>
      %squeeze3A_181 = vector.extract %slice3A_180[0] : i32 from vector<1xi32>
      %sub3A_182 = arith.subi %squeeze3A_181, %multiple_of3A : i32
      %scan3A = arith.constant 0 : i32
      %scan3A_183 = arith.constant 32 : i32
      %scan3A_184 = arith.addi %scan3A, %scan3A_183 : i32
      %scan3A_185 = arith.constant 1 : i32
      %scan3A_186:4 = scf.for %scan3A_231 = %scan3A to %scan3A_184 step %scan3A_185 iter_args(%scan3A_232 = %sub3A_173, %scan3A_233 = %sub3A_176, %scan3A_234 = %sub3A_179, %scan3A_235 = %sub3A_182) -> (i32, i32, i32, i32)  : i32 {
        %mul3A_236 = arith.constant 16 : i32
        %mul3A_237 = arith.muli %scan3A_231, %mul3A_236 : i32
        %add3A_238 = arith.constant 0 : i32
        %add3A_239 = arith.addi %add3A_238, %mul3A_237 : i32
        %get3A_240 = arith.index_cast %add3A_239 : i32 to index
        %get3A_241 = tpu.vector_load %arg12[%get3A_240] {strides = array<i32>} : memref<2048xi32, #tpu.memory_space<vmem>>, vector<16xi32>,
        %gt3A = arith.constant 0 : i32
        %gt3A_242 = vector.broadcast %gt3A : i32 to vector<16xi32>
        %gt3A_243 = arith.cmpi sgt, %get3A_241, %gt3A_242 : vector<16xi32>
        %add3A_244 = arith.constant 0 : i32
        %add3A_245 = arith.addi %add3A_244, %scan3A_232 : i32
        %load3A = arith.index_cast %add3A_245 : i32 to index
        %load3A_246 = tpu.vector_load %arg13[%load3A] masked %gt3A_243 {strides = array<i32>} : memref<6168xf32, #tpu.memory_space<vmem>>, vector<16xf32>, vector<16xi1>
        %jit3A_247 = arith.constant 0.000000e+00 : f32
        %broadcast_in_dim3A_248 = vector.broadcast %jit3A_247 : f32 to vector<16xf32>
        %select_n3A_249 = arith.select %gt3A_243, %load3A_246, %broadcast_in_dim3A_248 : vector<16xi1>, vector<16xf32>
        %mul3A_250 = arith.constant 16 : i32
        %mul3A_251 = arith.muli %scan3A_231, %mul3A_250 : i32
        %add3A_252 = arith.constant 0 : i32
        %add3A_253 = arith.addi %add3A_252, %mul3A_251 : i32
        %swap3A_254 = arith.index_cast %add3A_253 : i32 to index
        %swap3A_255 = tpu.vector_load %arg14[%swap3A_254] {strides = array<i32>} : memref<6144xf32, #tpu.memory_space<vmem>>, vector<16xf32>,
        tpu.vector_store %arg14[%swap3A_254], %select_n3A_249 {strides = array<i32>} : memref<6144xf32, #tpu.memory_space<vmem>>, vector<16xf32>,
        %add3A_256 = arith.constant 2056 : i32
        %add3A_257 = arith.addi %add3A_256, %scan3A_232 : i32
        %load3A_258 = arith.index_cast %add3A_257 : i32 to index
        %load3A_259 = tpu.vector_load %arg13[%load3A_258] masked %gt3A_243 {strides = array<i32>} : memref<6168xf32, #tpu.memory_space<vmem>>, vector<16xf32>, vector<16xi1>
        %jit3A_260 = arith.constant 0.000000e+00 : f32
        %broadcast_in_dim3A_261 = vector.broadcast %jit3A_260 : f32 to vector<16xf32>
        %select_n3A_262 = arith.select %gt3A_243, %load3A_259, %broadcast_in_dim3A_261 : vector<16xi1>, vector<16xf32>
        %mul3A_263 = arith.constant 16 : i32
        %mul3A_264 = arith.muli %scan3A_231, %mul3A_263 : i32
        %add3A_265 = arith.constant 2048 : i32
        %add3A_266 = arith.addi %add3A_265, %mul3A_264 : i32
        %swap3A_267 = arith.index_cast %add3A_266 : i32 to index
        %swap3A_268 = tpu.vector_load %arg14[%swap3A_267] {strides = array<i32>} : memref<6144xf32, #tpu.memory_space<vmem>>, vector<16xf32>,
        tpu.vector_store %arg14[%swap3A_267], %select_n3A_262 {strides = array<i32>} : memref<6144xf32, #tpu.memory_space<vmem>>, vector<16xf32>,
        %add3A_269 = arith.constant 4112 : i32
        %add3A_270 = arith.addi %add3A_269, %scan3A_232 : i32
        %load3A_271 = arith.index_cast %add3A_270 : i32 to index
        %load3A_272 = tpu.vector_load %arg13[%load3A_271] masked %gt3A_243 {strides = array<i32>} : memref<6168xf32, #tpu.memory_space<vmem>>, vector<16xf32>, vector<16xi1>
        %jit3A_273 = arith.constant 0.000000e+00 : f32
        %broadcast_in_dim3A_274 = vector.broadcast %jit3A_273 : f32 to vector<16xf32>
        %select_n3A_275 = arith.select %gt3A_243, %load3A_272, %broadcast_in_dim3A_274 : vector<16xi1>, vector<16xf32>
        %mul3A_276 = arith.constant 16 : i32
        %mul3A_277 = arith.muli %scan3A_231, %mul3A_276 : i32
        %add3A_278 = arith.constant 4096 : i32
        %add3A_279 = arith.addi %add3A_278, %mul3A_277 : i32
        %swap3A_280 = arith.index_cast %add3A_279 : i32 to index
        %swap3A_281 = tpu.vector_load %arg14[%swap3A_280] {strides = array<i32>} : memref<6144xf32, #tpu.memory_space<vmem>>, vector<16xf32>,
        tpu.vector_store %arg14[%swap3A_280], %select_n3A_275 {strides = array<i32>} : memref<6144xf32, #tpu.memory_space<vmem>>, vector<16xf32>,
        %reduce_sum3A_282 = arith.constant true
        %reduce_sum3A_283 = vector.broadcast %reduce_sum3A_282 : i1 to vector<16xi1>
        %reduce_sum3A_284 = tpu.scan <sum>, %get3A_241 masked %reduce_sum3A_283 : vector<16xi32>, vector<16xi1> -> vector<16xi32>
        %reduce_sum3A_285 = vector.extract %reduce_sum3A_284[15] : i32 from vector<16xi32>
        %add3A_286 = arith.addi %scan3A_232, %reduce_sum3A_285 : i32
        %mul3A_287 = arith.constant 16 : i32
        %mul3A_288 = arith.muli %scan3A_231, %mul3A_287 : i32
        %add3A_289 = arith.constant 512 : i32
        %add3A_290 = arith.addi %add3A_289, %mul3A_288 : i32
        %get3A_291 = arith.index_cast %add3A_290 : i32 to index
        %get3A_292 = tpu.vector_load %arg12[%get3A_291] {strides = array<i32>} : memref<2048xi32, #tpu.memory_space<vmem>>, vector<16xi32>,
        %gt3A_293 = arith.constant 0 : i32
        %gt3A_294 = vector.broadcast %gt3A_293 : i32 to vector<16xi32>
        %gt3A_295 = arith.cmpi sgt, %get3A_292, %gt3A_294 : vector<16xi32>
        %add3A_296 = arith.constant 0 : i32
        %add3A_297 = arith.addi %add3A_296, %scan3A_233 : i32
        %load3A_298 = arith.index_cast %add3A_297 : i32 to index
        %load3A_299 = tpu.vector_load %arg13[%load3A_298] masked %gt3A_295 {strides = array<i32>} : memref<6168xf32, #tpu.memory_space<vmem>>, vector<16xf32>, vector<16xi1>
        %jit3A_300 = arith.constant 0.000000e+00 : f32
        %broadcast_in_dim3A_301 = vector.broadcast %jit3A_300 : f32 to vector<16xf32>
        %select_n3A_302 = arith.select %gt3A_295, %load3A_299, %broadcast_in_dim3A_301 : vector<16xi1>, vector<16xf32>
        %mul3A_303 = arith.constant 16 : i32
        %mul3A_304 = arith.muli %scan3A_231, %mul3A_303 : i32
        %add3A_305 = arith.constant 512 : i32
        %add3A_306 = arith.addi %add3A_305, %mul3A_304 : i32
        %swap3A_307 = arith.index_cast %add3A_306 : i32 to index
        %swap3A_308 = tpu.vector_load %arg14[%swap3A_307] {strides = array<i32>} : memref<6144xf32, #tpu.memory_space<vmem>>, vector<16xf32>,
        tpu.vector_store %arg14[%swap3A_307], %select_n3A_302 {strides = array<i32>} : memref<6144xf32, #tpu.memory_space<vmem>>, vector<16xf32>,
        %add3A_309 = arith.constant 2056 : i32
        %add3A_310 = arith.addi %add3A_309, %scan3A_233 : i32
        %load3A_311 = arith.index_cast %add3A_310 : i32 to index
        %load3A_312 = tpu.vector_load %arg13[%load3A_311] masked %gt3A_295 {strides = array<i32>} : memref<6168xf32, #tpu.memory_space<vmem>>, vector<16xf32>, vector<16xi1>
        %jit3A_313 = arith.constant 0.000000e+00 : f32
        %broadcast_in_dim3A_314 = vector.broadcast %jit3A_313 : f32 to vector<16xf32>
        %select_n3A_315 = arith.select %gt3A_295, %load3A_312, %broadcast_in_dim3A_314 : vector<16xi1>, vector<16xf32>
        %mul3A_316 = arith.constant 16 : i32
        %mul3A_317 = arith.muli %scan3A_231, %mul3A_316 : i32
        %add3A_318 = arith.constant 2560 : i32
        %add3A_319 = arith.addi %add3A_318, %mul3A_317 : i32
        %swap3A_320 = arith.index_cast %add3A_319 : i32 to index
        %swap3A_321 = tpu.vector_load %arg14[%swap3A_320] {strides = array<i32>} : memref<6144xf32, #tpu.memory_space<vmem>>, vector<16xf32>,
        tpu.vector_store %arg14[%swap3A_320], %select_n3A_315 {strides = array<i32>} : memref<6144xf32, #tpu.memory_space<vmem>>, vector<16xf32>,
        %add3A_322 = arith.constant 4112 : i32
        %add3A_323 = arith.addi %add3A_322, %scan3A_233 : i32
        %load3A_324 = arith.index_cast %add3A_323 : i32 to index
        %load3A_325 = tpu.vector_load %arg13[%load3A_324] masked %gt3A_295 {strides = array<i32>} : memref<6168xf32, #tpu.memory_space<vmem>>, vector<16xf32>, vector<16xi1>
        %jit3A_326 = arith.constant 0.000000e+00 : f32
        %broadcast_in_dim3A_327 = vector.broadcast %jit3A_326 : f32 to vector<16xf32>
        %select_n3A_328 = arith.select %gt3A_295, %load3A_325, %broadcast_in_dim3A_327 : vector<16xi1>, vector<16xf32>
        %mul3A_329 = arith.constant 16 : i32
        %mul3A_330 = arith.muli %scan3A_231, %mul3A_329 : i32
        %add3A_331 = arith.constant 4608 : i32
        %add3A_332 = arith.addi %add3A_331, %mul3A_330 : i32
        %swap3A_333 = arith.index_cast %add3A_332 : i32 to index
        %swap3A_334 = tpu.vector_load %arg14[%swap3A_333] {strides = array<i32>} : memref<6144xf32, #tpu.memory_space<vmem>>, vector<16xf32>,
        tpu.vector_store %arg14[%swap3A_333], %select_n3A_328 {strides = array<i32>} : memref<6144xf32, #tpu.memory_space<vmem>>, vector<16xf32>,
        %reduce_sum3A_335 = arith.constant true
        %reduce_sum3A_336 = vector.broadcast %reduce_sum3A_335 : i1 to vector<16xi1>
        %reduce_sum3A_337 = tpu.scan <sum>, %get3A_292 masked %reduce_sum3A_336 : vector<16xi32>, vector<16xi1> -> vector<16xi32>
        %reduce_sum3A_338 = vector.extract %reduce_sum3A_337[15] : i32 from vector<16xi32>
        %add3A_339 = arith.addi %scan3A_233, %reduce_sum3A_338 : i32
        %mul3A_340 = arith.constant 16 : i32
        %mul3A_341 = arith.muli %scan3A_231, %mul3A_340 : i32
        %add3A_342 = arith.constant 1024 : i32
        %add3A_343 = arith.addi %add3A_342, %mul3A_341 : i32
        %get3A_344 = arith.index_cast %add3A_343 : i32 to index
        %get3A_345 = tpu.vector_load %arg12[%get3A_344] {strides = array<i32>} : memref<2048xi32, #tpu.memory_space<vmem>>, vector<16xi32>,
        %gt3A_346 = arith.constant 0 : i32
        %gt3A_347 = vector.broadcast %gt3A_346 : i32 to vector<16xi32>
        %gt3A_348 = arith.cmpi sgt, %get3A_345, %gt3A_347 : vector<16xi32>
        %add3A_349 = arith.constant 0 : i32
        %add3A_350 = arith.addi %add3A_349, %scan3A_234 : i32
        %load3A_351 = arith.index_cast %add3A_350 : i32 to index
        %load3A_352 = tpu.vector_load %arg13[%load3A_351] masked %gt3A_348 {strides = array<i32>} : memref<6168xf32, #tpu.memory_space<vmem>>, vector<16xf32>, vector<16xi1>
        %jit3A_353 = arith.constant 0.000000e+00 : f32
        %broadcast_in_dim3A_354 = vector.broadcast %jit3A_353 : f32 to vector<16xf32>
        %select_n3A_355 = arith.select %gt3A_348, %load3A_352, %broadcast_in_dim3A_354 : vector<16xi1>, vector<16xf32>
        %mul3A_356 = arith.constant 16 : i32
        %mul3A_357 = arith.muli %scan3A_231, %mul3A_356 : i32
        %add3A_358 = arith.constant 1024 : i32
        %add3A_359 = arith.addi %add3A_358, %mul3A_357 : i32
        %swap3A_360 = arith.index_cast %add3A_359 : i32 to index
        %swap3A_361 = tpu.vector_load %arg14[%swap3A_360] {strides = array<i32>} : memref<6144xf32, #tpu.memory_space<vmem>>, vector<16xf32>,
        tpu.vector_store %arg14[%swap3A_360], %select_n3A_355 {strides = array<i32>} : memref<6144xf32, #tpu.memory_space<vmem>>, vector<16xf32>,
        %add3A_362 = arith.constant 2056 : i32
        %add3A_363 = arith.addi %add3A_362, %scan3A_234 : i32
        %load3A_364 = arith.index_cast %add3A_363 : i32 to index
        %load3A_365 = tpu.vector_load %arg13[%load3A_364] masked %gt3A_348 {strides = array<i32>} : memref<6168xf32, #tpu.memory_space<vmem>>, vector<16xf32>, vector<16xi1>
        %jit3A_366 = arith.constant 0.000000e+00 : f32
        %broadcast_in_dim3A_367 = vector.broadcast %jit3A_366 : f32 to vector<16xf32>
        %select_n3A_368 = arith.select %gt3A_348, %load3A_365, %broadcast_in_dim3A_367 : vector<16xi1>, vector<16xf32>
        %mul3A_369 = arith.constant 16 : i32
        %mul3A_370 = arith.muli %scan3A_231, %mul3A_369 : i32
        %add3A_371 = arith.constant 3072 : i32
        %add3A_372 = arith.addi %add3A_371, %mul3A_370 : i32
        %swap3A_373 = arith.index_cast %add3A_372 : i32 to index
        %swap3A_374 = tpu.vector_load %arg14[%swap3A_373] {strides = array<i32>} : memref<6144xf32, #tpu.memory_space<vmem>>, vector<16xf32>,
        tpu.vector_store %arg14[%swap3A_373], %select_n3A_368 {strides = array<i32>} : memref<6144xf32, #tpu.memory_space<vmem>>, vector<16xf32>,
        %add3A_375 = arith.constant 4112 : i32
        %add3A_376 = arith.addi %add3A_375, %scan3A_234 : i32
        %load3A_377 = arith.index_cast %add3A_376 : i32 to index
        %load3A_378 = tpu.vector_load %arg13[%load3A_377] masked %gt3A_348 {strides = array<i32>} : memref<6168xf32, #tpu.memory_space<vmem>>, vector<16xf32>, vector<16xi1>
        %jit3A_379 = arith.constant 0.000000e+00 : f32
        %broadcast_in_dim3A_380 = vector.broadcast %jit3A_379 : f32 to vector<16xf32>
        %select_n3A_381 = arith.select %gt3A_348, %load3A_378, %broadcast_in_dim3A_380 : vector<16xi1>, vector<16xf32>
        %mul3A_382 = arith.constant 16 : i32
        %mul3A_383 = arith.muli %scan3A_231, %mul3A_382 : i32
        %add3A_384 = arith.constant 5120 : i32
        %add3A_385 = arith.addi %add3A_384, %mul3A_383 : i32
        %swap3A_386 = arith.index_cast %add3A_385 : i32 to index
        %swap3A_387 = tpu.vector_load %arg14[%swap3A_386] {strides = array<i32>} : memref<6144xf32, #tpu.memory_space<vmem>>, vector<16xf32>,
        tpu.vector_store %arg14[%swap3A_386], %select_n3A_381 {strides = array<i32>} : memref<6144xf32, #tpu.memory_space<vmem>>, vector<16xf32>,
        %reduce_sum3A_388 = arith.constant true
        %reduce_sum3A_389 = vector.broadcast %reduce_sum3A_388 : i1 to vector<16xi1>
        %reduce_sum3A_390 = tpu.scan <sum>, %get3A_345 masked %reduce_sum3A_389 : vector<16xi32>, vector<16xi1> -> vector<16xi32>
        %reduce_sum3A_391 = vector.extract %reduce_sum3A_390[15] : i32 from vector<16xi32>
        %add3A_392 = arith.addi %scan3A_234, %reduce_sum3A_391 : i32
        %mul3A_393 = arith.constant 16 : i32
        %mul3A_394 = arith.muli %scan3A_231, %mul3A_393 : i32
        %add3A_395 = arith.constant 1536 : i32
        %add3A_396 = arith.addi %add3A_395, %mul3A_394 : i32
        %get3A_397 = arith.index_cast %add3A_396 : i32 to index
        %get3A_398 = tpu.vector_load %arg12[%get3A_397] {strides = array<i32>} : memref<2048xi32, #tpu.memory_space<vmem>>, vector<16xi32>,
        %gt3A_399 = arith.constant 0 : i32
        %gt3A_400 = vector.broadcast %gt3A_399 : i32 to vector<16xi32>
        %gt3A_401 = arith.cmpi sgt, %get3A_398, %gt3A_400 : vector<16xi32>
        %add3A_402 = arith.constant 0 : i32
        %add3A_403 = arith.addi %add3A_402, %scan3A_235 : i32
        %load3A_404 = arith.index_cast %add3A_403 : i32 to index
        %load3A_405 = tpu.vector_load %arg13[%load3A_404] masked %gt3A_401 {strides = array<i32>} : memref<6168xf32, #tpu.memory_space<vmem>>, vector<16xf32>, vector<16xi1>
        %jit3A_406 = arith.constant 0.000000e+00 : f32
        %broadcast_in_dim3A_407 = vector.broadcast %jit3A_406 : f32 to vector<16xf32>
        %select_n3A_408 = arith.select %gt3A_401, %load3A_405, %broadcast_in_dim3A_407 : vector<16xi1>, vector<16xf32>
        %mul3A_409 = arith.constant 16 : i32
        %mul3A_410 = arith.muli %scan3A_231, %mul3A_409 : i32
        %add3A_411 = arith.constant 1536 : i32
        %add3A_412 = arith.addi %add3A_411, %mul3A_410 : i32
        %swap3A_413 = arith.index_cast %add3A_412 : i32 to index
        %swap3A_414 = tpu.vector_load %arg14[%swap3A_413] {strides = array<i32>} : memref<6144xf32, #tpu.memory_space<vmem>>, vector<16xf32>,
        tpu.vector_store %arg14[%swap3A_413], %select_n3A_408 {strides = array<i32>} : memref<6144xf32, #tpu.memory_space<vmem>>, vector<16xf32>,
        %add3A_415 = arith.constant 2056 : i32
        %add3A_416 = arith.addi %add3A_415, %scan3A_235 : i32
        %load3A_417 = arith.index_cast %add3A_416 : i32 to index
        %load3A_418 = tpu.vector_load %arg13[%load3A_417] masked %gt3A_401 {strides = array<i32>} : memref<6168xf32, #tpu.memory_space<vmem>>, vector<16xf32>, vector<16xi1>
        %jit3A_419 = arith.constant 0.000000e+00 : f32
        %broadcast_in_dim3A_420 = vector.broadcast %jit3A_419 : f32 to vector<16xf32>
        %select_n3A_421 = arith.select %gt3A_401, %load3A_418, %broadcast_in_dim3A_420 : vector<16xi1>, vector<16xf32>
        %mul3A_422 = arith.constant 16 : i32
        %mul3A_423 = arith.muli %scan3A_231, %mul3A_422 : i32
        %add3A_424 = arith.constant 3584 : i32
        %add3A_425 = arith.addi %add3A_424, %mul3A_423 : i32
        %swap3A_426 = arith.index_cast %add3A_425 : i32 to index
        %swap3A_427 = tpu.vector_load %arg14[%swap3A_426] {strides = array<i32>} : memref<6144xf32, #tpu.memory_space<vmem>>, vector<16xf32>,
        tpu.vector_store %arg14[%swap3A_426], %select_n3A_421 {strides = array<i32>} : memref<6144xf32, #tpu.memory_space<vmem>>, vector<16xf32>,
        %add3A_428 = arith.constant 4112 : i32
        %add3A_429 = arith.addi %add3A_428, %scan3A_235 : i32
        %load3A_430 = arith.index_cast %add3A_429 : i32 to index
        %load3A_431 = tpu.vector_load %arg13[%load3A_430] masked %gt3A_401 {strides = array<i32>} : memref<6168xf32, #tpu.memory_space<vmem>>, vector<16xf32>, vector<16xi1>
        %jit3A_432 = arith.constant 0.000000e+00 : f32
        %broadcast_in_dim3A_433 = vector.broadcast %jit3A_432 : f32 to vector<16xf32>
        %select_n3A_434 = arith.select %gt3A_401, %load3A_431, %broadcast_in_dim3A_433 : vector<16xi1>, vector<16xf32>
        %mul3A_435 = arith.constant 16 : i32
        %mul3A_436 = arith.muli %scan3A_231, %mul3A_435 : i32
        %add3A_437 = arith.constant 5632 : i32
        %add3A_438 = arith.addi %add3A_437, %mul3A_436 : i32
        %swap3A_439 = arith.index_cast %add3A_438 : i32 to index
        %swap3A_440 = tpu.vector_load %arg14[%swap3A_439] {strides = array<i32>} : memref<6144xf32, #tpu.memory_space<vmem>>, vector<16xf32>,
        tpu.vector_store %arg14[%swap3A_439], %select_n3A_434 {strides = array<i32>} : memref<6144xf32, #tpu.memory_space<vmem>>, vector<16xf32>,
        %reduce_sum3A_441 = arith.constant true
        %reduce_sum3A_442 = vector.broadcast %reduce_sum3A_441 : i1 to vector<16xi1>
        %reduce_sum3A_443 = tpu.scan <sum>, %get3A_398 masked %reduce_sum3A_442 : vector<16xi32>, vector<16xi1> -> vector<16xi32>
        %reduce_sum3A_444 = vector.extract %reduce_sum3A_443[15] : i32 from vector<16xi32>
        %add3A_445 = arith.addi %scan3A_235, %reduce_sum3A_444 : i32
        scf.yield %add3A_286, %add3A_339, %add3A_392, %add3A_445 : i32, i32, i32, i32
      }
      %scan3A_187 = arith.constant 32 : i32
      %add3A_188 = arith.constant 0 : i32
      %add3A_189 = arith.addi %add3A_188, %add3A_130 : i32
      %dma_start3A_190 = arith.constant 0 : i32
      %dma_start3A_191 = tpu.memref_slice %arg14[%dma_start3A_190] : memref<6144xf32, #tpu.memory_space<vmem>> -> memref<2048xf32, #tpu.memory_space<vmem>>
      %dma_start3A_192 = tpu.memref_slice %arg8[%add3A_189] : memref<3000000xf32, #tpu.memory_space<hbm>> -> memref<2048xf32, #tpu.memory_space<hbm>>
      %dma_start3A_193 = tpu.memref_slice %arg8[%add3A_189] : memref<3000000xf32, #tpu.memory_space<hbm>> -> memref<2048xf32, #tpu.memory_space<hbm>>
      %dma_start3A_194 = arith.constant 0 : i32
      %dma_start3A_195 = tpu.memref_slice %arg14[%dma_start3A_194] : memref<6144xf32, #tpu.memory_space<vmem>> -> memref<2048xf32, #tpu.memory_space<vmem>>
      tpu.enqueue_dma source(%dma_start3A_195 : memref<2048xf32, #tpu.memory_space<vmem>>) target(%dma_start3A_193 : memref<2048xf32, #tpu.memory_space<hbm>>) target_semaphore(%arg15 : memref<!tpu.dma_semaphore, #tpu.memory_space<semaphore_mem>>)
      %add3A_196 = arith.constant 1000000 : i32
      %add3A_197 = arith.addi %add3A_196, %add3A_130 : i32
      %dma_start3A_198 = arith.constant 2048 : i32
      %dma_start3A_199 = tpu.memref_slice %arg14[%dma_start3A_198] : memref<6144xf32, #tpu.memory_space<vmem>> -> memref<2048xf32, #tpu.memory_space<vmem>>
      %dma_start3A_200 = tpu.memref_slice %arg8[%add3A_197] : memref<3000000xf32, #tpu.memory_space<hbm>> -> memref<2048xf32, #tpu.memory_space<hbm>>
      %dma_start3A_201 = tpu.memref_slice %arg8[%add3A_197] : memref<3000000xf32, #tpu.memory_space<hbm>> -> memref<2048xf32, #tpu.memory_space<hbm>>
      %dma_start3A_202 = arith.constant 2048 : i32
      %dma_start3A_203 = tpu.memref_slice %arg14[%dma_start3A_202] : memref<6144xf32, #tpu.memory_space<vmem>> -> memref<2048xf32, #tpu.memory_space<vmem>>
      tpu.enqueue_dma source(%dma_start3A_203 : memref<2048xf32, #tpu.memory_space<vmem>>) target(%dma_start3A_201 : memref<2048xf32, #tpu.memory_space<hbm>>) target_semaphore(%arg16 : memref<!tpu.dma_semaphore, #tpu.memory_space<semaphore_mem>>)
      %add3A_204 = arith.constant 2000000 : i32
      %add3A_205 = arith.addi %add3A_204, %add3A_130 : i32
      %dma_start3A_206 = arith.constant 4096 : i32
      %dma_start3A_207 = tpu.memref_slice %arg14[%dma_start3A_206] : memref<6144xf32, #tpu.memory_space<vmem>> -> memref<2048xf32, #tpu.memory_space<vmem>>
      %dma_start3A_208 = tpu.memref_slice %arg8[%add3A_205] : memref<3000000xf32, #tpu.memory_space<hbm>> -> memref<2048xf32, #tpu.memory_space<hbm>>
      %dma_start3A_209 = tpu.memref_slice %arg8[%add3A_205] : memref<3000000xf32, #tpu.memory_space<hbm>> -> memref<2048xf32, #tpu.memory_space<hbm>>
      %dma_start3A_210 = arith.constant 4096 : i32
      %dma_start3A_211 = tpu.memref_slice %arg14[%dma_start3A_210] : memref<6144xf32, #tpu.memory_space<vmem>> -> memref<2048xf32, #tpu.memory_space<vmem>>
      tpu.enqueue_dma source(%dma_start3A_211 : memref<2048xf32, #tpu.memory_space<vmem>>) target(%dma_start3A_209 : memref<2048xf32, #tpu.memory_space<hbm>>) target_semaphore(%arg17 : memref<!tpu.dma_semaphore, #tpu.memory_space<semaphore_mem>>)
      %dma_wait3A_212 = arith.constant 0 : i32
      %dma_wait3A_213 = tpu.memref_slice %arg14[%dma_wait3A_212] : memref<6144xf32, #tpu.memory_space<vmem>> -> memref<2048xf32, #tpu.memory_space<vmem>>
      %dma_wait3A_214 = tpu.memref_slice %arg8[%add3A_189] : memref<3000000xf32, #tpu.memory_space<hbm>> -> memref<2048xf32, #tpu.memory_space<hbm>>
      %dma_wait3A_215 = tpu.memref_slice %arg8[%add3A_189] : memref<3000000xf32, #tpu.memory_space<hbm>> -> memref<2048xf32, #tpu.memory_space<hbm>>
      %dma_wait3A_216 = arith.constant 0 : i32
      %dma_wait3A_217 = tpu.memref_slice %arg14[%dma_wait3A_216] : memref<6144xf32, #tpu.memory_space<vmem>> -> memref<2048xf32, #tpu.memory_space<vmem>>
      tpu.wait_dma2 semaphore(%arg15 : memref<!tpu.dma_semaphore, #tpu.memory_space<semaphore_mem>>) src(%dma_wait3A_217 : memref<2048xf32, #tpu.memory_space<vmem>>) dst(%dma_wait3A_215 : memref<2048xf32, #tpu.memory_space<hbm>>)
      %dma_wait3A_218 = arith.constant 2048 : i32
      %dma_wait3A_219 = tpu.memref_slice %arg14[%dma_wait3A_218] : memref<6144xf32, #tpu.memory_space<vmem>> -> memref<2048xf32, #tpu.memory_space<vmem>>
      %dma_wait3A_220 = tpu.memref_slice %arg8[%add3A_197] : memref<3000000xf32, #tpu.memory_space<hbm>> -> memref<2048xf32, #tpu.memory_space<hbm>>
      %dma_wait3A_221 = tpu.memref_slice %arg8[%add3A_197] : memref<3000000xf32, #tpu.memory_space<hbm>> -> memref<2048xf32, #tpu.memory_space<hbm>>
      %dma_wait3A_222 = arith.constant 2048 : i32
      %dma_wait3A_223 = tpu.memref_slice %arg14[%dma_wait3A_222] : memref<6144xf32, #tpu.memory_space<vmem>> -> memref<2048xf32, #tpu.memory_space<vmem>>
      tpu.wait_dma2 semaphore(%arg16 : memref<!tpu.dma_semaphore, #tpu.memory_space<semaphore_mem>>) src(%dma_wait3A_223 : memref<2048xf32, #tpu.memory_space<vmem>>) dst(%dma_wait3A_221 : memref<2048xf32, #tpu.memory_space<hbm>>)
      %dma_wait3A_224 = arith.constant 4096 : i32
      %dma_wait3A_225 = tpu.memref_slice %arg14[%dma_wait3A_224] : memref<6144xf32, #tpu.memory_space<vmem>> -> memref<2048xf32, #tpu.memory_space<vmem>>
      %dma_wait3A_226 = tpu.memref_slice %arg8[%add3A_205] : memref<3000000xf32, #tpu.memory_space<hbm>> -> memref<2048xf32, #tpu.memory_space<hbm>>
      %dma_wait3A_227 = tpu.memref_slice %arg8[%add3A_205] : memref<3000000xf32, #tpu.memory_space<hbm>> -> memref<2048xf32, #tpu.memory_space<hbm>>
      %dma_wait3A_228 = arith.constant 4096 : i32
      %dma_wait3A_229 = tpu.memref_slice %arg14[%dma_wait3A_228] : memref<6144xf32, #tpu.memory_space<vmem>> -> memref<2048xf32, #tpu.memory_space<vmem>>
      tpu.wait_dma2 semaphore(%arg17 : memref<!tpu.dma_semaphore, #tpu.memory_space<semaphore_mem>>) src(%dma_wait3A_229 : memref<2048xf32, #tpu.memory_space<vmem>>) dst(%dma_wait3A_227 : memref<2048xf32, #tpu.memory_space<hbm>>)
      %while3A_230 = arith.constant 0 : i32
      scf.yield %while3A_230 : i32
    }
    %lt3A_117 = arith.constant 16 : i32
    %lt3A_118 = arith.cmpi slt, %min3A_105, %lt3A_117 : i32
    %mul3A_119 = arith.constant 2048 : i32
    %mul3A_120 = arith.muli %min3A_105, %mul3A_119 : i32
    %add3A_121 = arith.addi %mul3A_81, %mul3A_120 : i32
    %lt3A_122 = arith.constant 1000000 : i32
    %lt3A_123 = arith.cmpi slt, %add3A_121, %lt3A_122 : i32
    %and3A_124 = arith.andi %lt3A_118, %lt3A_123 : i1
    %convert_element_type3A = arith.extui %and3A_124 : i1 to i32
    %cond3A = arith.constant 0 : i32
    %cond3A_125 = arith.cmpi ne, %convert_element_type3A, %cond3A : i32
    scf.if %cond3A_125 {
      %mul3A_126 = arith.constant 2048 : i32
      %mul3A_127 = arith.muli %min3A_105, %mul3A_126 : i32
      %add3A_128 = arith.addi %mul3A_81, %mul3A_127 : i32
      %mul3A_129 = arith.constant 4 : i32
      %mul3A_130 = arith.muli %min3A_105, %mul3A_129 : i32
      %get3A_131 = arith.index_cast %mul3A_130 : i32 to index
      %get3A_132 = tpu.vector_load %arg11[%get3A_131] {strides = array<i32>} : memref<80xi32, #tpu.memory_space<vmem>>, vector<16xi32>,
      %slice3A = vector.extract_strided_slice %get3A_132 {offsets = [0], sizes = [1], strides = [1]} : vector<16xi32> to vector<1xi32>
      %squeeze3A = vector.extract %slice3A[0] : i32 from vector<1xi32>
      "tpu.region"() ({
        %run_scoped3A = tpu.sem_alloc : memref<!tpu.dma_semaphore, #tpu.memory_space<semaphore_mem>>
        %dma_start3A_228 = arith.constant 0 : i32
        %dma_start3A_229 = tpu.memref_slice %arg12[%dma_start3A_228] : memref<2048xi32, #tpu.memory_space<vmem>> -> memref<576xi32, #tpu.memory_space<vmem>>
        %dma_start3A_230 = tpu.memref_slice %arg2[%add3A_128] : memref<1048576xi32, #tpu.memory_space<hbm>> -> memref<576xi32, #tpu.memory_space<hbm>>
        %dma_start3A_231 = arith.constant 0 : i32
        %dma_start3A_232 = tpu.memref_slice %arg12[%dma_start3A_231] : memref<2048xi32, #tpu.memory_space<vmem>> -> memref<576xi32, #tpu.memory_space<vmem>>
        %dma_start3A_233 = tpu.memref_slice %arg2[%add3A_128] : memref<1048576xi32, #tpu.memory_space<hbm>> -> memref<576xi32, #tpu.memory_space<hbm>>
        tpu.enqueue_dma source(%dma_start3A_233 : memref<576xi32, #tpu.memory_space<hbm>>) target(%dma_start3A_232 : memref<576xi32, #tpu.memory_space<vmem>>) target_semaphore(%run_scoped3A : memref<!tpu.dma_semaphore, #tpu.memory_space<semaphore_mem>>)
        %dma_wait3A_234 = arith.constant 0 : i32
        %dma_wait3A_235 = tpu.memref_slice %arg12[%dma_wait3A_234] : memref<2048xi32, #tpu.memory_space<vmem>> -> memref<576xi32, #tpu.memory_space<vmem>>
        %dma_wait3A_236 = tpu.memref_slice %arg2[%add3A_128] : memref<1048576xi32, #tpu.memory_space<hbm>> -> memref<576xi32, #tpu.memory_space<hbm>>
        %dma_wait3A_237 = arith.constant 0 : i32
        %dma_wait3A_238 = tpu.memref_slice %arg12[%dma_wait3A_237] : memref<2048xi32, #tpu.memory_space<vmem>> -> memref<576xi32, #tpu.memory_space<vmem>>
        %dma_wait3A_239 = tpu.memref_slice %arg2[%add3A_128] : memref<1048576xi32, #tpu.memory_space<hbm>> -> memref<576xi32, #tpu.memory_space<hbm>>
        tpu.wait_dma2 semaphore(%run_scoped3A : memref<!tpu.dma_semaphore, #tpu.memory_space<semaphore_mem>>) src(%dma_wait3A_239 : memref<576xi32, #tpu.memory_space<hbm>>) dst(%dma_wait3A_238 : memref<576xi32, #tpu.memory_space<vmem>>)
        tpu.yield
      }) : () -> ()
      %and3A_133 = arith.constant -8 : i32
      %and3A_134 = arith.andi %squeeze3A, %and3A_133 : i32
      %multiple_of3A = tpu.assume_multiple %and3A_134, 8 : i32
      %dma_start3A = arith.constant 0 : i32
      %dma_start3A_135 = tpu.memref_slice %arg13[%dma_start3A] : memref<6168xf32, #tpu.memory_space<vmem>> -> memref<584xf32, #tpu.memory_space<vmem>>
      %dma_start3A_136 = tpu.memref_slice %arg5[%multiple_of3A] : memref<1002560xf32, #tpu.memory_space<hbm>> -> memref<584xf32, #tpu.memory_space<hbm>>
      %dma_start3A_137 = arith.constant 0 : i32
      %dma_start3A_138 = tpu.memref_slice %arg13[%dma_start3A_137] : memref<6168xf32, #tpu.memory_space<vmem>> -> memref<584xf32, #tpu.memory_space<vmem>>
      %dma_start3A_139 = tpu.memref_slice %arg5[%multiple_of3A] : memref<1002560xf32, #tpu.memory_space<hbm>> -> memref<584xf32, #tpu.memory_space<hbm>>
      tpu.enqueue_dma source(%dma_start3A_139 : memref<584xf32, #tpu.memory_space<hbm>>) target(%dma_start3A_138 : memref<584xf32, #tpu.memory_space<vmem>>) target_semaphore(%arg15 : memref<!tpu.dma_semaphore, #tpu.memory_space<semaphore_mem>>)
      %dma_start3A_140 = arith.constant 2056 : i32
      %dma_start3A_141 = tpu.memref_slice %arg13[%dma_start3A_140] : memref<6168xf32, #tpu.memory_space<vmem>> -> memref<584xf32, #tpu.memory_space<vmem>>
      %dma_start3A_142 = tpu.memref_slice %arg6[%multiple_of3A] : memref<1002560xf32, #tpu.memory_space<hbm>> -> memref<584xf32, #tpu.memory_space<hbm>>
      %dma_start3A_143 = arith.constant 2056 : i32
      %dma_start3A_144 = tpu.memref_slice %arg13[%dma_start3A_143] : memref<6168xf32, #tpu.memory_space<vmem>> -> memref<584xf32, #tpu.memory_space<vmem>>
      %dma_start3A_145 = tpu.memref_slice %arg6[%multiple_of3A] : memref<1002560xf32, #tpu.memory_space<hbm>> -> memref<584xf32, #tpu.memory_space<hbm>>
      tpu.enqueue_dma source(%dma_start3A_145 : memref<584xf32, #tpu.memory_space<hbm>>) target(%dma_start3A_144 : memref<584xf32, #tpu.memory_space<vmem>>) target_semaphore(%arg16 : memref<!tpu.dma_semaphore, #tpu.memory_space<semaphore_mem>>)
      %dma_start3A_146 = arith.constant 4112 : i32
      %dma_start3A_147 = tpu.memref_slice %arg13[%dma_start3A_146] : memref<6168xf32, #tpu.memory_space<vmem>> -> memref<584xf32, #tpu.memory_space<vmem>>
      %dma_start3A_148 = tpu.memref_slice %arg7[%multiple_of3A] : memref<1002560xf32, #tpu.memory_space<hbm>> -> memref<584xf32, #tpu.memory_space<hbm>>
      %dma_start3A_149 = arith.constant 4112 : i32
      %dma_start3A_150 = tpu.memref_slice %arg13[%dma_start3A_149] : memref<6168xf32, #tpu.memory_space<vmem>> -> memref<584xf32, #tpu.memory_space<vmem>>
      %dma_start3A_151 = tpu.memref_slice %arg7[%multiple_of3A] : memref<1002560xf32, #tpu.memory_space<hbm>> -> memref<584xf32, #tpu.memory_space<hbm>>
      tpu.enqueue_dma source(%dma_start3A_151 : memref<584xf32, #tpu.memory_space<hbm>>) target(%dma_start3A_150 : memref<584xf32, #tpu.memory_space<vmem>>) target_semaphore(%arg17 : memref<!tpu.dma_semaphore, #tpu.memory_space<semaphore_mem>>)
      %dma_wait3A = arith.constant 0 : i32
      %dma_wait3A_152 = tpu.memref_slice %arg13[%dma_wait3A] : memref<6168xf32, #tpu.memory_space<vmem>> -> memref<584xf32, #tpu.memory_space<vmem>>
      %dma_wait3A_153 = tpu.memref_slice %arg5[%multiple_of3A] : memref<1002560xf32, #tpu.memory_space<hbm>> -> memref<584xf32, #tpu.memory_space<hbm>>
      %dma_wait3A_154 = arith.constant 0 : i32
      %dma_wait3A_155 = tpu.memref_slice %arg13[%dma_wait3A_154] : memref<6168xf32, #tpu.memory_space<vmem>> -> memref<584xf32, #tpu.memory_space<vmem>>
      %dma_wait3A_156 = tpu.memref_slice %arg5[%multiple_of3A] : memref<1002560xf32, #tpu.memory_space<hbm>> -> memref<584xf32, #tpu.memory_space<hbm>>
      tpu.wait_dma2 semaphore(%arg15 : memref<!tpu.dma_semaphore, #tpu.memory_space<semaphore_mem>>) src(%dma_wait3A_156 : memref<584xf32, #tpu.memory_space<hbm>>) dst(%dma_wait3A_155 : memref<584xf32, #tpu.memory_space<vmem>>)
      %dma_wait3A_157 = arith.constant 2056 : i32
      %dma_wait3A_158 = tpu.memref_slice %arg13[%dma_wait3A_157] : memref<6168xf32, #tpu.memory_space<vmem>> -> memref<584xf32, #tpu.memory_space<vmem>>
      %dma_wait3A_159 = tpu.memref_slice %arg6[%multiple_of3A] : memref<1002560xf32, #tpu.memory_space<hbm>> -> memref<584xf32, #tpu.memory_space<hbm>>
      %dma_wait3A_160 = arith.constant 2056 : i32
      %dma_wait3A_161 = tpu.memref_slice %arg13[%dma_wait3A_160] : memref<6168xf32, #tpu.memory_space<vmem>> -> memref<584xf32, #tpu.memory_space<vmem>>
      %dma_wait3A_162 = tpu.memref_slice %arg6[%multiple_of3A] : memref<1002560xf32, #tpu.memory_space<hbm>> -> memref<584xf32, #tpu.memory_space<hbm>>
      tpu.wait_dma2 semaphore(%arg16 : memref<!tpu.dma_semaphore, #tpu.memory_space<semaphore_mem>>) src(%dma_wait3A_162 : memref<584xf32, #tpu.memory_space<hbm>>) dst(%dma_wait3A_161 : memref<584xf32, #tpu.memory_space<vmem>>)
      %dma_wait3A_163 = arith.constant 4112 : i32
      %dma_wait3A_164 = tpu.memref_slice %arg13[%dma_wait3A_163] : memref<6168xf32, #tpu.memory_space<vmem>> -> memref<584xf32, #tpu.memory_space<vmem>>
      %dma_wait3A_165 = tpu.memref_slice %arg7[%multiple_of3A] : memref<1002560xf32, #tpu.memory_space<hbm>> -> memref<584xf32, #tpu.memory_space<hbm>>
      %dma_wait3A_166 = arith.constant 4112 : i32
      %dma_wait3A_167 = tpu.memref_slice %arg13[%dma_wait3A_166] : memref<6168xf32, #tpu.memory_space<vmem>> -> memref<584xf32, #tpu.memory_space<vmem>>
      %dma_wait3A_168 = tpu.memref_slice %arg7[%multiple_of3A] : memref<1002560xf32, #tpu.memory_space<hbm>> -> memref<584xf32, #tpu.memory_space<hbm>>
      tpu.wait_dma2 semaphore(%arg17 : memref<!tpu.dma_semaphore, #tpu.memory_space<semaphore_mem>>) src(%dma_wait3A_168 : memref<584xf32, #tpu.memory_space<hbm>>) dst(%dma_wait3A_167 : memref<584xf32, #tpu.memory_space<vmem>>)
      %slice3A_169 = vector.extract_strided_slice %get3A_132 {offsets = [0], sizes = [1], strides = [1]} : vector<16xi32> to vector<1xi32>
      %squeeze3A_170 = vector.extract %slice3A_169[0] : i32 from vector<1xi32>
      %sub3A_171 = arith.subi %squeeze3A_170, %multiple_of3A : i32
      %slice3A_172 = vector.extract_strided_slice %get3A_132 {offsets = [1], sizes = [1], strides = [1]} : vector<16xi32> to vector<1xi32>
      %squeeze3A_173 = vector.extract %slice3A_172[0] : i32 from vector<1xi32>
      %sub3A_174 = arith.subi %squeeze3A_173, %multiple_of3A : i32
      %scan3A = arith.constant 0 : i32
      %scan3A_175 = arith.constant 32 : i32
      %scan3A_176 = arith.addi %scan3A, %scan3A_175 : i32
      %scan3A_177 = arith.constant 1 : i32
      %scan3A_178 = scf.for %scan3A_228 = %scan3A to %scan3A_176 step %scan3A_177 iter_args(%scan3A_229 = %sub3A_171) -> (i32)  : i32 {
        %mul3A_230 = arith.constant 16 : i32
        %mul3A_231 = arith.muli %scan3A_228, %mul3A_230 : i32
        %add3A_232 = arith.constant 0 : i32
        %add3A_233 = arith.addi %add3A_232, %mul3A_231 : i32
        %get3A_234 = arith.index_cast %add3A_233 : i32 to index
        %get3A_235 = tpu.vector_load %arg12[%get3A_234] {strides = array<i32>} : memref<2048xi32, #tpu.memory_space<vmem>>, vector<16xi32>,
        %gt3A = arith.constant 0 : i32
        %gt3A_236 = vector.broadcast %gt3A : i32 to vector<16xi32>
        %gt3A_237 = arith.cmpi sgt, %get3A_235, %gt3A_236 : vector<16xi32>
        %add3A_238 = arith.constant 0 : i32
        %add3A_239 = arith.addi %add3A_238, %scan3A_229 : i32
        %load3A = arith.index_cast %add3A_239 : i32 to index
        %load3A_240 = tpu.vector_load %arg13[%load3A] masked %gt3A_237 {strides = array<i32>} : memref<6168xf32, #tpu.memory_space<vmem>>, vector<16xf32>, vector<16xi1>
        %jit3A_241 = arith.constant 0.000000e+00 : f32
        %broadcast_in_dim3A_242 = vector.broadcast %jit3A_241 : f32 to vector<16xf32>
        %select_n3A_243 = arith.select %gt3A_237, %load3A_240, %broadcast_in_dim3A_242 : vector<16xi1>, vector<16xf32>
        %mul3A_244 = arith.constant 16 : i32
        %mul3A_245 = arith.muli %scan3A_228, %mul3A_244 : i32
        %add3A_246 = arith.constant 0 : i32
        %add3A_247 = arith.addi %add3A_246, %mul3A_245 : i32
        %swap3A_248 = arith.index_cast %add3A_247 : i32 to index
        %swap3A_249 = tpu.vector_load %arg14[%swap3A_248] {strides = array<i32>} : memref<6144xf32, #tpu.memory_space<vmem>>, vector<16xf32>,
        tpu.vector_store %arg14[%swap3A_248], %select_n3A_243 {strides = array<i32>} : memref<6144xf32, #tpu.memory_space<vmem>>, vector<16xf32>,
        %add3A_250 = arith.constant 2056 : i32
        %add3A_251 = arith.addi %add3A_250, %scan3A_229 : i32
        %load3A_252 = arith.index_cast %add3A_251 : i32 to index
        %load3A_253 = tpu.vector_load %arg13[%load3A_252] masked %gt3A_237 {strides = array<i32>} : memref<6168xf32, #tpu.memory_space<vmem>>, vector<16xf32>, vector<16xi1>
        %jit3A_254 = arith.constant 0.000000e+00 : f32
        %broadcast_in_dim3A_255 = vector.broadcast %jit3A_254 : f32 to vector<16xf32>
        %select_n3A_256 = arith.select %gt3A_237, %load3A_253, %broadcast_in_dim3A_255 : vector<16xi1>, vector<16xf32>
        %mul3A_257 = arith.constant 16 : i32
        %mul3A_258 = arith.muli %scan3A_228, %mul3A_257 : i32
        %add3A_259 = arith.constant 2048 : i32
        %add3A_260 = arith.addi %add3A_259, %mul3A_258 : i32
        %swap3A_261 = arith.index_cast %add3A_260 : i32 to index
        %swap3A_262 = tpu.vector_load %arg14[%swap3A_261] {strides = array<i32>} : memref<6144xf32, #tpu.memory_space<vmem>>, vector<16xf32>,
        tpu.vector_store %arg14[%swap3A_261], %select_n3A_256 {strides = array<i32>} : memref<6144xf32, #tpu.memory_space<vmem>>, vector<16xf32>,
        %add3A_263 = arith.constant 4112 : i32
        %add3A_264 = arith.addi %add3A_263, %scan3A_229 : i32
        %load3A_265 = arith.index_cast %add3A_264 : i32 to index
        %load3A_266 = tpu.vector_load %arg13[%load3A_265] masked %gt3A_237 {strides = array<i32>} : memref<6168xf32, #tpu.memory_space<vmem>>, vector<16xf32>, vector<16xi1>
        %jit3A_267 = arith.constant 0.000000e+00 : f32
        %broadcast_in_dim3A_268 = vector.broadcast %jit3A_267 : f32 to vector<16xf32>
        %select_n3A_269 = arith.select %gt3A_237, %load3A_266, %broadcast_in_dim3A_268 : vector<16xi1>, vector<16xf32>
        %mul3A_270 = arith.constant 16 : i32
        %mul3A_271 = arith.muli %scan3A_228, %mul3A_270 : i32
        %add3A_272 = arith.constant 4096 : i32
        %add3A_273 = arith.addi %add3A_272, %mul3A_271 : i32
        %swap3A_274 = arith.index_cast %add3A_273 : i32 to index
        %swap3A_275 = tpu.vector_load %arg14[%swap3A_274] {strides = array<i32>} : memref<6144xf32, #tpu.memory_space<vmem>>, vector<16xf32>,
        tpu.vector_store %arg14[%swap3A_274], %select_n3A_269 {strides = array<i32>} : memref<6144xf32, #tpu.memory_space<vmem>>, vector<16xf32>,
        %reduce_sum3A_276 = arith.constant true
        %reduce_sum3A_277 = vector.broadcast %reduce_sum3A_276 : i1 to vector<16xi1>
        %reduce_sum3A_278 = tpu.scan <sum>, %get3A_235 masked %reduce_sum3A_277 : vector<16xi32>, vector<16xi1> -> vector<16xi32>
        %reduce_sum3A_279 = vector.extract %reduce_sum3A_278[15] : i32 from vector<16xi32>
        %add3A_280 = arith.addi %scan3A_229, %reduce_sum3A_279 : i32
        scf.yield %add3A_280 : i32
      }
      %scan3A_179 = arith.constant 32 : i32
      %scan3A_180 = arith.constant 0 : i32
      %scan3A_181 = arith.constant 4 : i32
      %scan3A_182 = arith.addi %scan3A_180, %scan3A_181 : i32
      %scan3A_183 = arith.constant 1 : i32
      %scan3A_184 = scf.for %scan3A_228 = %scan3A_180 to %scan3A_182 step %scan3A_183 iter_args(%scan3A_229 = %sub3A_174) -> (i32)  : i32 {
        %mul3A_230 = arith.constant 16 : i32
        %mul3A_231 = arith.muli %scan3A_228, %mul3A_230 : i32
        %add3A_232 = arith.constant 512 : i32
        %add3A_233 = arith.addi %add3A_232, %mul3A_231 : i32
        %get3A_234 = arith.index_cast %add3A_233 : i32 to index
        %get3A_235 = tpu.vector_load %arg12[%get3A_234] {strides = array<i32>} : memref<2048xi32, #tpu.memory_space<vmem>>, vector<16xi32>,
        %gt3A = arith.constant 0 : i32
        %gt3A_236 = vector.broadcast %gt3A : i32 to vector<16xi32>
        %gt3A_237 = arith.cmpi sgt, %get3A_235, %gt3A_236 : vector<16xi32>
        %add3A_238 = arith.constant 0 : i32
        %add3A_239 = arith.addi %add3A_238, %scan3A_229 : i32
        %load3A = arith.index_cast %add3A_239 : i32 to index
        %load3A_240 = tpu.vector_load %arg13[%load3A] masked %gt3A_237 {strides = array<i32>} : memref<6168xf32, #tpu.memory_space<vmem>>, vector<16xf32>, vector<16xi1>
        %jit3A_241 = arith.constant 0.000000e+00 : f32
        %broadcast_in_dim3A_242 = vector.broadcast %jit3A_241 : f32 to vector<16xf32>
        %select_n3A_243 = arith.select %gt3A_237, %load3A_240, %broadcast_in_dim3A_242 : vector<16xi1>, vector<16xf32>
        %mul3A_244 = arith.constant 16 : i32
        %mul3A_245 = arith.muli %scan3A_228, %mul3A_244 : i32
        %add3A_246 = arith.constant 512 : i32
        %add3A_247 = arith.addi %add3A_246, %mul3A_245 : i32
        %swap3A_248 = arith.index_cast %add3A_247 : i32 to index
        %swap3A_249 = tpu.vector_load %arg14[%swap3A_248] {strides = array<i32>} : memref<6144xf32, #tpu.memory_space<vmem>>, vector<16xf32>,
        tpu.vector_store %arg14[%swap3A_248], %select_n3A_243 {strides = array<i32>} : memref<6144xf32, #tpu.memory_space<vmem>>, vector<16xf32>,
        %add3A_250 = arith.constant 2056 : i32
        %add3A_251 = arith.addi %add3A_250, %scan3A_229 : i32
        %load3A_252 = arith.index_cast %add3A_251 : i32 to index
        %load3A_253 = tpu.vector_load %arg13[%load3A_252] masked %gt3A_237 {strides = array<i32>} : memref<6168xf32, #tpu.memory_space<vmem>>, vector<16xf32>, vector<16xi1>
        %jit3A_254 = arith.constant 0.000000e+00 : f32
        %broadcast_in_dim3A_255 = vector.broadcast %jit3A_254 : f32 to vector<16xf32>
        %select_n3A_256 = arith.select %gt3A_237, %load3A_253, %broadcast_in_dim3A_255 : vector<16xi1>, vector<16xf32>
        %mul3A_257 = arith.constant 16 : i32
        %mul3A_258 = arith.muli %scan3A_228, %mul3A_257 : i32
        %add3A_259 = arith.constant 2560 : i32
        %add3A_260 = arith.addi %add3A_259, %mul3A_258 : i32
        %swap3A_261 = arith.index_cast %add3A_260 : i32 to index
        %swap3A_262 = tpu.vector_load %arg14[%swap3A_261] {strides = array<i32>} : memref<6144xf32, #tpu.memory_space<vmem>>, vector<16xf32>,
        tpu.vector_store %arg14[%swap3A_261], %select_n3A_256 {strides = array<i32>} : memref<6144xf32, #tpu.memory_space<vmem>>, vector<16xf32>,
        %add3A_263 = arith.constant 4112 : i32
        %add3A_264 = arith.addi %add3A_263, %scan3A_229 : i32
        %load3A_265 = arith.index_cast %add3A_264 : i32 to index
        %load3A_266 = tpu.vector_load %arg13[%load3A_265] masked %gt3A_237 {strides = array<i32>} : memref<6168xf32, #tpu.memory_space<vmem>>, vector<16xf32>, vector<16xi1>
        %jit3A_267 = arith.constant 0.000000e+00 : f32
        %broadcast_in_dim3A_268 = vector.broadcast %jit3A_267 : f32 to vector<16xf32>
        %select_n3A_269 = arith.select %gt3A_237, %load3A_266, %broadcast_in_dim3A_268 : vector<16xi1>, vector<16xf32>
        %mul3A_270 = arith.constant 16 : i32
        %mul3A_271 = arith.muli %scan3A_228, %mul3A_270 : i32
        %add3A_272 = arith.constant 4608 : i32
        %add3A_273 = arith.addi %add3A_272, %mul3A_271 : i32
        %swap3A_274 = arith.index_cast %add3A_273 : i32 to index
        %swap3A_275 = tpu.vector_load %arg14[%swap3A_274] {strides = array<i32>} : memref<6144xf32, #tpu.memory_space<vmem>>, vector<16xf32>,
        tpu.vector_store %arg14[%swap3A_274], %select_n3A_269 {strides = array<i32>} : memref<6144xf32, #tpu.memory_space<vmem>>, vector<16xf32>,
        %reduce_sum3A_276 = arith.constant true
        %reduce_sum3A_277 = vector.broadcast %reduce_sum3A_276 : i1 to vector<16xi1>
        %reduce_sum3A_278 = tpu.scan <sum>, %get3A_235 masked %reduce_sum3A_277 : vector<16xi32>, vector<16xi1> -> vector<16xi32>
        %reduce_sum3A_279 = vector.extract %reduce_sum3A_278[15] : i32 from vector<16xi32>
        %add3A_280 = arith.addi %scan3A_229, %reduce_sum3A_279 : i32
        scf.yield %add3A_280 : i32
      }
      %scan3A_185 = arith.constant 4 : i32
      %add3A_186 = arith.constant 0 : i32
      %add3A_187 = arith.addi %add3A_186, %add3A_128 : i32
      %dma_start3A_188 = arith.constant 0 : i32
      %dma_start3A_189 = tpu.memref_slice %arg14[%dma_start3A_188] : memref<6144xf32, #tpu.memory_space<vmem>> -> memref<576xf32, #tpu.memory_space<vmem>>
      %dma_start3A_190 = tpu.memref_slice %arg8[%add3A_187] : memref<3000000xf32, #tpu.memory_space<hbm>> -> memref<576xf32, #tpu.memory_space<hbm>>
      %dma_start3A_191 = tpu.memref_slice %arg8[%add3A_187] : memref<3000000xf32, #tpu.memory_space<hbm>> -> memref<576xf32, #tpu.memory_space<hbm>>
      %dma_start3A_192 = arith.constant 0 : i32
      %dma_start3A_193 = tpu.memref_slice %arg14[%dma_start3A_192] : memref<6144xf32, #tpu.memory_space<vmem>> -> memref<576xf32, #tpu.memory_space<vmem>>
      tpu.enqueue_dma source(%dma_start3A_193 : memref<576xf32, #tpu.memory_space<vmem>>) target(%dma_start3A_191 : memref<576xf32, #tpu.memory_space<hbm>>) target_semaphore(%arg15 : memref<!tpu.dma_semaphore, #tpu.memory_space<semaphore_mem>>)
      %add3A_194 = arith.constant 1000000 : i32
      %add3A_195 = arith.addi %add3A_194, %add3A_128 : i32
      %dma_start3A_196 = arith.constant 2048 : i32
      %dma_start3A_197 = tpu.memref_slice %arg14[%dma_start3A_196] : memref<6144xf32, #tpu.memory_space<vmem>> -> memref<576xf32, #tpu.memory_space<vmem>>
      %dma_start3A_198 = tpu.memref_slice %arg8[%add3A_195] : memref<3000000xf32, #tpu.memory_space<hbm>> -> memref<576xf32, #tpu.memory_space<hbm>>
      %dma_start3A_199 = tpu.memref_slice %arg8[%add3A_195] : memref<3000000xf32, #tpu.memory_space<hbm>> -> memref<576xf32, #tpu.memory_space<hbm>>
      %dma_start3A_200 = arith.constant 2048 : i32
      %dma_start3A_201 = tpu.memref_slice %arg14[%dma_start3A_200] : memref<6144xf32, #tpu.memory_space<vmem>> -> memref<576xf32, #tpu.memory_space<vmem>>
      tpu.enqueue_dma source(%dma_start3A_201 : memref<576xf32, #tpu.memory_space<vmem>>) target(%dma_start3A_199 : memref<576xf32, #tpu.memory_space<hbm>>) target_semaphore(%arg16 : memref<!tpu.dma_semaphore, #tpu.memory_space<semaphore_mem>>)
      %add3A_202 = arith.constant 2000000 : i32
      %add3A_203 = arith.addi %add3A_202, %add3A_128 : i32
      %dma_start3A_204 = arith.constant 4096 : i32
      %dma_start3A_205 = tpu.memref_slice %arg14[%dma_start3A_204] : memref<6144xf32, #tpu.memory_space<vmem>> -> memref<576xf32, #tpu.memory_space<vmem>>
      %dma_start3A_206 = tpu.memref_slice %arg8[%add3A_203] : memref<3000000xf32, #tpu.memory_space<hbm>> -> memref<576xf32, #tpu.memory_space<hbm>>
      %dma_start3A_207 = tpu.memref_slice %arg8[%add3A_203] : memref<3000000xf32, #tpu.memory_space<hbm>> -> memref<576xf32, #tpu.memory_space<hbm>>
      %dma_start3A_208 = arith.constant 4096 : i32
      %dma_start3A_209 = tpu.memref_slice %arg14[%dma_start3A_208] : memref<6144xf32, #tpu.memory_space<vmem>> -> memref<576xf32, #tpu.memory_space<vmem>>
      tpu.enqueue_dma source(%dma_start3A_209 : memref<576xf32, #tpu.memory_space<vmem>>) target(%dma_start3A_207 : memref<576xf32, #tpu.memory_space<hbm>>) target_semaphore(%arg17 : memref<!tpu.dma_semaphore, #tpu.memory_space<semaphore_mem>>)
      %dma_wait3A_210 = arith.constant 0 : i32
      %dma_wait3A_211 = tpu.memref_slice %arg14[%dma_wait3A_210] : memref<6144xf32, #tpu.memory_space<vmem>> -> memref<576xf32, #tpu.memory_space<vmem>>
      %dma_wait3A_212 = tpu.memref_slice %arg8[%add3A_187] : memref<3000000xf32, #tpu.memory_space<hbm>> -> memref<576xf32, #tpu.memory_space<hbm>>
      %dma_wait3A_213 = tpu.memref_slice %arg8[%add3A_187] : memref<3000000xf32, #tpu.memory_space<hbm>> -> memref<576xf32, #tpu.memory_space<hbm>>
      %dma_wait3A_214 = arith.constant 0 : i32
      %dma_wait3A_215 = tpu.memref_slice %arg14[%dma_wait3A_214] : memref<6144xf32, #tpu.memory_space<vmem>> -> memref<576xf32, #tpu.memory_space<vmem>>
      tpu.wait_dma2 semaphore(%arg15 : memref<!tpu.dma_semaphore, #tpu.memory_space<semaphore_mem>>) src(%dma_wait3A_215 : memref<576xf32, #tpu.memory_space<vmem>>) dst(%dma_wait3A_213 : memref<576xf32, #tpu.memory_space<hbm>>)
      %dma_wait3A_216 = arith.constant 2048 : i32
      %dma_wait3A_217 = tpu.memref_slice %arg14[%dma_wait3A_216] : memref<6144xf32, #tpu.memory_space<vmem>> -> memref<576xf32, #tpu.memory_space<vmem>>
      %dma_wait3A_218 = tpu.memref_slice %arg8[%add3A_195] : memref<3000000xf32, #tpu.memory_space<hbm>> -> memref<576xf32, #tpu.memory_space<hbm>>
      %dma_wait3A_219 = tpu.memref_slice %arg8[%add3A_195] : memref<3000000xf32, #tpu.memory_space<hbm>> -> memref<576xf32, #tpu.memory_space<hbm>>
      %dma_wait3A_220 = arith.constant 2048 : i32
      %dma_wait3A_221 = tpu.memref_slice %arg14[%dma_wait3A_220] : memref<6144xf32, #tpu.memory_space<vmem>> -> memref<576xf32, #tpu.memory_space<vmem>>
      tpu.wait_dma2 semaphore(%arg16 : memref<!tpu.dma_semaphore, #tpu.memory_space<semaphore_mem>>) src(%dma_wait3A_221 : memref<576xf32, #tpu.memory_space<vmem>>) dst(%dma_wait3A_219 : memref<576xf32, #tpu.memory_space<hbm>>)
      %dma_wait3A_222 = arith.constant 4096 : i32
      %dma_wait3A_223 = tpu.memref_slice %arg14[%dma_wait3A_222] : memref<6144xf32, #tpu.memory_space<vmem>> -> memref<576xf32, #tpu.memory_space<vmem>>
      %dma_wait3A_224 = tpu.memref_slice %arg8[%add3A_203] : memref<3000000xf32, #tpu.memory_space<hbm>> -> memref<576xf32, #tpu.memory_space<hbm>>
      %dma_wait3A_225 = tpu.memref_slice %arg8[%add3A_203] : memref<3000000xf32, #tpu.memory_space<hbm>> -> memref<576xf32, #tpu.memory_space<hbm>>
      %dma_wait3A_226 = arith.constant 4096 : i32
      %dma_wait3A_227 = tpu.memref_slice %arg14[%dma_wait3A_226] : memref<6144xf32, #tpu.memory_space<vmem>> -> memref<576xf32, #tpu.memory_space<vmem>>
      tpu.wait_dma2 semaphore(%arg17 : memref<!tpu.dma_semaphore, #tpu.memory_space<semaphore_mem>>) src(%dma_wait3A_227 : memref<576xf32, #tpu.memory_space<vmem>>) dst(%dma_wait3A_225 : memref<576xf32, #tpu.memory_space<hbm>>)
    } else {
    }
    return
  }
}

</mosaic_0001>

<sc_bundles>
// kernel: kernel.11.cloned.1.call-start
scs
__scs_entry_jumppad:
0x0: {  	(pc) =	sbr.rel $0x88, $3  }
0x1: {  	(tag) =	ssettag $0x0;
	lr =	simm.s32 $0x1  }
0x2: {  	[smem:$0x3F9D] =	sst lr;
	_ =	strace $0xD0000000  }
0x3: {  	_ = 	snop  }
0x4: {  	_ = 	snop  }
0x5: {  	_ = 	snop  }
0x6: {  	_ = 	snop  }
0x7: {  	_ = 	snop  }
__scs_overlays_trampoline_lowered:
0x8: {  	[smem:$0x3FAC] =	sst s0  }
0x9: {  	[smem:$0x3FAD] =	sst s1  }
0xa: {  	[smem:$0x3FAE] =	sst s2  }
0xb: {  	[smem:$0x3FAF] =	sst s3  }
0xc: {  	[smem:$0x3FB0] =	sst s4  }
0xd: {  	[smem:$0x3FB1] =	sst s5  }
0xe: {  	[smem:$0x3FB2] =	sst s6  }
0xf: {  	[smem:$0x3FB3] =	sst s7  }
0x10: {  	[smem:$0x3FB4] =	sst s8  }
0x11: {  	[smem:$0x3FB5] =	sst s9;
	s0 =	simm.s32 @!p0 $0x0  }
0x12: {  	s1 =	sld [smem:$0x3F9B];
	s0 =	simm.s32 @p0 $0x1  }
0x13: {  	[smem:$0x3FB6] =	sst s0;
	s0 =	simm.s32 @!p1 $0x0  }
0x14: {  	s2 =	sld [smem:$0x3F9A];
	s0 =	simm.s32 @p1 $0x1  }
0x15: {  	[smem:$0x3FB7] =	sst s0;
	s0 =	simm.s32 @!p2 $0x0  }
0x16: {  	s3 =	sld [smem:$0x3FDB];
	s0 =	simm.s32 @p2 $0x1  }
0x17: {  	s4 =	simm.s32 $0x1BF5;
	[smem:$0x3FB9] =	sst s0  }
0x18: {  	s0 =	sld [smem:$0x3F9C];
	_ =	swait.ge [sflag:s4], $0x0  }
0x19: {  	s7 =	sld [smem:$0x3F9D]  }
0x1a: {  	s8 =	sadd.s32 $0xFFFFE003, lr  }
0x1b: {  	s9 =	sadd.s32 $0xFFFFFEF7, lr;
	s5 =	simm.s32 $0xFFFFFFFF;
	p2 =	slt.u32 s8, $0xFFFFF086  }
0x1c: {  	p1 =	slt.u32 s9, $0xF7A;
	s5 =	simm.s32 @!p2 $0x0  }
0x1d: {  	s5 =	simm.s32 @p1 $0x1;
	p0 =	seq.s32 s7, s2  }
0x1e: {  	s7 =	smul.u32 @!p0 $0xF7A, s2;
	p2 =	seq.s32 @!p0 s5, $0x0  }
0x1f: {  	s9 =	smul.u32 $0xF7A, s1;
	s8 =	simm.s32 @!p0 $0x1BF5;
	p2 =	por !p2, p0  }
0x20: {  	[sflag:s8] =	ssyncset.s32 @!p0 $0xFFFFF086;
	s6 =	sadd.s32 @!p0 s3, s7;
	s7 =	simm.s32 @!p0 $0x108  }
0x21: {  	s3 =	sadd.s32 s3, s9;
	s6 =	sadd.s32 @!p0 $0x88, s6;
	s7 =	simm.s32 @p2 $0x1082  }
0x22: {  	[simem:s7], [sflag:s8] =	dma.local @!p0 [hbm:s6], $0xF7A  }
0x23: {  	s9 =	sor.u32 $0xD0000000, s2;
	s6 =	simm.s32 $0x108;
	_ =	swait.ge @!p0 [sflag:s8], $0x0  }
0x24: {  	s3 =	sadd.s32 $0x88, s3;
	s6 =	simm.s32 @!p1 $0x1082;
	[sflag:s4] =	ssyncset.s32 $0xFFFFF086  }
0x25: {  	[simem:s6], [sflag:s4] =	dma.local [hbm:s3], $0xF7A  }
0x26: {  	[smem:$0x3F9D] =	sst s1;
	(tag) =	ssettag s2;
	_ =	strace s9  }
0x27: {  	s1 =	sld [smem:$0x3FAD]  }
0x28: {  	s2 =	sld [smem:$0x3FAE]  }
0x29: {  	s4 =	sld [smem:$0x3FB0]  }
0x2a: {  	p0 =	seq.s32 s5, $0x0;
	s5 =	sld [smem:$0x3FB1]  }
0x2b: {  	s6 =	sld [smem:$0x3FB2]  }
0x2c: {  	s7 =	sld [smem:$0x3FB3]  }
0x2d: {  	s3 =	simm.s32 $0x108;
	s8 =	sld [smem:$0x3FB4]  }
0x2e: {  	s3 =	simm.s32 @!p0 $0x1082;
	s9 =	sld [smem:$0x3FB5]  }
0x2f: {  	lr =	sadd.s32 s0, s3;
	s0 =	sld [smem:$0x3FAC]  }
0x30: {  	s3 =	sld [smem:$0x3FAF]  }
0x31: {  	[smem:$0x3FB8] =	sst s10  }
0x32: {  	s10 =	sld [smem:$0x3FB6];
	_ =	sdelay $0x3  }
0x33: {  	p0 =	seq.s32 s10, $0x1;
	s10 =	sld [smem:$0x3FB8];
	_ =	sdelay $0x3  }
0x34: {  	[smem:$0x3FB8] =	sst s10  }
0x35: {  	s10 =	sld [smem:$0x3FB7];
	_ =	sdelay $0x3  }
0x36: {  	p1 =	seq.s32 s10, $0x1;
	s10 =	sld [smem:$0x3FB8];
	_ =	sdelay $0x3  }
0x37: {  	[smem:$0x3FB8] =	sst s10  }
0x38: {  	s10 =	sld [smem:$0x3FB9]  }
0x39: {  	_ = 	snop;
	(pc) =	sbr.ind lr, $3  }
0x3a: {  	_ = 	snop  }
0x3b: {  	_ = 	snop  }
0x3c: {  	p2 =	seq.s32 s10, $0x1;
	s10 =	sld [smem:$0x3FB8]  }
0x3d: {  	_ =	shalt  }
0x3e: {  	_ =	shalt  }
0x3f: {  	_ =	shalt  }
0x40: {  	_ =	shalt  }
0x41: {  	_ =	shalt  }
0x42: {  	_ =	shalt  }
0x43: {  	_ =	shalt  }
0x44: {  	_ =	shalt  }
0x45: {  	_ =	shalt  }
0x46: {  	_ =	shalt  }
0x47: {  	_ =	shalt  }
0x48: {  	_ =	shalt  }
0x49: {  	_ =	shalt  }
0x4a: {  	_ =	shalt  }
0x4b: {  	_ =	shalt  }
0x4c: {  	_ =	shalt  }
0x4d: {  	_ =	shalt  }
0x4e: {  	_ =	shalt  }
0x4f: {  	_ =	shalt  }
0x50: {  	_ =	shalt  }
0x51: {  	_ =	shalt  }
0x52: {  	_ =	shalt  }
0x53: {  	_ =	shalt  }
0x54: {  	_ =	shalt  }
0x55: {  	_ =	shalt  }
0x56: {  	_ =	shalt  }
0x57: {  	_ =	shalt  }
0x58: {  	_ =	shalt  }
0x59: {  	_ =	shalt  }
0x5a: {  	_ =	shalt  }
0x5b: {  	_ =	shalt  }
0x5c: {  	_ =	shalt  }
0x5d: {  	_ =	shalt  }
0x5e: {  	_ =	shalt  }
0x5f: {  	_ =	shalt  }
0x60: {  	_ =	shalt  }
0x61: {  	_ =	shalt  }
0x62: {  	_ =	shalt  }
0x63: {  	_ =	shalt  }
0x64: {  	_ =	shalt  }
0x65: {  	_ =	shalt  }
0x66: {  	_ =	shalt  }
0x67: {  	_ =	shalt  }
0x68: {  	_ =	shalt  }
0x69: {  	_ =	shalt  }
0x6a: {  	_ =	shalt  }
0x6b: {  	_ =	shalt  }
0x6c: {  	_ =	shalt  }
0x6d: {  	_ =	shalt  }
0x6e: {  	_ =	shalt  }
0x6f: {  	_ =	shalt  }
0x70: {  	_ =	shalt  }
0x71: {  	_ =	shalt  }
0x72: {  	_ =	shalt  }
0x73: {  	_ =	shalt  }
0x74: {  	_ =	shalt  }
0x75: {  	_ =	shalt  }
0x76: {  	_ =	shalt  }
0x77: {  	_ =	shalt  }
0x78: {  	_ =	shalt  }
0x79: {  	_ =	shalt  }
0x7a: {  	_ =	shalt  }
0x7b: {  	_ =	shalt  }
0x7c: {  	_ =	shalt  }
0x7d: {  	_ =	shalt  }
0x7e: {  	_ =	shalt  }
0x7f: {  	_ =	shalt  }
0x80: {  	_ =	shalt  }
0x81: {  	_ =	shalt  }
0x82: {  	_ =	shalt  }
0x83: {  	_ =	shalt  }
0x84: {  	_ =	shalt  }
0x85: {  	_ =	shalt  }
0x86: {  	_ =	shalt  }
0x87: {  	_ =	shalt  }
.Lfunc_end0:
.L_simem_size_0:
called_computation.2_lowered:
.L_overlay_start_0:
0x88: {  	s2 =	sld [smem:$0x3FD9]  }
0x89: {  	s3 =	sld [smem:$0x3FFE];
	_ =	sdelay $0x1  }
0x8a: {  	s1 =	srdreg.scid  }
0x8b: {  	s0 =	sand.u32 $0x1, s1  }
0x8c: {  	s17 =	sshll.u32 s0, $0xA;
	s2 =	sadd.s32 s3, s2  }
0x8d: {  	s2 =	sadd.s32 s2, s17  }
0x8e: {  	[smem:$0x3FC4] =	sst s2  }
0x8f: {  	_ = 	snop  }
0x90: {  	s2 =	sld [smem:$0x3FD0];
	(tm) =	ssettm $0x1  }
0x91: {  	s18 =	sld [smem:$0x3FFB];
	_ =	sdelay $0x3  }
0x92: {  	_ =	strace s18  }
0x93: {  	s3 =	sld [smem:$0x3FFC];
	_ =	sdelay $0x3  }
0x94: {  	_ =	strace s3  }
0x95: {  	s3 =	sld [smem:$0x3FFD];
	_ =	sdelay $0x3  }
0x96: {  	_ =	strace s3  }
0x97: {  	_ =	strace $0x8FFFFFFF  }
0x98: {  	s19 =	sld [smem:$0x3FDB];
	_ =	sdelay $0x1  }
0x99: {  	s4 =	simm.s32 $_scs_section_size  }
0x9a: {  	s5 =	simm.s32 $_size__tile_overlayer_lowered;
	s6 =	simm.s32 $_tile_overlayer_lowered  }
0x9b: {  	s22 =	simm.s32 $0x1BFF;
	s21 =	sshll.u32 s6, $0x1;
	s3 =	sadd.s32 s4, s19  }
0x9c: {  	s7 =	simm.s32 $0x0;
	s20 =	sshll.u32 s5, $0x1;
	s5 =	sadd.s32 s21, s3  }
0x9d: {  	[timem:s7], [sflag:s22] =	dma.local [hbm:s5], s20  }
0x9e: {  	_ =	swait.ge [sflag:s22], s20  }
0x9f: {  	s4 =	ssub.s32 $0x0, s20;
	[sflag:s22] =	ssyncset.done $0x0  }
0xa0: {  	[sflag:s22] =	ssyncadd.s32 s4;
	_ =	sdelay $0x1  }
0xa1: {  	s23 =	simm.s32 $0x1B8B  }
0xa2: {  	_ =	swait.ge [sflag:s23], $0x1  }
0xa3: {  	[sflag:s23] =	ssyncset.done $0x0  }
0xa4: {  	s25 =	simm.s32 $0x1B8E;
	s24 =	sld [smem:$0x3FFE];
	[sflag:s23] =	ssyncadd.s32 $0xFFFFFFFF  }
0xa5: {  	s26 =	simm.s32 $execute0_lowered;
	[smem:$0x3FD2] =	sst s25  }
0xa6: {  	s5 =	sshll.u32 s26, $0x1;
	_ =	strace $0x8000004C;
	[dreg:$0x1] =	wrdreg $0xFFFFFFFF  }
0xa7: {  	s28 =	simm.s32 $_size_execute0_lowered;
	s3 =	sadd.s32 s3, s5;
	[dreg:$0x0] =	wrdreg $0x0  }
0xa8: {  	s5 =	sshll.u32 s28, $0x1;
	[dreg:$0x2] =	wrdreg s3  }
0xa9: {  	[dreg:$0x3] =	wrdreg s5  }
0xaa: {  	[dreg:$0x4] =	wrdreg $0xC0  }
0xab: {  	_ =	task [dreg:s7], $0x5FFFF  }
0xac: {  	[dreg:$0x1] =	wrdreg $0xFFFFFFFF  }
0xad: {  	[dreg:$0x0] =	wrdreg $0x60  }
0xae: {  	[dreg:$0x2] =	wrdreg s24  }
0xaf: {  	[dreg:$0x3] =	wrdreg s2  }
0xb0: {  	[dreg:$0x4] =	wrdreg $0x9  }
0xb1: {  	_ =	task.clear_ibuf [dreg:s7], $0x5FFFF;
	_ =	strace $0x9000004C  }
0xb2: {  	s29 =	simm.s32 $0x9;
	_ =	strace $0x8000004E  }
0xb3: {  	_ =	swait.ge [sflag:s29], $0x1  }
0xb4: {  	[sflag:s29] =	ssyncadd.s32 $0xFFFFFFFF  }
0xb5: {  	_ =	strace $0x9000004E  }
0xb6: {  	_ =	sfence  }
0xb7: {  	s30 =	sld [smem:$0x0];
	_ =	sdelay $0x2  }
0xb8: {  	s31 =	sshll.u32 s1, $0xD;
	s1 =	sshrl.u32 s1, $0x2  }
0xb9: {  	s3 =	sand.u32 $0x4000, s31;
	s1 =	sadd.s32 s1, s30  }
0xba: {  	s0 =	sor.u32 s3, s0;
	s1 =	sshll.u32 s1, $0x11  }
0xbb: {  	s0 =	sor.u32 s1, s0  }
0xbc: {  	s0 =	sadd.s32 $0x8F2B, s0  }
0xbd: {  	[sflag:s0] =	ssyncadd.remote.s32 $0x1  }
0xbe: {  	_ =	sfence.sel $0xFFFF  }
0xbf: {  	[dreg:$0x0] =	wrdreg $0xFFFFFFFF;
	(pc) =	sbr.abs _section_cstart, $3  }
0xc0: {  	[dreg:$0x1] =	wrdreg $0xFFFFFFFF  }
0xc1: {  	_ =	task.clear_ibuf [dreg:s7], $0x2FFFF;
	_ =	strace $0x9FFFFFFF  }
0xc2: {  	(tm) =	ssettm $0x7FFFFFFF  }
0xc3: {  	_ =	shalt  }
tec
execute0_lowered:
.L_overlay_start_1:
0x0: {  	(tag) =	ssettag $0x1  }
0x1: {  	s0 =	srdreg.scid;
	s6 =	rddreg [dreg:$0x0]  }
0x2: {  	s1 =	stileid.u32;
	s3 =	rddreg [dreg:$0x1];
	s4 =	simm.s32 $0x0  }
0x3: {  	s20 =	simm.s32 $0x1900;
	s21 =	simm.s32 $0x2108;
	s22 =	simm.s32 $0x2910  }
0x4: {  	s28 =	simm.s32 $0x3980;
	s29 =	simm.s32 $0x4180;
	s30 =	simm.s32 $0x1100  }
0x5: {  	s0 =	sand.u32 $0x1, s0;
	s1 =	sshll.u32 s1, $0x1;
	[smem:$0x7FF] =	sst s4  }
0x6: {  	s9 =	sadd.s32 $0x2000, s6;
	s1 =	sor.u32 s0, s1;
	_ =	strace $0x8000004D  }
0x7: {  	[dreg:$0x3] =	wrdreg s9;
	s0 =	ssub.s32 $0x2, s0;
	s2 =	sshll.u32 s1, $0xF  }
0x8: {  	s9 =	sadd.s32 $0x22400, s6;
	s17 =	sshll.u32 s1, $0x4;
	s5 =	ssub.s32 $0xF4240, s2  }
0x9: {  	s13 =	sshrl.u32 s0, $0x1;
	s19 =	smin.u32 s1, $0x10;
	s7 =	sshra.s32 s5, $0x1F  }
0xa: {  	s1 =	sadd.s32 $0xFFFFFFF0, s1;
	s11 =	sadd.s32 s17, s6;
	s8 =	sshrl.u32 s7, $0x15  }
0xb: {  	s0 =	ssub.s32 s0, s13;
	s17 =	simm.s32 $0x4;
	s5 =	sadd.s32 s8, s5  }
0xc: {  	v3 =	vmov s1;
	s1 =	simm.s32 $0x0;
	s11 =	sadd.s32 $0x22200, s11;
	s5 =	sshra.s32 s5, $0xB  }
0xd: {  	s0 =	smax.u32 s0, $0x1;
	[dreg:$0x4] =	wrdreg s11;
	s10 =	sadd.s32 s7, s5  }
0xe: {  	[dreg:$0x9] =	wrdreg s0;
	p0 =	sgt.s32 s10, $0x0;
	s8 =	smov.u32 s10  }
0xf: {  	s5 =	sadd.s32 $0x2200, s6;
	s7 =	sadd.s32 $0x5F800, s6;
	s8 =	simm.s32 @!p0 $0x0  }
0x10: {  	p6 =	slt.s32 s10, $0x10;
	s12 =	smin.u32 s8, $0x10;
	s8 =	sadd.s32 $0x40E00, s6  }
0x11: {  	s14 =	sshll.u32 s12, $0xB;
	s24 =	sshll.u32 s12, $0x4;
	s15 =	smax.u32 s12, $0x1  }
0x12: {  	s18 =	sadd.s32 s2, s14;
	s31 =	sshrl.u32 s24, $0x2;
	s24 =	simm.s32 $0x2  }
0x13: {  	p1 =	slt.u32 s18, $0xF4240;
	s6 =	sshrl.u32 s18, $0x3;
	[dreg:$0xa] =	wrdreg s31  }
.Ltmp0:
0x14: {  	s23 =	sadd.s32 s3, s6;
	s6 =	sadd.s32 s5, s6;
	(pc) =	sbr.rel .LBB2_1-.Ltmp0, $4  }
0x15: {  	v1 =	vlaneseq.u32;
	p0 =	por !p6, !p1;
	p1 =	slt.s32 s10, $0x1;
	[dreg:$0x6] =	wrdreg s6  }
0x16: {  	v0 =	vmul.u32 $0x80, v1;
	p0 =	por !p0, !p0;
	s25 =	sadd.s32 $0x1E848, s23;
	[dreg:$0x5] =	wrdreg s23  }
0x17: {  	v2 =	vmov s19;
	s26 =	sadd.s32 $0x3D090, s23;
	s23 =	simm.s32 $0x1;
	[dreg:$0x7] =	wrdreg s25  }
0x18: {  	vm0 =	vgt.s32 v3, v1;
	vm1 =	vgt.u32 v2, v1;
	v1 =	vor.u32 $0x800, v0;
	[dreg:$0x8] =	wrdreg s26;
	s25 =	simm.s32 $0x3;
	s26 =	simm.s32 $0x3180  }
.LBB2_9:
0x19: {  	s1 =	sadd.s32 $0x1, s1;
	s0 =	rddreg [dreg:$0x9]  }
0x1a: {  	p2 =	sne.s32 s1, s0  }
.Ltmp1:
0x1b: {  	_ = 	snop;
	(pc) =	sbr.rel @!p2 .LBB2_10-.Ltmp1, $1  }
0x1c: {  	_ =	sdelay $0x3  }
.LBB2_1:
0x1d: {  	[dreg:$0xb] =	wrdreg s1  }
0x1e: {  	s0 =	rddreg [dreg:$0x3]  }
0x1f: {  	[tilespmem:s4], [sflag:$0x4] =	stream.linear.gather [hbm4b:s0+s4], $0x1000, $0x38;
	[tilespmem:$0x4980] =	vst v63  }
0x20: {  	_ =	swait.ge [sflag:s17], $0x1000  }
0x21: {  	[sflag:s17] =	ssyncset.done $0x0  }
0x22: {  	s13 =	simm.s32 $0x1000;
	s12 =	rddreg [dreg:$0x4];
	[sflag:s17] =	ssyncadd.s32 $0xFFFFF000  }
0x23: {  	[tilespmem:s13], [sflag:$0x4] =	stream.linear.gather [hbm4b:s12+s4], $0x80, $0x38;
	[tilespmem:$0x4980] =	vst v63  }
0x24: {  	_ =	swait.ge [sflag:s17], $0x80  }
0x25: {  	[sflag:s17] =	ssyncset.done $0x0  }
0x26: {  	[sflag:s17] =	ssyncadd.s32 $0xFFFFFF80  }
0x27: {  	v2 =	vld.idx.msk [tilespmem:v0+s4+$0x0], $0xffff  }
0x28: {  	v3 =	vld.idx.msk [tilespmem:v1+s4+$0x0], $0xffff;
	_ =	sdelay $0x1  }
0x29: {  	v4 =	vld [tilespmem:$0x1000]  }
0x2a: {  	v5 =	vld [tilespmem:$0x1010]  }
0x2b: {  	v6 =	vld [tilespmem:$0x1020];
	v2 =	vnsel vm1, $0x0, v2  }
0x2c: {  	(xrf0) =	vadd.scan.msk.s32 $0xffff, v2;
	v2 =	vnsel vm0, $0x0, v3  }
0x2d: {  	(xrf0) =	vadd.scan.msk.s32 $0xffff, v2  }
0x2e: {  	(xrf0) =	vadd.scan.msk.s32 $0xffff, v4  }
0x2f: {  	(xrf0) =	vadd.scan.msk.s32 $0xffff, v5  }
0x30: {  	(xrf0) =	vadd.scan.msk.s32 $0xffff, v6;
	_ =	sdelay $0x1  }
0x31: {  	v2, _, _ =	vpop (xrf0)  }
0x32: {  	v3, _, _ =	vpop (xrf0);
	(v2sf) =	vpush v2, $0xF  }
0x33: {  	v2, _, _ =	vpop (xrf0);
	(v2sf) =	vpush v3, $0xF  }
0x34: {  	v3, _, _ =	vpop (xrf0);
	(v2sf) =	vpush v2, $0xF  }
0x35: {  	(v2sf) =	vpush v3, $0xF;
	v7, _, _ =	vpop (xrf0)  }
0x36: {  	(v2sf) =	vpush v7, $0xF;
	_ =	sdelay $0x3  }
0x37: {  	v8 =	vld [tilespmem:$0x1030];
	_ =	sdelay $0x4  }
0x38: {  	(xrf0) =	vadd.scan.msk.s32 $0xffff, v8;
	_ =	sdelay $0x1  }
0x39: {  	s14 =	spop (v2sf)  }
0x3a: {  	s16 =	spop (v2sf)  }
0x3b: {  	v2 =	vsub.s32 v2, v4;
	s0 =	sadd.s32 s14, s16;
	s18 =	spop (v2sf)  }
.Ltmp2:
0x3c: {  	v3 =	vsub.s32 v3, v5;
	v2 =	vadd.s32 s0, v2;
	s0 =	sadd.s32 s18, s0;
	s19 =	spop (v2sf);
	(pc) =	sbr.rel @p1 .LBB2_5-.Ltmp2, $4  }
0x3d: {  	v63, _, _ =	vpop (xrf0);
	[tilespmem:$0x1080] =	vst v2;
	v2 =	vadd.s32 s0, v3;
	s0 =	sadd.s32 s19, s0;
	v3 =	vsub.s32 v7, v6;
	s31 =	spop (v2sf)  }
0x3e: {  	[tilespmem:$0x1090] =	vst v2;
	v2 =	vsub.s32 v63, v8;
	v3 =	vadd.s32 s0, v3;
	s0 =	sadd.s32 s0, s31  }
0x3f: {  	[tilespmem:$0x10A0] =	vst v3;
	v2 =	vadd.s32 s0, v2  }
0x40: {  	s1 =	simm.s32 $0x0;
	[tilespmem:$0x10B0] =	vst v2  }
.LBB2_2:
0x41: {  	s0 =	sshll.u32 s1, $0x4  }
0x42: {  	s0 =	sshra.s32 s0, $0x2  }
0x43: {  	v2 =	vld [tilespmem:s0+$0x1080];
	_ =	sdelay $0x4  }
0x44: {  	(v2sf) =	vpush v2, $0x0;
	_ =	sdelay $0x9  }
0x45: {  	s16 =	sshll.u32 s1, $0xB  }
0x46: {  	s0 =	sadd.s32 s2, s16  }
0x47: {  	s0 =	sshrl.u32 s0, $0x3  }
0x48: {  	s11 =	simm.s32 $0x0;
	s10 =	sadd.s32 s5, s0  }
0x49: {  	[tilespmem:s30], [sflag:$0x4] =	stream.linear.gather [hbm4b:s10+s11], $0x800, $0x38;
	[tilespmem:$0x4980] =	vst v63  }
0x4a: {  	s6 =	spop (v2sf)  }
0x4b: {  	_ =	swait.ge [sflag:s17], $0x800  }
0x4c: {  	s18 =	sshrl.u32 s6, $0x3;
	[sflag:s17] =	ssyncset.done $0x0  }
0x4d: {  	s12 =	sadd.s32 s7, s18;
	[sflag:s17] =	ssyncadd.s32 $0xFFFFF800  }
0x4e: {  	[tilespmem:s20], [sflag:$0x1] =	stream.linear.gather [hbm4b:s12+s11], $0x808, $0x38;
	[tilespmem:$0x4980] =	vst v63  }
0x4f: {  	s19 =	sadd.s32 s8, s18  }
0x50: {  	[tilespmem:s21], [sflag:$0x2] =	stream.linear.gather [hbm4b:s19+s11], $0x808, $0x38;
	[tilespmem:$0x4980] =	vst v63  }
0x51: {  	s10 =	sadd.s32 s9, s18  }
0x52: {  	[tilespmem:s22], [sflag:$0x3] =	stream.linear.gather [hbm4b:s10+s11], $0x808, $0x38;
	[tilespmem:$0x4980] =	vst v63  }
0x53: {  	_ =	swait.ge [sflag:s23], $0x808  }
0x54: {  	[sflag:s23] =	ssyncset.done $0x0  }
0x55: {  	[sflag:s23] =	ssyncadd.s32 $0xFFFFF7F8  }
0x56: {  	_ =	swait.ge [sflag:s24], $0x808  }
0x57: {  	[sflag:s24] =	ssyncset.done $0x0  }
0x58: {  	[sflag:s24] =	ssyncadd.s32 $0xFFFFF7F8  }
0x59: {  	_ =	swait.ge [sflag:s25], $0x808  }
0x5a: {  	[sflag:s25] =	ssyncset.done $0x0  }
0x5b: {  	s31 =	simm.s32 $0x1500;
	[sflag:s25] =	ssyncadd.s32 $0xFFFFF7F8  }
0x5c: {  	v3 =	vld [tilespmem:s31+$0xFFFFFC00];
	_ =	sdelay $0x4  }
0x5d: {  	s10 =	sand.u32 $0x7, s6;
	vm2 =	vgt.s32 v3, $0x0  }
0x5e: {  	v4 =	vld.msk [tilespmem:s10+$0x1900], vm2;
	_ =	sdelay $0x4  }
0x5f: {  	s18 =	simm.s32 $0x3580;
	v4 =	vnsel vm2, $0x0, v4  }
0x60: {  	[tilespmem:s18+$0xFFFFFC00] =	vst v4  }
0x61: {  	v4 =	vld.msk [tilespmem:s10+$0x2108], vm2  }
0x62: {  	s6 =	sand.u32 $0xFFFFFFF8, s6  }
0x63: {  	v5 =	vmov s6  }
0x64: {  	v2 =	vsub.s32 v2, v5  }
0x65: {  	(v2sf) =	vpush v2, $0x1  }
0x66: {  	s13 =	sand.u32 $0x1F0, s11;
	v4 =	vnsel vm2, $0x0, v4  }
0x67: {  	[tilespmem:s13+$0x3980] =	vst v4  }
0x68: {  	v4 =	vld.msk [tilespmem:s10+$0x2910], vm2;
	_ =	sdelay $0x4  }
0x69: {  	v4 =	vnsel vm2, $0x0, v4  }
0x6a: {  	[tilespmem:s13+$0x4180] =	vst v4  }
0x6b: {  	v4 =	vld [tilespmem:s31+$0xFFFFFE00];
	_ =	sdelay $0x4  }
0x6c: {  	s14 =	spop (v2sf);
	vm2 =	vgt.s32 v4, $0x0  }
0x6d: {  	v63 =	vld.msk [tilespmem:s14+$0x1900], vm2;
	_ =	sdelay $0x4  }
0x6e: {  	v5 =	vnsel vm2, $0x0, v63  }
0x6f: {  	[tilespmem:s18+$0xFFFFFE00] =	vst v5  }
0x70: {  	v5 =	vld.msk [tilespmem:s14+$0x2108], vm2;
	_ =	sdelay $0x3  }
0x71: {  	(v2sf) =	vpush v2, $0x2  }
0x72: {  	v5 =	vnsel vm2, $0x0, v5  }
0x73: {  	[tilespmem:s13+$0x3B80] =	vst v5  }
0x74: {  	v5 =	vld.msk [tilespmem:s14+$0x2910], vm2;
	_ =	sdelay $0x4  }
0x75: {  	v5 =	vnsel vm2, $0x0, v5  }
0x76: {  	[tilespmem:s13+$0x4380] =	vst v5  }
0x77: {  	v5 =	vld [tilespmem:s31+$0x0];
	_ =	sdelay $0x4  }
0x78: {  	s16 =	spop (v2sf);
	vm2 =	vgt.s32 v5, $0x0  }
0x79: {  	v6 =	vld.msk [tilespmem:s16+$0x1900], vm2;
	_ =	sdelay $0x4  }
0x7a: {  	v6 =	vnsel vm2, $0x0, v6  }
0x7b: {  	[tilespmem:s18+$0x0] =	vst v6  }
0x7c: {  	v6 =	vld.msk [tilespmem:s16+$0x2108], vm2;
	_ =	sdelay $0x3  }
0x7d: {  	(v2sf) =	vpush v2, $0x3  }
0x7e: {  	v2 =	vnsel vm2, $0x0, v6  }
0x7f: {  	[tilespmem:s13+$0x3D80] =	vst v2  }
0x80: {  	v2 =	vld.msk [tilespmem:s16+$0x2910], vm2;
	_ =	sdelay $0x4  }
0x81: {  	v2 =	vnsel vm2, $0x0, v2  }
0x82: {  	[tilespmem:s13+$0x4580] =	vst v2  }
0x83: {  	v2 =	vld [tilespmem:s31+$0x200];
	_ =	sdelay $0x1  }
0x84: {  	(xrf0) =	vadd.scan.msk.s32 $0xffff, v3  }
0x85: {  	(xrf0) =	vadd.scan.msk.s32 $0xffff, v4  }
0x86: {  	(xrf0) =	vadd.scan.msk.s32 $0xffff, v5  }
0x87: {  	s12 =	spop (v2sf);
	vm2 =	vgt.s32 v2, $0x0;
	(xrf0) =	vadd.scan.msk.s32 $0xffff, v2  }
0x88: {  	v2 =	vld.msk [tilespmem:s12+$0x1900], vm2;
	_ =	sdelay $0x1  }
0x89: {  	v3, _, _ =	vpop (xrf0)  }
0x8a: {  	(v2sf) =	vpush v3, $0xF;
	v4, _, _ =	vpop (xrf0)  }
0x8b: {  	(v2sf) =	vpush v4, $0xF;
	v3, _, _ =	vpop (xrf0)  }
0x8c: {  	(v2sf) =	vpush v3, $0xF;
	v2 =	vnsel vm2, $0x0, v2;
	v3, _, _ =	vpop (xrf0)  }
0x8d: {  	[tilespmem:s18+$0x200] =	vst v2;
	(v2sf) =	vpush v3, $0xF  }
0x8e: {  	v2 =	vld.msk [tilespmem:s12+$0x2108], vm2;
	_ =	sdelay $0x4  }
0x8f: {  	v2 =	vnsel vm2, $0x0, v2  }
0x90: {  	[tilespmem:s13+$0x3F80] =	vst v2  }
0x91: {  	v2 =	vld.msk [tilespmem:s12+$0x2910], vm2;
	_ =	sdelay $0x3  }
0x92: {  	s11 =	spop (v2sf)  }
0x93: {  	s6 =	simm.s32 $0x10;
	s11 =	sadd.s32 s10, s11;
	s19 =	spop (v2sf);
	v2 =	vnsel vm2, $0x0, v2  }
0x94: {  	s10 =	simm.s32 $0x20;
	s31 =	spop (v2sf);
	[tilespmem:s13+$0x4780] =	vst v2;
	s13 =	simm.s32 $0x1510  }
0x95: {  	s19 =	sadd.s32 s14, s19;
	s14 =	sadd.s32 s16, s31;
	v2 =	vld [tilespmem:s13+$0xFFFFFC00];
	s16 =	spop (v2sf)  }
.LBB2_3:
0x96: {  	p2 =	sne.s32 s10, $0x1F0;
	s12 =	sadd.s32 s12, s16;
	s18 =	sadd.s32 $0x10, s18  }
0x97: {  	s31 =	smov.u32 s10;
	s10 =	sadd.s32 $0x10, s10;
	_ =	sdelay $0x2  }
0x98: {  	vm2 =	vgt.s32 v2, $0x0;
	(xrf0) =	vadd.scan.msk.s32 $0xffff, v2  }
0x99: {  	v2 =	vld.msk [tilespmem:s11+$0x1900], vm2;
	_ =	sdelay $0x4  }
0x9a: {  	v2 =	vnsel vm2, $0x0, v2;
	v3, _, _ =	vpop (xrf0)  }
0x9b: {  	[tilespmem:s18+$0xFFFFFC00] =	vst v2;
	(v2sf) =	vpush v3, $0xF  }
0x9c: {  	v2 =	vld.msk [tilespmem:s11+$0x2108], vm2;
	_ =	sdelay $0x4  }
0x9d: {  	s16 =	sand.u32 $0x1F0, s6;
	s6 =	smov.u32 s31;
	v2 =	vnsel vm2, $0x0, v2  }
0x9e: {  	[tilespmem:s16+$0x3980] =	vst v2  }
0x9f: {  	v2 =	vld.msk [tilespmem:s11+$0x2910], vm2;
	_ =	sdelay $0x4  }
0xa0: {  	v2 =	vnsel vm2, $0x0, v2  }
0xa1: {  	[tilespmem:s16+$0x4180] =	vst v2  }
0xa2: {  	v2 =	vld [tilespmem:s13+$0xFFFFFE00];
	s31 =	spop (v2sf)  }
0xa3: {  	s11 =	sadd.s32 s11, s31;
	_ =	sdelay $0x3  }
0xa4: {  	vm2 =	vgt.s32 v2, $0x0;
	(xrf0) =	vadd.scan.msk.s32 $0xffff, v2  }
0xa5: {  	v2 =	vld.msk [tilespmem:s19+$0x1900], vm2;
	_ =	sdelay $0x4  }
0xa6: {  	v2 =	vnsel vm2, $0x0, v2;
	v3, _, _ =	vpop (xrf0)  }
0xa7: {  	[tilespmem:s18+$0xFFFFFE00] =	vst v2;
	(v2sf) =	vpush v3, $0xF  }
0xa8: {  	v2 =	vld.msk [tilespmem:s19+$0x2108], vm2;
	_ =	sdelay $0x4  }
0xa9: {  	v2 =	vnsel vm2, $0x0, v2  }
0xaa: {  	[tilespmem:s16+$0x3B80] =	vst v2  }
0xab: {  	v2 =	vld.msk [tilespmem:s19+$0x2910], vm2;
	_ =	sdelay $0x4  }
0xac: {  	v2 =	vnsel vm2, $0x0, v2  }
0xad: {  	[tilespmem:s16+$0x4380] =	vst v2  }
0xae: {  	v2 =	vld [tilespmem:s13+$0x0];
	s31 =	spop (v2sf)  }
0xaf: {  	s19 =	sadd.s32 s19, s31;
	_ =	sdelay $0x3  }
0xb0: {  	vm2 =	vgt.s32 v2, $0x0;
	(xrf0) =	vadd.scan.msk.s32 $0xffff, v2  }
0xb1: {  	v2 =	vld.msk [tilespmem:s14+$0x1900], vm2;
	_ =	sdelay $0x4  }
0xb2: {  	v2 =	vnsel vm2, $0x0, v2;
	v3, _, _ =	vpop (xrf0)  }
0xb3: {  	[tilespmem:s18+$0x0] =	vst v2;
	(v2sf) =	vpush v3, $0xF  }
0xb4: {  	v2 =	vld.msk [tilespmem:s14+$0x2108], vm2;
	_ =	sdelay $0x4  }
0xb5: {  	v2 =	vnsel vm2, $0x0, v2  }
0xb6: {  	[tilespmem:s16+$0x3D80] =	vst v2  }
0xb7: {  	v2 =	vld.msk [tilespmem:s14+$0x2910], vm2;
	_ =	sdelay $0x4  }
0xb8: {  	v2 =	vnsel vm2, $0x0, v2  }
0xb9: {  	[tilespmem:s16+$0x4580] =	vst v2  }
0xba: {  	v2 =	vld [tilespmem:s13+$0x200];
	s31 =	spop (v2sf)  }
0xbb: {  	s14 =	sadd.s32 s14, s31;
	_ =	sdelay $0x3  }
0xbc: {  	vm2 =	vgt.s32 v2, $0x0;
	(xrf0) =	vadd.scan.msk.s32 $0xffff, v2  }
0xbd: {  	v2 =	vld.msk [tilespmem:s12+$0x1900], vm2;
	_ =	sdelay $0x4  }
0xbe: {  	v2 =	vnsel vm2, $0x0, v2;
	v3, _, _ =	vpop (xrf0)  }
0xbf: {  	[tilespmem:s18+$0x200] =	vst v2;
	(v2sf) =	vpush v3, $0xF  }
0xc0: {  	v2 =	vld.msk [tilespmem:s12+$0x2108], vm2;
	_ =	sdelay $0x4  }
0xc1: {  	v2 =	vnsel vm2, $0x0, v2  }
0xc2: {  	[tilespmem:s16+$0x3F80] =	vst v2  }
0xc3: {  	v2 =	vld.msk [tilespmem:s12+$0x2910], vm2;
	_ =	sdelay $0x2  }
.Ltmp3:
0xc4: {  	(pc) =	sbr.rel @p2 .LBB2_3-.Ltmp3, $4  }
0xc5: {  	_ = 	snop  }
0xc6: {  	v2 =	vnsel vm2, $0x0, v2  }
0xc7: {  	s13 =	sadd.s32 $0x10, s13;
	[tilespmem:s16+$0x4780] =	vst v2  }
0xc8: {  	v2 =	vld [tilespmem:s13+$0xFFFFFC00];
	s16 =	spop (v2sf)  }
0xc9: {  	_ =	sdelay $0x3  }
0xca: {  	vm2 =	vgt.s32 v2, $0x0  }
0xcb: {  	v3 =	vld.msk [tilespmem:s11+$0x1900], vm2;
	_ =	sdelay $0x4  }
0xcc: {  	s10 =	sadd.s32 $0x10, s18;
	v3 =	vnsel vm2, $0x0, v3  }
0xcd: {  	[tilespmem:s10+$0xFFFFFC00] =	vst v3  }
0xce: {  	v3 =	vld.msk [tilespmem:s11+$0x2108], vm2;
	_ =	sdelay $0x4  }
0xcf: {  	s6 =	sand.u32 $0x1F0, s6;
	v3 =	vnsel vm2, $0x0, v3  }
0xd0: {  	[tilespmem:s6+$0x3980] =	vst v3  }
0xd1: {  	v3 =	vld.msk [tilespmem:s11+$0x2910], vm2;
	_ =	sdelay $0x4  }
0xd2: {  	v3 =	vnsel vm2, $0x0, v3  }
0xd3: {  	[tilespmem:s6+$0x4180] =	vst v3  }
0xd4: {  	v3 =	vld [tilespmem:s13+$0xFFFFFE00];
	_ =	sdelay $0x4  }
0xd5: {  	vm2 =	vgt.s32 v3, $0x0  }
0xd6: {  	v4 =	vld.msk [tilespmem:s19+$0x1900], vm2;
	_ =	sdelay $0x4  }
0xd7: {  	v4 =	vnsel vm2, $0x0, v4  }
0xd8: {  	[tilespmem:s10+$0xFFFFFE00] =	vst v4  }
0xd9: {  	v4 =	vld.msk [tilespmem:s19+$0x2108], vm2;
	_ =	sdelay $0x4  }
0xda: {  	v4 =	vnsel vm2, $0x0, v4  }
0xdb: {  	[tilespmem:s6+$0x3B80] =	vst v4  }
0xdc: {  	v4 =	vld.msk [tilespmem:s19+$0x2910], vm2;
	_ =	sdelay $0x4  }
0xdd: {  	v4 =	vnsel vm2, $0x0, v4  }
0xde: {  	[tilespmem:s6+$0x4380] =	vst v4  }
0xdf: {  	v4 =	vld [tilespmem:s13+$0x0];
	_ =	sdelay $0x4  }
0xe0: {  	vm2 =	vgt.s32 v4, $0x0  }
0xe1: {  	v5 =	vld.msk [tilespmem:s14+$0x1900], vm2;
	_ =	sdelay $0x4  }
0xe2: {  	v5 =	vnsel vm2, $0x0, v5  }
0xe3: {  	[tilespmem:s10+$0x0] =	vst v5  }
0xe4: {  	v5 =	vld.msk [tilespmem:s14+$0x2108], vm2;
	_ =	sdelay $0x4  }
0xe5: {  	v5 =	vnsel vm2, $0x0, v5  }
0xe6: {  	[tilespmem:s6+$0x3D80] =	vst v5  }
0xe7: {  	v5 =	vld.msk [tilespmem:s14+$0x2910], vm2;
	_ =	sdelay $0x4  }
0xe8: {  	v5 =	vnsel vm2, $0x0, v5  }
0xe9: {  	[tilespmem:s6+$0x4580] =	vst v5  }
0xea: {  	v5 =	vld [tilespmem:s13+$0x200];
	_ =	sdelay $0x2  }
0xeb: {  	(xrf0) =	vadd.scan.msk.s32 $0xffff, v2  }
0xec: {  	(xrf0) =	vadd.scan.msk.s32 $0xffff, v3  }
0xed: {  	s14 =	sadd.s32 s12, s16;
	vm2 =	vgt.s32 v5, $0x0  }
0xee: {  	(xrf0) =	vadd.scan.msk.s32 $0xffff, v4;
	v2 =	vld.msk [tilespmem:s14+$0x1900], vm2;
	_ =	sdelay $0x1  }
0xef: {  	(xrf0) =	vadd.scan.msk.s32 $0xffff, v5  }
0xf0: {  	v3, _, _ =	vpop (xrf0)  }
0xf1: {  	(v2sf) =	vpush v3, $0xF;
	v63, _, _ =	vpop (xrf0)  }
0xf2: {  	(v2sf) =	vpush v63, $0xF;
	v2 =	vnsel vm2, $0x0, v2  }
0xf3: {  	v3, _, _ =	vpop (xrf0);
	[tilespmem:s10+$0x200] =	vst v2  }
0xf4: {  	(v2sf) =	vpush v3, $0xF;
	v2 =	vld.msk [tilespmem:s14+$0x2108], vm2  }
0xf5: {  	v3, _, _ =	vpop (xrf0)  }
0xf6: {  	(v2sf) =	vpush v3, $0xF;
	_ =	sdelay $0x2  }
0xf7: {  	v2 =	vnsel vm2, $0x0, v2  }
0xf8: {  	[tilespmem:s6+$0x3F80] =	vst v2  }
0xf9: {  	v2 =	vld.msk [tilespmem:s14+$0x2910], vm2;
	_ =	sdelay $0x4  }
0xfa: {  	s16 =	spop (v2sf);
	v2 =	vnsel vm2, $0x0, v2  }
0xfb: {  	s0 =	sadd.s32 s3, s0;
	s18 =	spop (v2sf);
	[tilespmem:s6+$0x4780] =	vst v2  }
0xfc: {  	[hbm4b:s0+s4] =	stream.linear.scatter [tilespmem:s26], [sflag:$0x1], $0x800, $0x38;
	[tilespmem:$0x4980] =	vst v63  }
0xfd: {  	s19 =	spop (v2sf);
	s6 =	sadd.s32 $0x1E848, s0  }
0xfe: {  	[hbm4b:s6+s4] =	stream.linear.scatter [tilespmem:s28], [sflag:$0x2], $0x800, $0x38;
	[tilespmem:$0x4980] =	vst v63  }
0xff: {  	s31 =	spop (v2sf);
	s0 =	sadd.s32 $0x3D090, s0  }
0x100: {  	[hbm4b:s0+s4] =	stream.linear.scatter [tilespmem:s29], [sflag:$0x3], $0x800, $0x38;
	[tilespmem:$0x4980] =	vst v63  }
0x101: {  	_ =	swait.ge [sflag:s23], $0x800  }
0x102: {  	[sflag:s23] =	ssyncset.done $0x0  }
0x103: {  	s1 =	sadd.s32 $0x1, s1;
	[sflag:s23] =	ssyncadd.s32 $0xFFFFF800  }
0x104: {  	p2 =	sne.s32 s1, s15;
	_ =	swait.ge [sflag:s24], $0x800  }
.Ltmp4:
0x105: {  	[sflag:s24] =	ssyncset.done $0x0;
	(pc) =	sbr.rel @p2 .LBB2_2-.Ltmp4, $4  }
0x106: {  	[sflag:s24] =	ssyncadd.s32 $0xFFFFF800  }
0x107: {  	_ =	swait.ge [sflag:s25], $0x800  }
0x108: {  	[sflag:s25] =	ssyncset.done $0x0  }
0x109: {  	[sflag:s25] =	ssyncadd.s32 $0xFFFFF800  }
.LBB2_5:
.Ltmp5:
0x10a: {  	(pc) =	sbr.rel @!p0 .LBB2_9-.Ltmp5, $2  }
0x10b: {  	_ =	sdelay $0x2  }
0x10c: {  	s1 =	rddreg [dreg:$0xb]  }
0x10d: {  	s0 =	rddreg [dreg:$0xa]  }
0x10e: {  	v2 =	vld [tilespmem:s0+$0x1080];
	_ =	sdelay $0x4  }
0x10f: {  	(v2sf) =	vpush v2, $0x0;
	_ =	sdelay $0xc  }
0x110: {  	s10 =	simm.s32 $0x0;
	s1 =	simm.s32 $0x1100;
	s6 =	rddreg [dreg:$0x6]  }
0x111: {  	[tilespmem:s1], [sflag:$0x4] =	stream.linear.gather [hbm4b:s6+s10], $0x240, $0x38;
	[tilespmem:$0x4980] =	vst v63  }
0x112: {  	s0 =	spop (v2sf)  }
0x113: {  	_ =	swait.ge [sflag:s17], $0x240  }
0x114: {  	s19 =	sshrl.u32 s0, $0x3;
	[sflag:s17] =	ssyncset.done $0x0  }
0x115: {  	s11 =	sadd.s32 s7, s19;
	[sflag:s17] =	ssyncadd.s32 $0xFFFFFDC0  }
0x116: {  	[tilespmem:s20], [sflag:$0x1] =	stream.linear.gather [hbm4b:s11+s10], $0x248, $0x38;
	[tilespmem:$0x4980] =	vst v63  }
0x117: {  	s31 =	sadd.s32 s8, s19  }
0x118: {  	[tilespmem:s21], [sflag:$0x2] =	stream.linear.gather [hbm4b:s31+s10], $0x248, $0x38;
	[tilespmem:$0x4980] =	vst v63  }
0x119: {  	s6 =	sadd.s32 s9, s19  }
0x11a: {  	[tilespmem:s22], [sflag:$0x3] =	stream.linear.gather [hbm4b:s6+s10], $0x248, $0x38;
	[tilespmem:$0x4980] =	vst v63  }
0x11b: {  	_ =	swait.ge [sflag:s23], $0x248  }
0x11c: {  	[sflag:s23] =	ssyncset.done $0x0  }
0x11d: {  	[sflag:s23] =	ssyncadd.s32 $0xFFFFFDB8  }
0x11e: {  	_ =	swait.ge [sflag:s24], $0x248  }
0x11f: {  	[sflag:s24] =	ssyncset.done $0x0  }
0x120: {  	[sflag:s24] =	ssyncadd.s32 $0xFFFFFDB8  }
0x121: {  	_ =	swait.ge [sflag:s25], $0x248  }
0x122: {  	[sflag:s25] =	ssyncset.done $0x0  }
0x123: {  	[sflag:s25] =	ssyncadd.s32 $0xFFFFFDB8  }
0x124: {  	v3 =	vld [tilespmem:s1+$0x0];
	_ =	sdelay $0x4  }
0x125: {  	s1 =	sand.u32 $0x7, s0;
	vm2 =	vgt.s32 v3, $0x0;
	(xrf0) =	vadd.scan.msk.s32 $0xffff, v3  }
0x126: {  	v3 =	vld.msk [tilespmem:s1+$0x1900], vm2;
	_ =	sdelay $0x4  }
0x127: {  	s6 =	simm.s32 $0x3180;
	v3 =	vnsel vm2, $0x0, v3;
	v4, _, _ =	vpop (xrf0)  }
0x128: {  	[tilespmem:s6+$0x0] =	vst v3;
	(v2sf) =	vpush v4, $0xF  }
0x129: {  	v3 =	vld.msk [tilespmem:s1+$0x2108], vm2;
	_ =	sdelay $0x4  }
0x12a: {  	s10 =	sand.u32 $0x1F0, s10;
	v3 =	vnsel vm2, $0x0, v3  }
0x12b: {  	[tilespmem:s10+$0x3980] =	vst v3  }
0x12c: {  	v3 =	vld.msk [tilespmem:s1+$0x2910], vm2;
	_ =	sdelay $0x4  }
0x12d: {  	v3 =	vnsel vm2, $0x0, v3  }
0x12e: {  	s11 =	simm.s32 $0x1110;
	[tilespmem:s10+$0x4180] =	vst v3  }
0x12f: {  	s12 =	simm.s32 $0x20;
	s10 =	simm.s32 $0x10;
	v3 =	vld [tilespmem:s11+$0x0];
	s13 =	spop (v2sf)  }
.LBB2_7:
0x130: {  	p2 =	sne.s32 s12, $0x1F0;
	s1 =	sadd.s32 s1, s13;
	s6 =	sadd.s32 $0x10, s6  }
0x131: {  	s13 =	smov.u32 s12;
	s12 =	sadd.s32 $0x10, s12;
	_ =	sdelay $0x2  }
0x132: {  	vm2 =	vgt.s32 v3, $0x0;
	(xrf0) =	vadd.scan.msk.s32 $0xffff, v3  }
0x133: {  	v3 =	vld.msk [tilespmem:s1+$0x1900], vm2;
	_ =	sdelay $0x4  }
0x134: {  	v3 =	vnsel vm2, $0x0, v3;
	v4, _, _ =	vpop (xrf0)  }
0x135: {  	[tilespmem:s6+$0x0] =	vst v3;
	(v2sf) =	vpush v4, $0xF  }
0x136: {  	v3 =	vld.msk [tilespmem:s1+$0x2108], vm2;
	_ =	sdelay $0x4  }
0x137: {  	s14 =	sand.u32 $0x1F0, s10;
	s10 =	smov.u32 s13;
	v3 =	vnsel vm2, $0x0, v3  }
0x138: {  	[tilespmem:s14+$0x3980] =	vst v3  }
0x139: {  	v3 =	vld.msk [tilespmem:s1+$0x2910], vm2;
	_ =	sdelay $0x2  }
.Ltmp6:
0x13a: {  	(pc) =	sbr.rel @p2 .LBB2_7-.Ltmp6, $4  }
0x13b: {  	_ = 	snop  }
0x13c: {  	v3 =	vnsel vm2, $0x0, v3  }
0x13d: {  	s11 =	sadd.s32 $0x10, s11;
	[tilespmem:s14+$0x4180] =	vst v3  }
0x13e: {  	v3 =	vld [tilespmem:s11+$0x0];
	s13 =	spop (v2sf)  }
0x13f: {  	_ =	sdelay $0x3  }
0x140: {  	s1 =	sadd.s32 s1, s13;
	vm2 =	vgt.s32 v3, $0x0  }
0x141: {  	v4 =	vld.msk [tilespmem:s1+$0x1900], vm2;
	_ =	sdelay $0x3  }
0x142: {  	(xrf0) =	vadd.scan.msk.s32 $0xffff, v3  }
0x143: {  	s6 =	sadd.s32 $0x10, s6;
	v3 =	vnsel vm2, $0x0, v4  }
0x144: {  	[tilespmem:s6+$0x0] =	vst v3  }
0x145: {  	v3 =	vld.msk [tilespmem:s1+$0x2108], vm2;
	_ =	sdelay $0x2  }
0x146: {  	v63, _, _ =	vpop (xrf0)  }
0x147: {  	(v2sf) =	vpush v63, $0xF  }
0x148: {  	s11 =	sand.u32 $0x1F0, s10;
	(v2sf) =	vpush v2, $0x1;
	v3 =	vnsel vm2, $0x0, v3  }
0x149: {  	[tilespmem:s11+$0x3980] =	vst v3  }
0x14a: {  	v2 =	vld.msk [tilespmem:s1+$0x2910], vm2;
	_ =	sdelay $0x4  }
0x14b: {  	v2 =	vnsel vm2, $0x0, v2  }
0x14c: {  	[tilespmem:s11+$0x4180] =	vst v2  }
0x14d: {  	v2 =	vld [tilespmem:$0x1300];
	_ =	sdelay $0x4  }
0x14e: {  	s12 =	spop (v2sf);
	(xrf0) =	vadd.scan.msk.s32 $0xffff, v2  }
0x14f: {  	s0 =	sand.u32 $0xFFFFFFF8, s0;
	s1 =	spop (v2sf)  }
0x150: {  	s0 =	ssub.s32 s1, s0;
	vm2 =	vgt.s32 v2, $0x0  }
0x151: {  	v2 =	vld.msk [tilespmem:s0+$0x1900], vm2;
	_ =	sdelay $0x2  }
0x152: {  	v3, _, _ =	vpop (xrf0)  }
0x153: {  	(v2sf) =	vpush v3, $0xF  }
0x154: {  	v2 =	vnsel vm2, $0x0, v2  }
0x155: {  	[tilespmem:$0x3380] =	vst v2  }
0x156: {  	v2 =	vld.msk [tilespmem:s0+$0x2108], vm2;
	_ =	sdelay $0x4  }
0x157: {  	v2 =	vnsel vm2, $0x0, v2  }
0x158: {  	[tilespmem:$0x3B80] =	vst v2;
	v2 =	vld [tilespmem:$0x1310]  }
0x159: {  	v3 =	vld.msk [tilespmem:s0+$0x2910], vm2;
	_ =	sdelay $0x3  }
0x15a: {  	(xrf0) =	vadd.scan.msk.s32 $0xffff, v2  }
0x15b: {  	v3 =	vnsel vm2, $0x0, v3;
	s13 =	spop (v2sf)  }
0x15c: {  	vm2 =	vgt.s32 v2, $0x0;
	[tilespmem:$0x4380] =	vst v3;
	s0 =	sadd.s32 s0, s13  }
0x15d: {  	v2 =	vld.msk [tilespmem:s0+$0x1900], vm2;
	_ =	sdelay $0x2  }
0x15e: {  	v3, _, _ =	vpop (xrf0)  }
0x15f: {  	(v2sf) =	vpush v3, $0xF  }
0x160: {  	v2 =	vnsel vm2, $0x0, v2  }
0x161: {  	[tilespmem:$0x3390] =	vst v2  }
0x162: {  	v2 =	vld.msk [tilespmem:s0+$0x2108], vm2;
	_ =	sdelay $0x4  }
0x163: {  	v2 =	vnsel vm2, $0x0, v2  }
0x164: {  	[tilespmem:$0x3B90] =	vst v2;
	v2 =	vld [tilespmem:$0x1320]  }
0x165: {  	v3 =	vld.msk [tilespmem:s0+$0x2910], vm2;
	_ =	sdelay $0x3  }
0x166: {  	(xrf0) =	vadd.scan.msk.s32 $0xffff, v2  }
0x167: {  	s14 =	spop (v2sf);
	v3 =	vnsel vm2, $0x0, v3  }
0x168: {  	s0 =	sadd.s32 s0, s14;
	vm2 =	vgt.s32 v2, $0x0;
	[tilespmem:$0x4390] =	vst v3  }
0x169: {  	v2 =	vld.msk [tilespmem:s0+$0x1900], vm2;
	_ =	sdelay $0x2  }
0x16a: {  	v3, _, _ =	vpop (xrf0)  }
0x16b: {  	(v2sf) =	vpush v3, $0xF  }
0x16c: {  	v2 =	vnsel vm2, $0x0, v2  }
0x16d: {  	[tilespmem:$0x33A0] =	vst v2  }
0x16e: {  	v2 =	vld.msk [tilespmem:s0+$0x2108], vm2;
	_ =	sdelay $0x4  }
0x16f: {  	v2 =	vnsel vm2, $0x0, v2  }
0x170: {  	[tilespmem:$0x3BA0] =	vst v2  }
0x171: {  	v2 =	vld.msk [tilespmem:s0+$0x2910], vm2  }
0x172: {  	v3 =	vld [tilespmem:$0x1330];
	_ =	sdelay $0x3  }
0x173: {  	s0 =	sadd.s32 $0x1900, s0;
	v2 =	vnsel vm2, $0x0, v2;
	s16 =	spop (v2sf)  }
0x174: {  	vm2 =	vgt.s32 v3, $0x0;
	[tilespmem:$0x43A0] =	vst v2;
	s0 =	sadd.s32 s16, s0  }
0x175: {  	v2 =	vld.msk [tilespmem:s0+$0x0], vm2;
	_ =	sdelay $0x4  }
0x176: {  	v2 =	vnsel vm2, $0x0, v2  }
0x177: {  	[tilespmem:$0x33B0] =	vst v2  }
0x178: {  	v2 =	vld.msk [tilespmem:s0+$0x808], vm2;
	_ =	sdelay $0x4  }
0x179: {  	v2 =	vnsel vm2, $0x0, v2  }
0x17a: {  	[tilespmem:$0x3BB0] =	vst v2  }
0x17b: {  	v2 =	vld.msk [tilespmem:s0+$0x1010], vm2;
	_ =	sdelay $0x4  }
0x17c: {  	v2 =	vnsel vm2, $0x0, v2  }
0x17d: {  	s18 =	rddreg [dreg:$0x5];
	[tilespmem:$0x43B0] =	vst v2  }
0x17e: {  	[hbm4b:s18+s4] =	stream.linear.scatter [tilespmem:s26], [sflag:$0x1], $0x240, $0x38;
	[tilespmem:$0x4980] =	vst v63  }
0x17f: {  	s19 =	rddreg [dreg:$0x7]  }
0x180: {  	[hbm4b:s19+s4] =	stream.linear.scatter [tilespmem:s28], [sflag:$0x2], $0x240, $0x38;
	[tilespmem:$0x4980] =	vst v63  }
0x181: {  	s31 =	rddreg [dreg:$0x8]  }
0x182: {  	[hbm4b:s31+s4] =	stream.linear.scatter [tilespmem:s29], [sflag:$0x3], $0x240, $0x38;
	[tilespmem:$0x4980] =	vst v63  }
0x183: {  	_ =	swait.ge [sflag:s23], $0x240  }
0x184: {  	[sflag:s23] =	ssyncset.done $0x0  }
0x185: {  	[sflag:s23] =	ssyncadd.s32 $0xFFFFFDC0  }
0x186: {  	_ =	swait.ge [sflag:s24], $0x240  }
.Ltmp7:
0x187: {  	[sflag:s24] =	ssyncset.done $0x0;
	(pc) =	sbr.rel .LBB2_9-.Ltmp7, $4  }
0x188: {  	[sflag:s24] =	ssyncadd.s32 $0xFFFFFDC0  }
0x189: {  	_ =	swait.ge [sflag:s25], $0x240  }
0x18a: {  	[sflag:s25] =	ssyncset.done $0x0  }
0x18b: {  	s1 =	rddreg [dreg:$0xb];
	[sflag:s25] =	ssyncadd.s32 $0xFFFFFDC0  }
.LBB2_10:
0x18c: {  	_ =	sfence.sel $0x180000  }
0x18d: {  	[bflag:$0x0] =	sbarrier.arrive $0xFFFF  }
0x18e: {  	_ =	strace $0x9000004D  }
0x18f: {  	s0 =	stileid.u32;
	[bflag:$0x2] =	sbarrier.arrive $0xFFFF  }
0x190: {  	p0 =	sne.s32 s0, $0x0;
	s0 =	rddreg [dreg:$0x2]  }
0x191: {  	s0 =	sadd.s32 @!p0 $0x100000, s0  }
0x192: {  	[sflag:s0] =	ssyncadd.tile.s32 @!p0 $0x1;
	_ =	shalt  }
.Lfunc_end2:
_tile_overlayer_lowered:
.L_overlay_start_2:
0x193: {  	(tag) =	ssettag $0x2  }
0x194: {  	s0 =	rddreg [dreg:$0x0];
	s2 =	stileid.u32  }
0x195: {  	s1 =	rddreg [dreg:$0x1];
	p0 =	sne.s32 s2, $0x0  }
0x196: {  	s3 =	rddreg [dreg:$0x2];
	[bflag:$0x3] =	sbarrier.arrive $0xFFFF;
	s2 =	simm.s32 @!p0 $0x1C04  }
0x197: {  	[timem:s3], [sflag:s2] =	dma.local @!p0 [hbm:s0], s1  }
0x198: {  	s0 =	simm.s32 @!p0 $0x4  }
0x199: {  	_ =	swait.ge @!p0 [sflag:s0], s1  }
0x19a: {  	s1 =	ssub.s32 @!p0 $0x0, s1;
	[sflag:s0] =	ssyncset.done @!p0 $0x0  }
0x19b: {  	[sflag:s0] =	ssyncadd.s32 @!p0 s1  }
0x19c: {  	[bflag:$0x3] =	sbarrier.arrive $0xFFFF  }
0x19d: {  	_ =	shalt  }

// kernel: kernel.5.cloned.1.call-start
scs
__scs_entry_jumppad:
0x0: {  	(pc) =	sbr.rel $0x88, $3  }
0x1: {  	(tag) =	ssettag $0x0;
	lr =	simm.s32 $0x1  }
0x2: {  	[smem:$0x3F9D] =	sst lr;
	_ =	strace $0xD0000000  }
0x3: {  	_ = 	snop  }
0x4: {  	_ = 	snop  }
0x5: {  	_ = 	snop  }
0x6: {  	_ = 	snop  }
0x7: {  	_ = 	snop  }
__scs_overlays_trampoline_lowered:
0x8: {  	[smem:$0x3FAC] =	sst s0  }
0x9: {  	[smem:$0x3FAD] =	sst s1  }
0xa: {  	[smem:$0x3FAE] =	sst s2  }
0xb: {  	[smem:$0x3FAF] =	sst s3  }
0xc: {  	[smem:$0x3FB0] =	sst s4  }
0xd: {  	[smem:$0x3FB1] =	sst s5  }
0xe: {  	[smem:$0x3FB2] =	sst s6  }
0xf: {  	[smem:$0x3FB3] =	sst s7  }
0x10: {  	[smem:$0x3FB4] =	sst s8  }
0x11: {  	[smem:$0x3FB5] =	sst s9;
	s0 =	simm.s32 @!p0 $0x0  }
0x12: {  	s1 =	sld [smem:$0x3F9B];
	s0 =	simm.s32 @p0 $0x1  }
0x13: {  	[smem:$0x3FB6] =	sst s0;
	s0 =	simm.s32 @!p1 $0x0  }
0x14: {  	s2 =	sld [smem:$0x3F9A];
	s0 =	simm.s32 @p1 $0x1  }
0x15: {  	[smem:$0x3FB7] =	sst s0;
	s0 =	simm.s32 @!p2 $0x0  }
0x16: {  	s3 =	sld [smem:$0x3FDB];
	s0 =	simm.s32 @p2 $0x1  }
0x17: {  	s4 =	simm.s32 $0x1BF5;
	[smem:$0x3FB9] =	sst s0  }
0x18: {  	s0 =	sld [smem:$0x3F9C];
	_ =	swait.ge [sflag:s4], $0x0  }
0x19: {  	s7 =	sld [smem:$0x3F9D]  }
0x1a: {  	s8 =	sadd.s32 $0xFFFFE003, lr  }
0x1b: {  	s9 =	sadd.s32 $0xFFFFFEF7, lr;
	s5 =	simm.s32 $0xFFFFFFFF;
	p2 =	slt.u32 s8, $0xFFFFF086  }
0x1c: {  	p1 =	slt.u32 s9, $0xF7A;
	s5 =	simm.s32 @!p2 $0x0  }
0x1d: {  	s5 =	simm.s32 @p1 $0x1;
	p0 =	seq.s32 s7, s2  }
0x1e: {  	s7 =	smul.u32 @!p0 $0xF7A, s2;
	p2 =	seq.s32 @!p0 s5, $0x0  }
0x1f: {  	s9 =	smul.u32 $0xF7A, s1;
	s8 =	simm.s32 @!p0 $0x1BF5;
	p2 =	por !p2, p0  }
0x20: {  	[sflag:s8] =	ssyncset.s32 @!p0 $0xFFFFF086;
	s6 =	sadd.s32 @!p0 s3, s7;
	s7 =	simm.s32 @!p0 $0x108  }
0x21: {  	s3 =	sadd.s32 s3, s9;
	s6 =	sadd.s32 @!p0 $0x88, s6;
	s7 =	simm.s32 @p2 $0x1082  }
0x22: {  	[simem:s7], [sflag:s8] =	dma.local @!p0 [hbm:s6], $0xF7A  }
0x23: {  	s9 =	sor.u32 $0xD0000000, s2;
	s6 =	simm.s32 $0x108;
	_ =	swait.ge @!p0 [sflag:s8], $0x0  }
0x24: {  	s3 =	sadd.s32 $0x88, s3;
	s6 =	simm.s32 @!p1 $0x1082;
	[sflag:s4] =	ssyncset.s32 $0xFFFFF086  }
0x25: {  	[simem:s6], [sflag:s4] =	dma.local [hbm:s3], $0xF7A  }
0x26: {  	[smem:$0x3F9D] =	sst s1;
	(tag) =	ssettag s2;
	_ =	strace s9  }
0x27: {  	s1 =	sld [smem:$0x3FAD]  }
0x28: {  	s2 =	sld [smem:$0x3FAE]  }
0x29: {  	s4 =	sld [smem:$0x3FB0]  }
0x2a: {  	p0 =	seq.s32 s5, $0x0;
	s5 =	sld [smem:$0x3FB1]  }
0x2b: {  	s6 =	sld [smem:$0x3FB2]  }
0x2c: {  	s7 =	sld [smem:$0x3FB3]  }
0x2d: {  	s3 =	simm.s32 $0x108;
	s8 =	sld [smem:$0x3FB4]  }
0x2e: {  	s3 =	simm.s32 @!p0 $0x1082;
	s9 =	sld [smem:$0x3FB5]  }
0x2f: {  	lr =	sadd.s32 s0, s3;
	s0 =	sld [smem:$0x3FAC]  }
0x30: {  	s3 =	sld [smem:$0x3FAF]  }
0x31: {  	[smem:$0x3FB8] =	sst s10  }
0x32: {  	s10 =	sld [smem:$0x3FB6];
	_ =	sdelay $0x3  }
0x33: {  	p0 =	seq.s32 s10, $0x1;
	s10 =	sld [smem:$0x3FB8];
	_ =	sdelay $0x3  }
0x34: {  	[smem:$0x3FB8] =	sst s10  }
0x35: {  	s10 =	sld [smem:$0x3FB7];
	_ =	sdelay $0x3  }
0x36: {  	p1 =	seq.s32 s10, $0x1;
	s10 =	sld [smem:$0x3FB8];
	_ =	sdelay $0x3  }
0x37: {  	[smem:$0x3FB8] =	sst s10  }
0x38: {  	s10 =	sld [smem:$0x3FB9]  }
0x39: {  	_ = 	snop;
	(pc) =	sbr.ind lr, $3  }
0x3a: {  	_ = 	snop  }
0x3b: {  	_ = 	snop  }
0x3c: {  	p2 =	seq.s32 s10, $0x1;
	s10 =	sld [smem:$0x3FB8]  }
0x3d: {  	_ =	shalt  }
0x3e: {  	_ =	shalt  }
0x3f: {  	_ =	shalt  }
0x40: {  	_ =	shalt  }
0x41: {  	_ =	shalt  }
0x42: {  	_ =	shalt  }
0x43: {  	_ =	shalt  }
0x44: {  	_ =	shalt  }
0x45: {  	_ =	shalt  }
0x46: {  	_ =	shalt  }
0x47: {  	_ =	shalt  }
0x48: {  	_ =	shalt  }
0x49: {  	_ =	shalt  }
0x4a: {  	_ =	shalt  }
0x4b: {  	_ =	shalt  }
0x4c: {  	_ =	shalt  }
0x4d: {  	_ =	shalt  }
0x4e: {  	_ =	shalt  }
0x4f: {  	_ =	shalt  }
0x50: {  	_ =	shalt  }
0x51: {  	_ =	shalt  }
0x52: {  	_ =	shalt  }
0x53: {  	_ =	shalt  }
0x54: {  	_ =	shalt  }
0x55: {  	_ =	shalt  }
0x56: {  	_ =	shalt  }
0x57: {  	_ =	shalt  }
0x58: {  	_ =	shalt  }
0x59: {  	_ =	shalt  }
0x5a: {  	_ =	shalt  }
0x5b: {  	_ =	shalt  }
0x5c: {  	_ =	shalt  }
0x5d: {  	_ =	shalt  }
0x5e: {  	_ =	shalt  }
0x5f: {  	_ =	shalt  }
0x60: {  	_ =	shalt  }
0x61: {  	_ =	shalt  }
0x62: {  	_ =	shalt  }
0x63: {  	_ =	shalt  }
0x64: {  	_ =	shalt  }
0x65: {  	_ =	shalt  }
0x66: {  	_ =	shalt  }
0x67: {  	_ =	shalt  }
0x68: {  	_ =	shalt  }
0x69: {  	_ =	shalt  }
0x6a: {  	_ =	shalt  }
0x6b: {  	_ =	shalt  }
0x6c: {  	_ =	shalt  }
0x6d: {  	_ =	shalt  }
0x6e: {  	_ =	shalt  }
0x6f: {  	_ =	shalt  }
0x70: {  	_ =	shalt  }
0x71: {  	_ =	shalt  }
0x72: {  	_ =	shalt  }
0x73: {  	_ =	shalt  }
0x74: {  	_ =	shalt  }
0x75: {  	_ =	shalt  }
0x76: {  	_ =	shalt  }
0x77: {  	_ =	shalt  }
0x78: {  	_ =	shalt  }
0x79: {  	_ =	shalt  }
0x7a: {  	_ =	shalt  }
0x7b: {  	_ =	shalt  }
0x7c: {  	_ =	shalt  }
0x7d: {  	_ =	shalt  }
0x7e: {  	_ =	shalt  }
0x7f: {  	_ =	shalt  }
0x80: {  	_ =	shalt  }
0x81: {  	_ =	shalt  }
0x82: {  	_ =	shalt  }
0x83: {  	_ =	shalt  }
0x84: {  	_ =	shalt  }
0x85: {  	_ =	shalt  }
0x86: {  	_ =	shalt  }
0x87: {  	_ =	shalt  }
.Lfunc_end0:
.L_simem_size_0:
called_computation_lowered:
.L_overlay_start_0:
0x88: {  	s2 =	sld [smem:$0x3FD9]  }
0x89: {  	s3 =	sld [smem:$0x3FFE];
	_ =	sdelay $0x1  }
0x8a: {  	s1 =	srdreg.scid  }
0x8b: {  	s0 =	sand.u32 $0x1, s1  }
0x8c: {  	s17 =	sshll.u32 s0, $0xA;
	s2 =	sadd.s32 s3, s2  }
0x8d: {  	s2 =	sadd.s32 s2, s17  }
0x8e: {  	[smem:$0x3FC4] =	sst s2  }
0x8f: {  	_ = 	snop  }
0x90: {  	s2 =	sld [smem:$0x3FD0];
	(tm) =	ssettm $0x1  }
0x91: {  	s18 =	sld [smem:$0x3FFB];
	_ =	sdelay $0x3  }
0x92: {  	_ =	strace s18  }
0x93: {  	s3 =	sld [smem:$0x3FFC];
	_ =	sdelay $0x3  }
0x94: {  	_ =	strace s3  }
0x95: {  	s3 =	sld [smem:$0x3FFD];
	_ =	sdelay $0x3  }
0x96: {  	_ =	strace s3  }
0x97: {  	_ =	strace $0x8FFFFFFF  }
0x98: {  	s19 =	sld [smem:$0x3FDB];
	_ =	sdelay $0x1  }
0x99: {  	s4 =	simm.s32 $_scs_section_size  }
0x9a: {  	s5 =	simm.s32 $_size__tile_overlayer_lowered;
	s6 =	simm.s32 $_tile_overlayer_lowered  }
0x9b: {  	s22 =	simm.s32 $0x1BFF;
	s21 =	sshll.u32 s6, $0x1;
	s3 =	sadd.s32 s4, s19  }
0x9c: {  	s7 =	simm.s32 $0x0;
	s20 =	sshll.u32 s5, $0x1;
	s5 =	sadd.s32 s21, s3  }
0x9d: {  	[timem:s7], [sflag:s22] =	dma.local [hbm:s5], s20  }
0x9e: {  	_ =	swait.ge [sflag:s22], s20  }
0x9f: {  	s4 =	ssub.s32 $0x0, s20;
	[sflag:s22] =	ssyncset.done $0x0  }
0xa0: {  	[sflag:s22] =	ssyncadd.s32 s4;
	_ =	sdelay $0x1  }
0xa1: {  	s23 =	simm.s32 $0x1B8B  }
0xa2: {  	_ =	swait.ge [sflag:s23], $0x1  }
0xa3: {  	[sflag:s23] =	ssyncset.done $0x0  }
0xa4: {  	s25 =	simm.s32 $0x1B8E;
	s24 =	sld [smem:$0x3FFE];
	[sflag:s23] =	ssyncadd.s32 $0xFFFFFFFF  }
0xa5: {  	s26 =	simm.s32 $execute0_lowered;
	[smem:$0x3FD2] =	sst s25  }
0xa6: {  	s5 =	sshll.u32 s26, $0x1;
	_ =	strace $0x80000046;
	[dreg:$0x1] =	wrdreg $0xFFFFFFFF  }
0xa7: {  	s28 =	simm.s32 $_size_execute0_lowered;
	s3 =	sadd.s32 s3, s5;
	[dreg:$0x0] =	wrdreg $0x0  }
0xa8: {  	s5 =	sshll.u32 s28, $0x1;
	[dreg:$0x2] =	wrdreg s3  }
0xa9: {  	[dreg:$0x3] =	wrdreg s5  }
0xaa: {  	[dreg:$0x4] =	wrdreg $0xC0  }
0xab: {  	_ =	task [dreg:s7], $0x5FFFF  }
0xac: {  	[dreg:$0x1] =	wrdreg $0xFFFFFFFF  }
0xad: {  	[dreg:$0x0] =	wrdreg $0x60  }
0xae: {  	[dreg:$0x2] =	wrdreg s24  }
0xaf: {  	[dreg:$0x3] =	wrdreg s2  }
0xb0: {  	[dreg:$0x4] =	wrdreg $0xC8800  }
0xb1: {  	[dreg:$0x5] =	wrdreg $0x9  }
0xb2: {  	_ =	task.clear_ibuf [dreg:s7], $0x6FFFF;
	_ =	strace $0x90000046  }
0xb3: {  	s29 =	simm.s32 $0x9;
	_ =	strace $0x80000048  }
0xb4: {  	_ =	swait.ge [sflag:s29], $0x1  }
0xb5: {  	[sflag:s29] =	ssyncadd.s32 $0xFFFFFFFF  }
0xb6: {  	_ =	strace $0x90000048  }
0xb7: {  	_ =	sfence  }
0xb8: {  	s30 =	sld [smem:$0x0];
	_ =	sdelay $0x2  }
0xb9: {  	s31 =	sshll.u32 s1, $0xD;
	s1 =	sshrl.u32 s1, $0x2  }
0xba: {  	s3 =	sand.u32 $0x4000, s31;
	s1 =	sadd.s32 s1, s30  }
0xbb: {  	s0 =	sor.u32 s3, s0;
	s1 =	sshll.u32 s1, $0x11  }
0xbc: {  	s0 =	sor.u32 s1, s0  }
0xbd: {  	s0 =	sadd.s32 $0x8F2B, s0  }
0xbe: {  	[sflag:s0] =	ssyncadd.remote.s32 $0x1  }
0xbf: {  	_ =	sfence.sel $0xFFFF  }
0xc0: {  	[dreg:$0x0] =	wrdreg $0xFFFFFFFF;
	(pc) =	sbr.abs _section_cstart, $3  }
0xc1: {  	[dreg:$0x1] =	wrdreg $0xFFFFFFFF  }
0xc2: {  	_ =	task.clear_ibuf [dreg:s7], $0x2FFFF;
	_ =	strace $0x9FFFFFFF  }
0xc3: {  	(tm) =	ssettm $0x7FFFFFFF  }
tec
execute0_lowered:
.L_overlay_start_1:
0x0: {  	(tag) =	ssettag $0x1  }
0x1: {  	s0 =	rddreg [dreg:$0x0]  }
0x2: {  	s2 =	rddreg [dreg:$0x1]  }
0x3: {  	s1 =	srdreg.scid;
	s11 =	stileid.u32  }
0x4: {  	s3 =	rddreg [dreg:$0x2];
	s4 =	simm.s32 $0x0;
	s1 =	sand.u32 $0x1, s1  }
0x5: {  	s29 =	simm.s32 $0x7;
	s30 =	simm.s32 $0x1460;
	s8 =	ssub.s32 $0x2, s1  }
0x6: {  	s31 =	simm.s32 $0x2900;
	s5 =	sshll.u32 s11, $0x1;
	s9 =	sshrl.u32 s8, $0x1  }
0x7: {  	[smem:$0x7FF] =	sst s4;
	s10 =	sshll.u32 s11, $0x10;
	s9 =	ssub.s32 s8, s9  }
0x8: {  	s6 =	sadd.s32 $0x2000, s0;
	s8 =	sadd.s32 s10, s3;
	s15 =	smax.u32 s9, $0x1  }
0x9: {  	_ =	strace $0x80000047;
	s16 =	sadd.s32 $0x1000, s8;
	[dreg:$0x7] =	wrdreg s15  }
0xa: {  	s14 =	sshll.u32 s11, $0xD;
	s17 =	sadd.s32 $0x2000, s8;
	[dreg:$0x8] =	wrdreg s16  }
0xb: {  	s11 =	simm.s32 $0x3;
	s18 =	sadd.s32 $0x3000, s8;
	[dreg:$0x9] =	wrdreg s17  }
0xc: {  	s5 =	sor.u32 s1, s5;
	s19 =	sadd.s32 $0x4000, s8;
	[dreg:$0xa] =	wrdreg s18  }
0xd: {  	p0 =	seq.s32 s1, $0x1;
	s20 =	sadd.s32 $0x5000, s8;
	[dreg:$0xb] =	wrdreg s19  }
0xe: {  	s1 =	simm.s32 $0x5200;
	s21 =	sadd.s32 $0x6000, s8;
	[dreg:$0xc] =	wrdreg s20  }
0xf: {  	s7 =	smul.u32 $0x3D20, s5;
	s22 =	sadd.s32 $0x7000, s8;
	[dreg:$0xd] =	wrdreg s21  }
0x10: {  	s5 =	sadd.s32 $0x3F200, s0;
	s23 =	sadd.s32 $0x8000, s8;
	[dreg:$0xe] =	wrdreg s22  }
0x11: {  	s10 =	simm.s32 $0x2;
	s24 =	sadd.s32 $0x9000, s8;
	[dreg:$0xf] =	wrdreg s23  }
0x12: {  	s7 =	sshrl.u32 s7, $0x3;
	s25 =	sadd.s32 $0xA000, s8;
	[dreg:$0x10] =	wrdreg s24  }
0x13: {  	s26 =	sadd.s32 $0xB000, s8;
	s28 =	sadd.s32 $0xF000, s8;
	[dreg:$0x11] =	wrdreg s25  }
0x14: {  	s9 =	simm.s32 $0x1;
	s7 =	sadd.s32 s7, s0;
	[dreg:$0x12] =	wrdreg s26  }
0x15: {  	s23 =	sadd.s32 $0xC000, s8;
	s25 =	sadd.s32 $0xD000, s8;
	s26 =	sadd.s32 $0xE000, s8  }
0x16: {  	s15 =	simm.s32 $0x6680;
	s16 =	simm.s32 $0x8F80;
	s17 =	simm.s32 $0x4  }
0x17: {  	s18 =	simm.s32 $0x5;
	s19 =	simm.s32 $0x6;
	s12 =	sadd.s32 $0x7C600, s7  }
0x18: {  	s13 =	sadd.s32 $0x7C88C, s7;
	s7 =	sadd.s32 $0x7CB18, s7;
	[dreg:$0x4] =	wrdreg s12  }
0x19: {  	s20 =	simm.s32 $0x0;
	[dreg:$0x6] =	wrdreg s7;
	s7 =	simm.s32 $0xABC00  }
0x1a: {  	[dreg:$0x5] =	wrdreg s13;
	s12 =	simm.s32 $0xA400;
	s7 =	simm.s32 @!p0 $0x8BC00  }
0x1b: {  	s13 =	simm.s32 $0x1480;
	s0 =	sadd.s32 s7, s0;
	s7 =	simm.s32 $0xB880  }
0x1c: {  	v0 =	vimm.s32 $0x1;
	v1 =	vimm.s32 $0x0;
	s24 =	sadd.s32 s0, s14;
	s0 =	simm.s32 $0x7B00;
	s14 =	simm.s32 $0x3D80  }
.LBB2_1:
0x1d: {  	s21 =	simm.s32 $0x0  }
.LBB2_2:
0x1e: {  	p0 =	sne.s32 s21, $0x5140  }
.Ltmp0:
0x1f: {  	_ = 	snop;
	(pc) =	sbr.rel @p0 .LBB2_2-.Ltmp0, $3  }
0x20: {  	_ =	sdelay $0x1  }
0x21: {  	s22 =	sshra.s32 s21, $0x2  }
0x22: {  	s21 =	sadd.s32 $0x40, s21;
	[tilespmem:s22+$0xA400] =	vst v0  }
0x23: {  	s21 =	simm.s32 $0x40;
	s22 =	simm.s32 $0x0  }
.LBB2_4:
0x24: {  	p0 =	sne.s32 s21, $0x3FC0;
	[tilespmem:s22+$0xB880] =	vst v1;
	s22 =	smov.u32 s21;
	s21 =	sadd.s32 $0x40, s21  }
.Ltmp1:
0x25: {  	(pc) =	sbr.rel @p0 .LBB2_4-.Ltmp1, $2  }
0x26: {  	_ =	sdelay $0x2  }
0x27: {  	s22 =	sshra.s32 s22, $0x2  }
0x28: {  	[tilespmem:s22+$0xB880] =	vst v1;
	s21 =	rddreg [dreg:$0x4]  }
0x29: {  	[tilespmem:s4], [sflag:$0x7] =	stream.linear.gather [hbm4b:s21+s4], $0x1460, $0x38;
	[tilespmem:$0x1C880] =	vst v63  }
0x2a: {  	_ =	swait.ge [sflag:s29], $0x1460  }
0x2b: {  	[sflag:s29] =	ssyncset.done $0x0  }
0x2c: {  	[sflag:s29] =	ssyncadd.s32 $0xFFFFEBA0  }
0x2d: {  	[tilespmem:s31], [sflag:$0x1] =	stream.indirect.gather [hbm4b:s5+s30], $0x1, s4, s30, $0xb8;
	[tilespmem:$0x1C880] =	vst v63  }
0x2e: {  	_ = 	snop  }
0x2f: {  	[tilespmem:s1], [sflag:$0x2] =	stream.indirect.gather [hbm4b:s6+s30], $0x1, s4, s30, $0xb8;
	[tilespmem:$0x1C880] =	vst v63  }
0x30: {  	_ = 	snop  }
0x31: {  	[tilespmem:s0], [sflag:$0x3] =	stream.indirect.gather [hbm4b:s2+s30], $0x1, s4, s30, $0xb8;
	[tilespmem:$0x1C880] =	vst v63  }
0x32: {  	_ = 	snop  }
0x33: {  	[spmem:s8] =	stream.linear.scatter [tilespmem:s7], [sflag:$0x7], $0x1000, $0x38;
	[tilespmem:$0x1C880] =	vst v63  }
0x34: {  	_ =	swait.ge [sflag:s29], $0x1000  }
0x35: {  	[sflag:s29] =	ssyncset.done $0x0  }
0x36: {  	s22 =	rddreg [dreg:$0x8];
	[sflag:s29] =	ssyncadd.s32 $0xFFFFF000  }
0x37: {  	[spmem:s22] =	stream.linear.scatter [tilespmem:s7], [sflag:$0x7], $0x1000, $0x38;
	[tilespmem:$0x1C880] =	vst v63  }
0x38: {  	_ =	swait.ge [sflag:s29], $0x1000  }
0x39: {  	[sflag:s29] =	ssyncset.done $0x0  }
0x3a: {  	s22 =	rddreg [dreg:$0x9];
	[sflag:s29] =	ssyncadd.s32 $0xFFFFF000  }
0x3b: {  	[spmem:s22] =	stream.linear.scatter [tilespmem:s7], [sflag:$0x7], $0x1000, $0x38;
	[tilespmem:$0x1C880] =	vst v63  }
0x3c: {  	_ =	swait.ge [sflag:s29], $0x1000  }
0x3d: {  	[sflag:s29] =	ssyncset.done $0x0  }
0x3e: {  	s22 =	rddreg [dreg:$0xa];
	[sflag:s29] =	ssyncadd.s32 $0xFFFFF000  }
0x3f: {  	[spmem:s22] =	stream.linear.scatter [tilespmem:s7], [sflag:$0x7], $0x1000, $0x38;
	[tilespmem:$0x1C880] =	vst v63  }
0x40: {  	_ =	swait.ge [sflag:s29], $0x1000  }
0x41: {  	[sflag:s29] =	ssyncset.done $0x0  }
0x42: {  	s22 =	rddreg [dreg:$0xb];
	[sflag:s29] =	ssyncadd.s32 $0xFFFFF000  }
0x43: {  	[spmem:s22] =	stream.linear.scatter [tilespmem:s7], [sflag:$0x7], $0x1000, $0x38;
	[tilespmem:$0x1C880] =	vst v63  }
0x44: {  	_ =	swait.ge [sflag:s29], $0x1000  }
0x45: {  	[sflag:s29] =	ssyncset.done $0x0  }
0x46: {  	s22 =	rddreg [dreg:$0xc];
	[sflag:s29] =	ssyncadd.s32 $0xFFFFF000  }
0x47: {  	[spmem:s22] =	stream.linear.scatter [tilespmem:s7], [sflag:$0x7], $0x1000, $0x38;
	[tilespmem:$0x1C880] =	vst v63  }
0x48: {  	_ =	swait.ge [sflag:s29], $0x1000  }
0x49: {  	[sflag:s29] =	ssyncset.done $0x0  }
0x4a: {  	s22 =	rddreg [dreg:$0xd];
	[sflag:s29] =	ssyncadd.s32 $0xFFFFF000  }
0x4b: {  	[spmem:s22] =	stream.linear.scatter [tilespmem:s7], [sflag:$0x7], $0x1000, $0x38;
	[tilespmem:$0x1C880] =	vst v63  }
0x4c: {  	_ =	swait.ge [sflag:s29], $0x1000  }
0x4d: {  	[sflag:s29] =	ssyncset.done $0x0  }
0x4e: {  	s22 =	rddreg [dreg:$0xe];
	[sflag:s29] =	ssyncadd.s32 $0xFFFFF000  }
0x4f: {  	[spmem:s22] =	stream.linear.scatter [tilespmem:s7], [sflag:$0x7], $0x1000, $0x38;
	[tilespmem:$0x1C880] =	vst v63  }
0x50: {  	_ =	swait.ge [sflag:s29], $0x1000  }
0x51: {  	[sflag:s29] =	ssyncset.done $0x0  }
0x52: {  	s22 =	rddreg [dreg:$0xf];
	[sflag:s29] =	ssyncadd.s32 $0xFFFFF000  }
0x53: {  	[spmem:s22] =	stream.linear.scatter [tilespmem:s7], [sflag:$0x7], $0x1000, $0x38;
	[tilespmem:$0x1C880] =	vst v63  }
0x54: {  	_ =	swait.ge [sflag:s29], $0x1000  }
0x55: {  	[sflag:s29] =	ssyncset.done $0x0  }
0x56: {  	s22 =	rddreg [dreg:$0x10];
	[sflag:s29] =	ssyncadd.s32 $0xFFFFF000  }
0x57: {  	[spmem:s22] =	stream.linear.scatter [tilespmem:s7], [sflag:$0x7], $0x1000, $0x38;
	[tilespmem:$0x1C880] =	vst v63  }
0x58: {  	_ =	swait.ge [sflag:s29], $0x1000  }
0x59: {  	[sflag:s29] =	ssyncset.done $0x0  }
0x5a: {  	s22 =	rddreg [dreg:$0x11];
	[sflag:s29] =	ssyncadd.s32 $0xFFFFF000  }
0x5b: {  	[spmem:s22] =	stream.linear.scatter [tilespmem:s7], [sflag:$0x7], $0x1000, $0x38;
	[tilespmem:$0x1C880] =	vst v63  }
0x5c: {  	_ =	swait.ge [sflag:s29], $0x1000  }
0x5d: {  	[sflag:s29] =	ssyncset.done $0x0  }
0x5e: {  	s22 =	rddreg [dreg:$0x12];
	[sflag:s29] =	ssyncadd.s32 $0xFFFFF000  }
0x5f: {  	[spmem:s22] =	stream.linear.scatter [tilespmem:s7], [sflag:$0x7], $0x1000, $0x38;
	[tilespmem:$0x1C880] =	vst v63  }
0x60: {  	_ =	swait.ge [sflag:s29], $0x1000  }
0x61: {  	[sflag:s29] =	ssyncset.done $0x0  }
0x62: {  	[sflag:s29] =	ssyncadd.s32 $0xFFFFF000  }
0x63: {  	[spmem:s23] =	stream.linear.scatter [tilespmem:s7], [sflag:$0x7], $0x1000, $0x38;
	[tilespmem:$0x1C880] =	vst v63  }
0x64: {  	_ =	swait.ge [sflag:s29], $0x1000  }
0x65: {  	[sflag:s29] =	ssyncset.done $0x0  }
0x66: {  	[sflag:s29] =	ssyncadd.s32 $0xFFFFF000  }
0x67: {  	[spmem:s25] =	stream.linear.scatter [tilespmem:s7], [sflag:$0x7], $0x1000, $0x38;
	[tilespmem:$0x1C880] =	vst v63  }
0x68: {  	_ =	swait.ge [sflag:s29], $0x1000  }
0x69: {  	[sflag:s29] =	ssyncset.done $0x0  }
0x6a: {  	[sflag:s29] =	ssyncadd.s32 $0xFFFFF000  }
0x6b: {  	[spmem:s26] =	stream.linear.scatter [tilespmem:s7], [sflag:$0x7], $0x1000, $0x38;
	[tilespmem:$0x1C880] =	vst v63  }
0x6c: {  	_ =	swait.ge [sflag:s29], $0x1000  }
0x6d: {  	[sflag:s29] =	ssyncset.done $0x0  }
0x6e: {  	[sflag:s29] =	ssyncadd.s32 $0xFFFFF000  }
0x6f: {  	[spmem:s28] =	stream.linear.scatter [tilespmem:s7], [sflag:$0x7], $0x1000, $0x38;
	[tilespmem:$0x1C880] =	vst v63  }
0x70: {  	_ =	swait.ge [sflag:s29], $0x1000  }
0x71: {  	[sflag:s29] =	ssyncset.done $0x0  }
0x72: {  	[sflag:s29] =	ssyncadd.s32 $0xFFFFF000  }
0x73: {  	[bflag:$0x0] =	sbarrier.arrive $0xFFFF  }
0x74: {  	_ =	swait.ge [sflag:s9], $0x1460  }
0x75: {  	[sflag:s9] =	ssyncset.done $0x0  }
0x76: {  	[sflag:s9] =	ssyncadd.s32 $0xFFFFEBA0  }
0x77: {  	_ =	swait.ge [sflag:s10], $0x1460  }
0x78: {  	[sflag:s10] =	ssyncset.done $0x0  }
0x79: {  	[sflag:s10] =	ssyncadd.s32 $0xFFFFEBA0  }
0x7a: {  	_ =	swait.ge [sflag:s11], $0x1460  }
0x7b: {  	[sflag:s11] =	ssyncset.done $0x0  }
0x7c: {  	[sflag:s11] =	ssyncadd.s32 $0xFFFFEBA0  }
0x7d: {  	[spmem:s3] =	stream.indirect.scatter [tilespmem:s12], [sflag:$0x4], $0x1, s31, s30, $0xb8;
	[tilespmem:$0x1C880] =	vst v63  }
0x7e: {  	_ = 	snop  }
0x7f: {  	[spmem:s3] =	stream.indirect.scatter [tilespmem:s12], [sflag:$0x5], $0x1, s1, s30, $0xb8;
	[tilespmem:$0x1C880] =	vst v63  }
0x80: {  	_ = 	snop  }
0x81: {  	[spmem:s3] =	stream.indirect.scatter [tilespmem:s12], [sflag:$0x6], $0x1, s0, s30, $0xb8;
	[tilespmem:$0x1C880] =	vst v63  }
0x82: {  	s22 =	rddreg [dreg:$0x5]  }
0x83: {  	[tilespmem:s13], [sflag:$0x7] =	stream.linear.gather [hbm4b:s22+s4], $0x1460, $0x38;
	[tilespmem:$0x1C880] =	vst v63  }
0x84: {  	_ =	swait.ge [sflag:s29], $0x1460  }
0x85: {  	[sflag:s29] =	ssyncset.done $0x0  }
0x86: {  	[sflag:s29] =	ssyncadd.s32 $0xFFFFEBA0  }
0x87: {  	[tilespmem:s14], [sflag:$0x1] =	stream.indirect.gather [hbm4b:s5+s30], $0x1, s13, s30, $0xb8;
	[tilespmem:$0x1C880] =	vst v63  }
0x88: {  	_ = 	snop  }
0x89: {  	[tilespmem:s15], [sflag:$0x2] =	stream.indirect.gather [hbm4b:s6+s30], $0x1, s13, s30, $0xb8;
	[tilespmem:$0x1C880] =	vst v63  }
0x8a: {  	_ = 	snop  }
0x8b: {  	[tilespmem:s16], [sflag:$0x3] =	stream.indirect.gather [hbm4b:s2+s30], $0x1, s13, s30, $0xb8;
	[tilespmem:$0x1C880] =	vst v63  }
0x8c: {  	_ =	swait.ge [sflag:s9], $0x1460  }
0x8d: {  	[sflag:s9] =	ssyncset.done $0x0  }
0x8e: {  	[sflag:s9] =	ssyncadd.s32 $0xFFFFEBA0  }
0x8f: {  	_ =	swait.ge [sflag:s10], $0x1460  }
0x90: {  	[sflag:s10] =	ssyncset.done $0x0  }
0x91: {  	[sflag:s10] =	ssyncadd.s32 $0xFFFFEBA0  }
0x92: {  	_ =	swait.ge [sflag:s11], $0x1460  }
0x93: {  	[sflag:s11] =	ssyncset.done $0x0  }
0x94: {  	[sflag:s11] =	ssyncadd.s32 $0xFFFFEBA0  }
0x95: {  	_ =	swait.ge [sflag:s17], $0x1460  }
0x96: {  	[sflag:s17] =	ssyncset.done $0x0  }
0x97: {  	[sflag:s17] =	ssyncadd.s32 $0xFFFFEBA0  }
0x98: {  	_ =	swait.ge [sflag:s18], $0x1460  }
0x99: {  	[sflag:s18] =	ssyncset.done $0x0  }
0x9a: {  	[sflag:s18] =	ssyncadd.s32 $0xFFFFEBA0  }
0x9b: {  	_ =	swait.ge [sflag:s19], $0x1460  }
0x9c: {  	[sflag:s19] =	ssyncset.done $0x0  }
0x9d: {  	[sflag:s19] =	ssyncadd.s32 $0xFFFFEBA0  }
0x9e: {  	[spmem:s3] =	stream.indirect.scatter [tilespmem:s12], [sflag:$0x4], $0x1, s14, s30, $0xb8;
	[tilespmem:$0x1C880] =	vst v63  }
0x9f: {  	_ = 	snop  }
0xa0: {  	[spmem:s3] =	stream.indirect.scatter [tilespmem:s12], [sflag:$0x5], $0x1, s15, s30, $0xb8;
	[tilespmem:$0x1C880] =	vst v63  }
0xa1: {  	_ = 	snop  }
0xa2: {  	[spmem:s3] =	stream.indirect.scatter [tilespmem:s12], [sflag:$0x6], $0x1, s16, s30, $0xb8;
	[tilespmem:$0x1C880] =	vst v63  }
0xa3: {  	s22 =	rddreg [dreg:$0x6]  }
0xa4: {  	[tilespmem:s4], [sflag:$0x7] =	stream.linear.gather [hbm4b:s22+s4], $0x1460, $0x38;
	[tilespmem:$0x1C880] =	vst v63  }
0xa5: {  	_ =	swait.ge [sflag:s29], $0x1460  }
0xa6: {  	[sflag:s29] =	ssyncset.done $0x0  }
0xa7: {  	[sflag:s29] =	ssyncadd.s32 $0xFFFFEBA0  }
0xa8: {  	[tilespmem:s31], [sflag:$0x1] =	stream.indirect.gather [hbm4b:s5+s30], $0x1, s4, s30, $0xb8;
	[tilespmem:$0x1C880] =	vst v63  }
0xa9: {  	_ = 	snop  }
0xaa: {  	[tilespmem:s1], [sflag:$0x2] =	stream.indirect.gather [hbm4b:s6+s30], $0x1, s4, s30, $0xb8;
	[tilespmem:$0x1C880] =	vst v63  }
0xab: {  	_ = 	snop  }
0xac: {  	[tilespmem:s0], [sflag:$0x3] =	stream.indirect.gather [hbm4b:s2+s30], $0x1, s4, s30, $0xb8;
	[tilespmem:$0x1C880] =	vst v63  }
0xad: {  	_ =	swait.ge [sflag:s9], $0x1460  }
0xae: {  	[sflag:s9] =	ssyncset.done $0x0  }
0xaf: {  	[sflag:s9] =	ssyncadd.s32 $0xFFFFEBA0  }
0xb0: {  	_ =	swait.ge [sflag:s10], $0x1460  }
0xb1: {  	[sflag:s10] =	ssyncset.done $0x0  }
0xb2: {  	[sflag:s10] =	ssyncadd.s32 $0xFFFFEBA0  }
0xb3: {  	_ =	swait.ge [sflag:s11], $0x1460  }
0xb4: {  	[sflag:s11] =	ssyncset.done $0x0  }
0xb5: {  	[sflag:s11] =	ssyncadd.s32 $0xFFFFEBA0  }
0xb6: {  	_ =	swait.ge [sflag:s17], $0x1460  }
0xb7: {  	[sflag:s17] =	ssyncset.done $0x0  }
0xb8: {  	[sflag:s17] =	ssyncadd.s32 $0xFFFFEBA0  }
0xb9: {  	_ =	swait.ge [sflag:s18], $0x1460  }
0xba: {  	[sflag:s18] =	ssyncset.done $0x0  }
0xbb: {  	[sflag:s18] =	ssyncadd.s32 $0xFFFFEBA0  }
0xbc: {  	_ =	swait.ge [sflag:s19], $0x1460  }
0xbd: {  	[sflag:s19] =	ssyncset.done $0x0  }
0xbe: {  	[sflag:s19] =	ssyncadd.s32 $0xFFFFEBA0  }
0xbf: {  	[spmem:s3] =	stream.indirect.scatter [tilespmem:s12], [sflag:$0x4], $0x1, s31, s30, $0xb8;
	[tilespmem:$0x1C880] =	vst v63  }
0xc0: {  	_ = 	snop  }
0xc1: {  	[spmem:s3] =	stream.indirect.scatter [tilespmem:s12], [sflag:$0x5], $0x1, s1, s30, $0xb8;
	[tilespmem:$0x1C880] =	vst v63  }
0xc2: {  	_ = 	snop  }
0xc3: {  	[spmem:s3] =	stream.indirect.scatter [tilespmem:s12], [sflag:$0x6], $0x1, s0, s30, $0xb8;
	[tilespmem:$0x1C880] =	vst v63  }
0xc4: {  	_ =	swait.ge [sflag:s17], $0x1460  }
0xc5: {  	[sflag:s17] =	ssyncset.done $0x0  }
0xc6: {  	[sflag:s17] =	ssyncadd.s32 $0xFFFFEBA0  }
0xc7: {  	_ =	swait.ge [sflag:s18], $0x1460  }
0xc8: {  	[sflag:s18] =	ssyncset.done $0x0  }
0xc9: {  	[sflag:s18] =	ssyncadd.s32 $0xFFFFEBA0  }
0xca: {  	_ =	swait.ge [sflag:s19], $0x1460  }
0xcb: {  	s22 =	stileid.u32;
	[sflag:s19] =	ssyncset.done $0x0  }
0xcc: {  	s21 =	sshll.u32 s22, $0x6;
	[sflag:s19] =	ssyncadd.s32 $0xFFFFEBA0  }
0xcd: {  	s22 =	sshrl.u32 s8, $0x3;
	s21 =	sor.u32 $0x1C07, s21;
	[bflag:$0x0] =	sbarrier.arrive $0xFFFF  }
0xce: {  	[hbm:s24], [sflag:s21] =	dma.local [spmem:s22], $0x2000  }
0xcf: {  	_ =	swait.ge [sflag:s29], $0x2000  }
0xd0: {  	s20 =	sadd.s32 $0x1, s20;
	s22 =	rddreg [dreg:$0x7]  }
0xd1: {  	p0 =	sne.s32 s20, s22  }
.Ltmp2:
0xd2: {  	_ = 	snop;
	(pc) =	sbr.rel @p0 .LBB2_1-.Ltmp2, $3  }
0xd3: {  	_ =	sdelay $0x1  }
0xd4: {  	[sflag:s29] =	ssyncset.done $0x0  }
0xd5: {  	[sflag:s29] =	ssyncadd.s32 $0xFFFFE000  }
0xd6: {  	_ =	sfence.sel $0x180000  }
0xd7: {  	[bflag:$0x0] =	sbarrier.arrive $0xFFFF  }
0xd8: {  	_ =	strace $0x90000047  }
0xd9: {  	s0 =	stileid.u32;
	[bflag:$0x2] =	sbarrier.arrive $0xFFFF  }
0xda: {  	p0 =	sne.s32 s0, $0x0;
	s0 =	rddreg [dreg:$0x3]  }
0xdb: {  	s0 =	sadd.s32 @!p0 $0x100000, s0  }
0xdc: {  	[sflag:s0] =	ssyncadd.tile.s32 @!p0 $0x1;
	_ =	shalt  }
.Lfunc_end2:
_tile_overlayer_lowered:
.L_overlay_start_2:
0xdd: {  	(tag) =	ssettag $0x2  }
0xde: {  	s0 =	rddreg [dreg:$0x0];
	s2 =	stileid.u32  }
0xdf: {  	s1 =	rddreg [dreg:$0x1];
	p0 =	sne.s32 s2, $0x0  }
0xe0: {  	s3 =	rddreg [dreg:$0x2];
	[bflag:$0x3] =	sbarrier.arrive $0xFFFF;
	s2 =	simm.s32 @!p0 $0x1C07  }
0xe1: {  	[timem:s3], [sflag:s2] =	dma.local @!p0 [hbm:s0], s1  }
0xe2: {  	s0 =	simm.s32 @!p0 $0x7  }
0xe3: {  	_ =	swait.ge @!p0 [sflag:s0], s1  }
0xe4: {  	s1 =	ssub.s32 @!p0 $0x0, s1;
	[sflag:s0] =	ssyncset.done @!p0 $0x0  }
0xe5: {  	[sflag:s0] =	ssyncadd.s32 @!p0 s1  }
0xe6: {  	[bflag:$0x3] =	sbarrier.arrive $0xFFFF  }
0xe7: {  	_ =	shalt  }

// kernel: kernel.8.cloned.1.call-start
scs
__scs_entry_jumppad:
0x0: {  	(pc) =	sbr.rel $0x88, $3  }
0x1: {  	(tag) =	ssettag $0x0;
	lr =	simm.s32 $0x1  }
0x2: {  	[smem:$0x3F9D] =	sst lr;
	_ =	strace $0xD0000000  }
0x3: {  	_ = 	snop  }
0x4: {  	_ = 	snop  }
0x5: {  	_ = 	snop  }
0x6: {  	_ = 	snop  }
0x7: {  	_ = 	snop  }
__scs_overlays_trampoline_lowered:
0x8: {  	[smem:$0x3FAC] =	sst s0  }
0x9: {  	[smem:$0x3FAD] =	sst s1  }
0xa: {  	[smem:$0x3FAE] =	sst s2  }
0xb: {  	[smem:$0x3FAF] =	sst s3  }
0xc: {  	[smem:$0x3FB0] =	sst s4  }
0xd: {  	[smem:$0x3FB1] =	sst s5  }
0xe: {  	[smem:$0x3FB2] =	sst s6  }
0xf: {  	[smem:$0x3FB3] =	sst s7  }
0x10: {  	[smem:$0x3FB4] =	sst s8  }
0x11: {  	[smem:$0x3FB5] =	sst s9;
	s0 =	simm.s32 @!p0 $0x0  }
0x12: {  	s1 =	sld [smem:$0x3F9B];
	s0 =	simm.s32 @p0 $0x1  }
0x13: {  	[smem:$0x3FB6] =	sst s0;
	s0 =	simm.s32 @!p1 $0x0  }
0x14: {  	s2 =	sld [smem:$0x3F9A];
	s0 =	simm.s32 @p1 $0x1  }
0x15: {  	[smem:$0x3FB7] =	sst s0;
	s0 =	simm.s32 @!p2 $0x0  }
0x16: {  	s3 =	sld [smem:$0x3FDB];
	s0 =	simm.s32 @p2 $0x1  }
0x17: {  	s4 =	simm.s32 $0x1BF5;
	[smem:$0x3FB9] =	sst s0  }
0x18: {  	s0 =	sld [smem:$0x3F9C];
	_ =	swait.ge [sflag:s4], $0x0  }
0x19: {  	s7 =	sld [smem:$0x3F9D]  }
0x1a: {  	s8 =	sadd.s32 $0xFFFFE003, lr  }
0x1b: {  	s9 =	sadd.s32 $0xFFFFFEF7, lr;
	s5 =	simm.s32 $0xFFFFFFFF;
	p2 =	slt.u32 s8, $0xFFFFF086  }
0x1c: {  	p1 =	slt.u32 s9, $0xF7A;
	s5 =	simm.s32 @!p2 $0x0  }
0x1d: {  	s5 =	simm.s32 @p1 $0x1;
	p0 =	seq.s32 s7, s2  }
0x1e: {  	s7 =	smul.u32 @!p0 $0xF7A, s2;
	p2 =	seq.s32 @!p0 s5, $0x0  }
0x1f: {  	s9 =	smul.u32 $0xF7A, s1;
	s8 =	simm.s32 @!p0 $0x1BF5;
	p2 =	por !p2, p0  }
0x20: {  	[sflag:s8] =	ssyncset.s32 @!p0 $0xFFFFF086;
	s6 =	sadd.s32 @!p0 s3, s7;
	s7 =	simm.s32 @!p0 $0x108  }
0x21: {  	s3 =	sadd.s32 s3, s9;
	s6 =	sadd.s32 @!p0 $0x88, s6;
	s7 =	simm.s32 @p2 $0x1082  }
0x22: {  	[simem:s7], [sflag:s8] =	dma.local @!p0 [hbm:s6], $0xF7A  }
0x23: {  	s9 =	sor.u32 $0xD0000000, s2;
	s6 =	simm.s32 $0x108;
	_ =	swait.ge @!p0 [sflag:s8], $0x0  }
0x24: {  	s3 =	sadd.s32 $0x88, s3;
	s6 =	simm.s32 @!p1 $0x1082;
	[sflag:s4] =	ssyncset.s32 $0xFFFFF086  }
0x25: {  	[simem:s6], [sflag:s4] =	dma.local [hbm:s3], $0xF7A  }
0x26: {  	[smem:$0x3F9D] =	sst s1;
	(tag) =	ssettag s2;
	_ =	strace s9  }
0x27: {  	s1 =	sld [smem:$0x3FAD]  }
0x28: {  	s2 =	sld [smem:$0x3FAE]  }
0x29: {  	s4 =	sld [smem:$0x3FB0]  }
0x2a: {  	p0 =	seq.s32 s5, $0x0;
	s5 =	sld [smem:$0x3FB1]  }
0x2b: {  	s6 =	sld [smem:$0x3FB2]  }
0x2c: {  	s7 =	sld [smem:$0x3FB3]  }
0x2d: {  	s3 =	simm.s32 $0x108;
	s8 =	sld [smem:$0x3FB4]  }
0x2e: {  	s3 =	simm.s32 @!p0 $0x1082;
	s9 =	sld [smem:$0x3FB5]  }
0x2f: {  	lr =	sadd.s32 s0, s3;
	s0 =	sld [smem:$0x3FAC]  }
0x30: {  	s3 =	sld [smem:$0x3FAF]  }
0x31: {  	[smem:$0x3FB8] =	sst s10  }
0x32: {  	s10 =	sld [smem:$0x3FB6];
	_ =	sdelay $0x3  }
0x33: {  	p0 =	seq.s32 s10, $0x1;
	s10 =	sld [smem:$0x3FB8];
	_ =	sdelay $0x3  }
0x34: {  	[smem:$0x3FB8] =	sst s10  }
0x35: {  	s10 =	sld [smem:$0x3FB7];
	_ =	sdelay $0x3  }
0x36: {  	p1 =	seq.s32 s10, $0x1;
	s10 =	sld [smem:$0x3FB8];
	_ =	sdelay $0x3  }
0x37: {  	[smem:$0x3FB8] =	sst s10  }
0x38: {  	s10 =	sld [smem:$0x3FB9]  }
0x39: {  	_ = 	snop;
	(pc) =	sbr.ind lr, $3  }
0x3a: {  	_ = 	snop  }
0x3b: {  	_ = 	snop  }
0x3c: {  	p2 =	seq.s32 s10, $0x1;
	s10 =	sld [smem:$0x3FB8]  }
0x3d: {  	_ =	shalt  }
0x3e: {  	_ =	shalt  }
0x3f: {  	_ =	shalt  }
0x40: {  	_ =	shalt  }
0x41: {  	_ =	shalt  }
0x42: {  	_ =	shalt  }
0x43: {  	_ =	shalt  }
0x44: {  	_ =	shalt  }
0x45: {  	_ =	shalt  }
0x46: {  	_ =	shalt  }
0x47: {  	_ =	shalt  }
0x48: {  	_ =	shalt  }
0x49: {  	_ =	shalt  }
0x4a: {  	_ =	shalt  }
0x4b: {  	_ =	shalt  }
0x4c: {  	_ =	shalt  }
0x4d: {  	_ =	shalt  }
0x4e: {  	_ =	shalt  }
0x4f: {  	_ =	shalt  }
0x50: {  	_ =	shalt  }
0x51: {  	_ =	shalt  }
0x52: {  	_ =	shalt  }
0x53: {  	_ =	shalt  }
0x54: {  	_ =	shalt  }
0x55: {  	_ =	shalt  }
0x56: {  	_ =	shalt  }
0x57: {  	_ =	shalt  }
0x58: {  	_ =	shalt  }
0x59: {  	_ =	shalt  }
0x5a: {  	_ =	shalt  }
0x5b: {  	_ =	shalt  }
0x5c: {  	_ =	shalt  }
0x5d: {  	_ =	shalt  }
0x5e: {  	_ =	shalt  }
0x5f: {  	_ =	shalt  }
0x60: {  	_ =	shalt  }
0x61: {  	_ =	shalt  }
0x62: {  	_ =	shalt  }
0x63: {  	_ =	shalt  }
0x64: {  	_ =	shalt  }
0x65: {  	_ =	shalt  }
0x66: {  	_ =	shalt  }
0x67: {  	_ =	shalt  }
0x68: {  	_ =	shalt  }
0x69: {  	_ =	shalt  }
0x6a: {  	_ =	shalt  }
0x6b: {  	_ =	shalt  }
0x6c: {  	_ =	shalt  }
0x6d: {  	_ =	shalt  }
0x6e: {  	_ =	shalt  }
0x6f: {  	_ =	shalt  }
0x70: {  	_ =	shalt  }
0x71: {  	_ =	shalt  }
0x72: {  	_ =	shalt  }
0x73: {  	_ =	shalt  }
0x74: {  	_ =	shalt  }
0x75: {  	_ =	shalt  }
0x76: {  	_ =	shalt  }
0x77: {  	_ =	shalt  }
0x78: {  	_ =	shalt  }
0x79: {  	_ =	shalt  }
0x7a: {  	_ =	shalt  }
0x7b: {  	_ =	shalt  }
0x7c: {  	_ =	shalt  }
0x7d: {  	_ =	shalt  }
0x7e: {  	_ =	shalt  }
0x7f: {  	_ =	shalt  }
0x80: {  	_ =	shalt  }
0x81: {  	_ =	shalt  }
0x82: {  	_ =	shalt  }
0x83: {  	_ =	shalt  }
0x84: {  	_ =	shalt  }
0x85: {  	_ =	shalt  }
0x86: {  	_ =	shalt  }
0x87: {  	_ =	shalt  }
.Lfunc_end0:
.L_simem_size_0:
called_computation.1_lowered:
.L_overlay_start_0:
0x88: {  	s2 =	sld [smem:$0x3FD9]  }
0x89: {  	s3 =	sld [smem:$0x3FFE];
	_ =	sdelay $0x1  }
0x8a: {  	s1 =	srdreg.scid  }
0x8b: {  	s0 =	sand.u32 $0x1, s1  }
0x8c: {  	s16 =	sshll.u32 s0, $0xA;
	s2 =	sadd.s32 s3, s2  }
0x8d: {  	s2 =	sadd.s32 s2, s16  }
0x8e: {  	[smem:$0x3FC4] =	sst s2  }
0x8f: {  	_ = 	snop  }
0x90: {  	(tm) =	ssettm $0x1  }
0x91: {  	s17 =	sld [smem:$0x3FFB];
	_ =	sdelay $0x3  }
0x92: {  	_ =	strace s17  }
0x93: {  	s2 =	sld [smem:$0x3FFC];
	_ =	sdelay $0x3  }
0x94: {  	_ =	strace s2  }
0x95: {  	s2 =	sld [smem:$0x3FFD];
	_ =	sdelay $0x3  }
0x96: {  	_ =	strace s2  }
0x97: {  	_ =	strace $0x8FFFFFFF  }
0x98: {  	s18 =	sld [smem:$0x3FDB];
	_ =	sdelay $0x1  }
0x99: {  	s19 =	simm.s32 $_scs_section_size  }
0x9a: {  	s4 =	simm.s32 $_size__tile_overlayer_lowered;
	s5 =	simm.s32 $_tile_overlayer_lowered  }
0x9b: {  	s22 =	simm.s32 $0x1BFF;
	s21 =	sshll.u32 s5, $0x1;
	s2 =	sadd.s32 s19, s18  }
0x9c: {  	s6 =	simm.s32 $0x0;
	s20 =	sshll.u32 s4, $0x1;
	s4 =	sadd.s32 s21, s2  }
0x9d: {  	[timem:s6], [sflag:s22] =	dma.local [hbm:s4], s20  }
0x9e: {  	_ =	swait.ge [sflag:s22], s20  }
0x9f: {  	s3 =	ssub.s32 $0x0, s20;
	[sflag:s22] =	ssyncset.done $0x0  }
0xa0: {  	[sflag:s22] =	ssyncadd.s32 s3;
	_ =	sdelay $0x1  }
0xa1: {  	s23 =	simm.s32 $0x1B8B  }
0xa2: {  	_ =	swait.ge [sflag:s23], $0x1  }
0xa3: {  	[sflag:s23] =	ssyncset.done $0x0  }
0xa4: {  	s25 =	simm.s32 $0x1B8E;
	s24 =	sld [smem:$0x3FFE];
	[sflag:s23] =	ssyncadd.s32 $0xFFFFFFFF  }
0xa5: {  	s26 =	simm.s32 $execute0_lowered;
	[smem:$0x3FD2] =	sst s25  }
0xa6: {  	s4 =	sshll.u32 s26, $0x1;
	_ =	strace $0x80000049;
	[dreg:$0x1] =	wrdreg $0xFFFFFFFF  }
0xa7: {  	s28 =	simm.s32 $_size_execute0_lowered;
	s2 =	sadd.s32 s2, s4;
	[dreg:$0x0] =	wrdreg $0x0  }
0xa8: {  	s4 =	sshll.u32 s28, $0x1;
	[dreg:$0x2] =	wrdreg s2  }
0xa9: {  	[dreg:$0x3] =	wrdreg s4  }
0xaa: {  	[dreg:$0x4] =	wrdreg $0xC0  }
0xab: {  	_ =	task [dreg:s6], $0x5FFFF  }
0xac: {  	[dreg:$0x1] =	wrdreg $0xFFFFFFFF  }
0xad: {  	[dreg:$0x0] =	wrdreg $0x60  }
0xae: {  	[dreg:$0x2] =	wrdreg s24  }
0xaf: {  	[dreg:$0x3] =	wrdreg $0x9  }
0xb0: {  	_ =	task.clear_ibuf [dreg:s6], $0x4FFFF;
	_ =	strace $0x90000049  }
0xb1: {  	s29 =	simm.s32 $0x9;
	_ =	strace $0x8000004B  }
0xb2: {  	_ =	swait.ge [sflag:s29], $0x1  }
0xb3: {  	[sflag:s29] =	ssyncadd.s32 $0xFFFFFFFF  }
0xb4: {  	_ =	strace $0x9000004B  }
0xb5: {  	_ =	sfence  }
0xb6: {  	s30 =	sld [smem:$0x0];
	_ =	sdelay $0x2  }
0xb7: {  	s31 =	sshll.u32 s1, $0xD;
	s1 =	sshrl.u32 s1, $0x2  }
0xb8: {  	s3 =	sand.u32 $0x4000, s31;
	s1 =	sadd.s32 s1, s30  }
0xb9: {  	s0 =	sor.u32 s3, s0;
	s1 =	sshll.u32 s1, $0x11  }
0xba: {  	s0 =	sor.u32 s1, s0  }
0xbb: {  	s0 =	sadd.s32 $0x8F2B, s0  }
0xbc: {  	[sflag:s0] =	ssyncadd.remote.s32 $0x1  }
0xbd: {  	_ =	sfence.sel $0xFFFF  }
0xbe: {  	[dreg:$0x0] =	wrdreg $0xFFFFFFFF;
	(pc) =	sbr.abs _section_cstart, $3  }
0xbf: {  	[dreg:$0x1] =	wrdreg $0xFFFFFFFF  }
0xc0: {  	_ =	task.clear_ibuf [dreg:s6], $0x2FFFF;
	_ =	strace $0x9FFFFFFF  }
0xc1: {  	(tm) =	ssettm $0x7FFFFFFF  }
tec
execute0_lowered:
.L_overlay_start_1:
0x0: {  	(tag) =	ssettag $0x1  }
0x1: {  	s6 =	rddreg [dreg:$0x0]  }
0x2: {  	s0 =	rddreg [dreg:$0x1];
	s2 =	simm.s32 $0x0;
	s4 =	srdreg.scid  }
0x3: {  	s1 =	stileid.u32;
	s11 =	simm.s32 $0x800;
	s12 =	simm.s32 $0x1000  }
0x4: {  	s13 =	simm.s32 $0x1880;
	s14 =	simm.s32 $0x1800;
	s15 =	simm.s32 $0x0  }
0x5: {  	[smem:$0x7FF] =	sst s2;
	s5 =	sand.u32 $0x1, s4;
	s7 =	sshll.u32 s1, $0x1  }
0x6: {  	s3 =	sadd.s32 $0x8BC00, s6;
	s4 =	sadd.s32 $0xABC00, s6;
	s7 =	sor.u32 s5, s7  }
0x7: {  	_ =	strace $0x8000004A;
	s8 =	ssub.s32 $0x2, s5;
	s9 =	sshll.u32 s7, $0x4  }
0x8: {  	s5 =	sadd.s32 $0x2200, s6;
	s10 =	sshrl.u32 s8, $0x1;
	s9 =	sadd.s32 s9, s6  }
0x9: {  	s10 =	ssub.s32 s8, s10;
	s6 =	sshll.u32 s7, $0xC;
	s7 =	sadd.s32 $0x2000, s9  }
0xa: {  	v0 =	vlaneseq.u32;
	s8 =	sadd.s32 $0x22200, s9;
	s9 =	smax.u32 s10, $0x1;
	s10 =	simm.s32 $0x1  }
.LBB2_1:
0xb: {  	v2 =	vimm.s32 $0x0;
	v1 =	vimm.s32 $0x0;
	s16 =	simm.s32 $0x0  }
.LBB2_2:
0xc: {  	s17 =	sshll.u32 s16, $0x8  }
0xd: {  	s17 =	sadd.s32 s6, s17  }
0xe: {  	s19 =	simm.s32 $0x0;
	s18 =	sadd.s32 s3, s17  }
0xf: {  	[tilespmem:s19], [sflag:$0x1] =	stream.linear.gather [hbm4b:s18+s19], $0x800, $0x38;
	[tilespmem:$0x1900] =	vst v63  }
0x10: {  	_ =	swait.ge [sflag:s10], $0x800  }
0x11: {  	[sflag:s10] =	ssyncset.done $0x0  }
0x12: {  	s31 =	sadd.s32 s4, s17;
	[sflag:s10] =	ssyncadd.s32 $0xFFFFF800  }
0x13: {  	[tilespmem:s11], [sflag:$0x1] =	stream.linear.gather [hbm4b:s31+s19], $0x800, $0x38;
	[tilespmem:$0x1900] =	vst v63  }
0x14: {  	_ =	swait.ge [sflag:s10], $0x800  }
0x15: {  	[sflag:s10] =	ssyncset.done $0x0  }
0x16: {  	s18 =	simm.s32 $0x0;
	[sflag:s10] =	ssyncadd.s32 $0xFFFFF800  }
0x17: {  	v3 =	vld [tilespmem:s18+$0x0]  }
0x18: {  	s20 =	simm.s32 $0x0;
	v5 =	vimm.s32 $0x0;
	s19 =	simm.s32 $0x40;
	v4 =	vld [tilespmem:s18+$0x800]  }
.LBB2_3:
0x19: {  	p0 =	sne.s32 s19, $0x7C0  }
.Ltmp0:
0x1a: {  	_ = 	snop;
	(pc) =	sbr.rel @p0 .LBB2_3-.Ltmp0, $4  }
0x1b: {  	_ = 	snop  }
0x1c: {  	s21 =	sshra.s32 s19, $0x2  }
0x1d: {  	s19 =	sadd.s32 $0x40, s19;
	v6 =	vor.u32 v3, v4;
	v3 =	vld [tilespmem:s21+$0x0]  }
0x1e: {  	v4 =	vld [tilespmem:s21+$0x800];
	[tilespmem:s20+$0x1000] =	vst v6;
	v5 =	vadd.s32 v5, v6;
	s20 =	smov.u32 s21  }
0x1f: {  	_ =	sdelay $0x3  }
0x20: {  	v3 =	vor.u32 v3, v4  }
0x21: {  	[tilespmem:s20+$0x1000] =	vst v3  }
0x22: {  	v4 =	vld [tilespmem:s18+$0x200]  }
0x23: {  	s19 =	simm.s32 $0x40;
	v6 =	vimm.s32 $0x0;
	v3 =	vadd.s32 v5, v3;
	v5 =	vimm.s32 $0x0;
	v7 =	vld [tilespmem:s18+$0xA00]  }
.LBB2_5:
0x24: {  	p0 =	sne.s32 s19, $0x7C0  }
.Ltmp1:
0x25: {  	_ = 	snop;
	(pc) =	sbr.rel @p0 .LBB2_5-.Ltmp1, $4  }
0x26: {  	_ = 	snop  }
0x27: {  	s20 =	sshra.s32 s19, $0x2  }
0x28: {  	s19 =	sadd.s32 $0x40, s19;
	v8 =	vor.u32 v4, v7;
	v4 =	vld [tilespmem:s20+$0x200]  }
0x29: {  	v7 =	vld [tilespmem:s20+$0xA00];
	[tilespmem:s18+$0x1200] =	vst v8;
	v6 =	vadd.s32 v6, v8;
	s18 =	smov.u32 s20  }
0x2a: {  	_ =	sdelay $0x3  }
0x2b: {  	v4 =	vor.u32 v4, v7  }
0x2c: {  	[tilespmem:s18+$0x1200] =	vst v4;
	s18 =	simm.s32 $0x0  }
0x2d: {  	v7 =	vld [tilespmem:s18+$0x400]  }
0x2e: {  	s19 =	simm.s32 $0x40;
	s20 =	simm.s32 $0x0;
	v4 =	vadd.s32 v6, v4;
	v6 =	vld [tilespmem:s18+$0xC00]  }
.LBB2_7:
0x2f: {  	p0 =	sne.s32 s19, $0x7C0  }
.Ltmp2:
0x30: {  	_ = 	snop;
	(pc) =	sbr.rel @p0 .LBB2_7-.Ltmp2, $4  }
0x31: {  	_ = 	snop  }
0x32: {  	s21 =	sshra.s32 s19, $0x2  }
0x33: {  	s19 =	sadd.s32 $0x40, s19;
	v8 =	vor.u32 v7, v6;
	v7 =	vld [tilespmem:s21+$0x400]  }
0x34: {  	v6 =	vld [tilespmem:s21+$0xC00];
	[tilespmem:s20+$0x1400] =	vst v8;
	v5 =	vadd.s32 v5, v8;
	s20 =	smov.u32 s21  }
0x35: {  	_ =	sdelay $0x3  }
0x36: {  	v7 =	vor.u32 v7, v6  }
0x37: {  	[tilespmem:s20+$0x1400] =	vst v7  }
0x38: {  	v6 =	vld [tilespmem:s18+$0x600]  }
0x39: {  	s19 =	simm.s32 $0x40;
	v5 =	vadd.s32 v5, v7;
	v7 =	vimm.s32 $0x0;
	v8 =	vld [tilespmem:s18+$0xE00]  }
.LBB2_9:
0x3a: {  	p0 =	sne.s32 s19, $0x7C0  }
.Ltmp3:
0x3b: {  	_ = 	snop;
	(pc) =	sbr.rel @p0 .LBB2_9-.Ltmp3, $4  }
0x3c: {  	_ = 	snop  }
0x3d: {  	s20 =	sshra.s32 s19, $0x2  }
0x3e: {  	s19 =	sadd.s32 $0x40, s19;
	v9 =	vor.u32 v6, v8;
	v6 =	vld [tilespmem:s20+$0x600]  }
0x3f: {  	v8 =	vld [tilespmem:s20+$0xE00];
	[tilespmem:s18+$0x1600] =	vst v9;
	v7 =	vadd.s32 v7, v9;
	s18 =	smov.u32 s20  }
0x40: {  	_ =	sdelay $0x2  }
0x41: {  	(xrf0) =	vadd.scan.msk.s32 $0xffff, v3  }
0x42: {  	(xrf0) =	vadd.scan.msk.s32 $0xffff, v4;
	v6 =	vor.u32 v6, v8  }
0x43: {  	(xrf0) =	vadd.scan.msk.s32 $0xffff, v5;
	v7 =	vadd.s32 v7, v6  }
0x44: {  	s19 =	sshll.u32 s16, $0x2;
	(xrf0) =	vadd.scan.msk.s32 $0xffff, v7  }
0x45: {  	s31 =	sand.u32 $0x3, s16;
	s19 =	sand.u32 $0xC, s19  }
0x46: {  	s17 =	sadd.s32 s5, s17;
	p0 =	sne.s32 s31, $0x3;
	v9 =	vmov s19  }
0x47: {  	v1 =	vadd.s32 v1, v3;
	s20 =	sor.u32 $0x1, s19;
	s29 =	sor.u32 $0x2, s19;
	s30 =	sor.u32 $0x3, s19;
	vm0 =	veq.s32 v9, v0;
	[tilespmem:s18+$0x1600] =	vst v6;
	v55, _, _ =	vpop (xrf0)  }
0x48: {  	v57 =	vmov s20;
	v60 =	vmov s29;
	[hbm4b:s17+s2] =	stream.linear.scatter [tilespmem:s12], [sflag:$0x1], $0x800, $0x38;
	v8 =	vbroadcast v55, $0xF;
	v10, _, _ =	vpop (xrf0);
	[tilespmem:$0x1900] =	vst v63  }
0x49: {  	v63 =	vmov s30;
	vm13 =	veq.s32 v57, v0;
	s17 =	sshll.u32 @!p0 s16, $0x2;
	s16 =	sadd.s32 $0x1, s16;
	v58 =	vbroadcast v10, $0xF;
	v59, _, _ =	vpop (xrf0)  }
0x4a: {  	vm14 =	veq.s32 v60, v0;
	p1 =	sne.s32 s16, $0x10;
	v56 =	vnsel vm0, $0x0, v8;
	v61 =	vbroadcast v59, $0xF;
	v62, _, _ =	vpop (xrf0)  }
.Ltmp4:
0x4b: {  	v2 =	vadd.s32 v2, v56;
	v3 =	vnsel vm13, $0x0, v58;
	v9 =	vbroadcast v62, $0xF;
	(pc) =	sbr.rel @p1 .LBB2_2-.Ltmp4, $4  }
0x4c: {  	vm15 =	veq.s32 v63, v0;
	v2 =	vadd.s32 v3, v2;
	v3 =	vnsel vm14, $0x0, v61;
	_ =	swait.ge [sflag:s10], $0x800  }
0x4d: {  	v1 =	vadd.s32 v4, v1;
	v2 =	vadd.s32 v3, v2;
	[sflag:s10] =	ssyncset.done $0x0;
	v3 =	vnsel vm15, $0x0, v9  }
0x4e: {  	v1 =	vadd.s32 v5, v1;
	s17 =	sand.u32 @!p0 $0x30, s17;
	[sflag:s10] =	ssyncadd.s32 $0xFFFFF800;
	v2 =	vadd.s32 v3, v2  }
0x4f: {  	v1 =	vadd.s32 v7, v1;
	[tilespmem:s17+$0x1800] =	vst @!p0 v2;
	v2 =	vpsel !p0, $0x0, v2  }
0x50: {  	(xrf0) =	vadd.scan.msk.s32 $0xffff, v1;
	_ =	sdelay $0x5  }
0x51: {  	v1, _, _ =	vpop (xrf0)  }
0x52: {  	v1 =	vbroadcast v1, $0xF;
	_ =	sdelay $0x1  }
0x53: {  	[tilespmem:$0x1880] =	vst v1  }
0x54: {  	[hbm4b:s7+s2] =	stream.linear.scatter [tilespmem:s13], [sflag:$0x1], $0x80, $0x38;
	[tilespmem:$0x1900] =	vst v63  }
0x55: {  	s15 =	sadd.s32 $0x1, s15;
	_ =	swait.ge [sflag:s10], $0x80  }
0x56: {  	p0 =	sne.s32 s15, s9;
	[sflag:s10] =	ssyncset.done $0x0  }
.Ltmp5:
0x57: {  	[sflag:s10] =	ssyncadd.s32 $0xFFFFFF80;
	(pc) =	sbr.rel @p0 .LBB2_1-.Ltmp5, $4  }
0x58: {  	[hbm4b:s8+s2] =	stream.linear.scatter [tilespmem:s14], [sflag:$0x1], $0x80, $0x38;
	[tilespmem:$0x1900] =	vst v63  }
0x59: {  	_ =	swait.ge [sflag:s10], $0x80  }
0x5a: {  	[sflag:s10] =	ssyncset.done $0x0  }
0x5b: {  	[sflag:s10] =	ssyncadd.s32 $0xFFFFFF80  }
0x5c: {  	_ =	sfence.sel $0x180000  }
0x5d: {  	[bflag:$0x0] =	sbarrier.arrive $0xFFFF  }
0x5e: {  	p0 =	sne.s32 s1, $0x0;
	_ =	strace $0x9000004A  }
0x5f: {  	s0 =	sadd.s32 @!p0 $0x100000, s0;
	[bflag:$0x2] =	sbarrier.arrive $0xFFFF  }
0x60: {  	[sflag:s0] =	ssyncadd.tile.s32 @!p0 $0x1;
	_ =	shalt  }
.Lfunc_end2:
_tile_overlayer_lowered:
.L_overlay_start_2:
0x61: {  	(tag) =	ssettag $0x2  }
0x62: {  	s0 =	rddreg [dreg:$0x0];
	s2 =	stileid.u32  }
0x63: {  	s1 =	rddreg [dreg:$0x1];
	p0 =	sne.s32 s2, $0x0  }
0x64: {  	s3 =	rddreg [dreg:$0x2];
	[bflag:$0x3] =	sbarrier.arrive $0xFFFF;
	s2 =	simm.s32 @!p0 $0x1C01  }
0x65: {  	[timem:s3], [sflag:s2] =	dma.local @!p0 [hbm:s0], s1  }
0x66: {  	s0 =	simm.s32 @!p0 $0x1  }
0x67: {  	_ =	swait.ge @!p0 [sflag:s0], s1  }
0x68: {  	s1 =	ssub.s32 @!p0 $0x0, s1;
	[sflag:s0] =	ssyncset.done @!p0 $0x0  }
0x69: {  	[sflag:s0] =	ssyncadd.s32 @!p0 s1  }
0x6a: {  	[bflag:$0x3] =	sbarrier.arrive $0xFFFF  }
0x6b: {  	_ =	shalt  }

</sc_bundles>
